<compile_context>
chip_gen: v7x
topology: tpu7x:2x2x1
jax: 0.10.2.dev20260603
libtpu: 0.0.44.dev20260713+nightly
codegen_flags: <defaults>
</compile_context>

<pallas_src>
import functools

import jax
import jax.numpy as jnp
from jax import lax
from jax.experimental import pallas as pl
from jax.experimental.pallas import tpu as pltpu
from jax.experimental.pallas import tpu_sc as plsc

N = 1024
C = 256
D = 256
N_IT = 25
B = 8
NW = 32
RPW = (B * C) // NW


def _dot(a, b):
    return jax.lax.dot_general(
        a, b, (((1,), (0,)), ((), ())), preferred_element_type=jnp.float32
    )


def _centers_body(Wc_ref, b_ref, h_ref, cent_ref):
    f32 = jnp.float32
    h_b = h_ref[0]
    Wc = Wc_ref[...]
    bval = b_ref[0, 0]

    s_col = _dot(h_b, Wc) + bval

    s_row = jnp.transpose(s_col)
    ii = jax.lax.broadcasted_iota(jnp.int32, (N, N), 0)
    jj = jax.lax.broadcasted_iota(jnp.int32, (N, N), 1)

    M = (s_row < s_col) | ((s_row == s_col) & (jj < ii))
    rank_row = (N - 1.0) - jnp.sum(M.astype(f32), axis=0, keepdims=True)

    kcol = jax.lax.broadcasted_iota(jnp.int32, (C, 1), 0)
    targ = rank_row == (4.0 * kcol.astype(f32) + 2.0)
    cent0 = jnp.sum(jnp.where(targ, s_row, 0.0), axis=1, keepdims=True)

    m1 = jnp.sum(jnp.where(rank_row == 511.0, s_row, 0.0))
    m2 = jnp.sum(jnp.where(rank_row == 512.0, s_row, 0.0))
    med = (m1 + m2) * 0.5

    kk = jax.lax.broadcasted_iota(jnp.int32, (C, N), 0).astype(f32)
    jn = jax.lax.broadcasted_iota(jnp.int32, (C, N), 1).astype(f32)

    def assign_onehot(cent):
        d = jnp.abs(s_row - cent)
        dmin = jnp.min(d, axis=0, keepdims=True)
        amin = jnp.min(jnp.where(d == dmin, kk, float(C)), axis=0, keepdims=True)
        return amin == kk

    def step(cent):
        ohf = assign_onehot(cent).astype(f32)
        sums = _dot(ohf, s_col)
        counts = jnp.sum(ohf, axis=1, keepdims=True)
        return jnp.where(counts > 0, sums / jnp.maximum(counts, 1.0), cent)

    def cond(carry):
        i, _, fixed = carry
        return jnp.logical_and(i < N_IT, jnp.logical_not(fixed))

    def body(carry):
        i, cent, _ = carry
        new = step(cent)
        fixed = jnp.sum((new != cent).astype(f32)) == 0.0
        return (i + 1, new, fixed)

    _, cent, _ = jax.lax.while_loop(
        cond, body, (jnp.int32(0), cent0, jnp.bool_(False))
    )

    oh = assign_onehot(cent)
    ohf = oh.astype(f32)
    w_col = jax.nn.sigmoid(s_col)
    wsum = _dot(ohf, w_col)
    wnum = _dot(ohf, w_col * s_col)
    wmean = wnum / jnp.where(wsum > 0, wsum, 1.0)
    diff = jnp.where(oh, jnp.abs(s_row - wmean), jnp.inf)
    dmin2 = jnp.min(diff, axis=1, keepdims=True)
    centers = jnp.min(jnp.where(diff == dmin2, jn, float(N)), axis=1, keepdims=True)
    counts = jnp.sum(ohf, axis=1, keepdims=True)

    dmed = jnp.abs(s_row - med)
    mm = jnp.min(dmed)
    iN = jax.lax.broadcasted_iota(jnp.int32, (1, N), 1).astype(f32)
    med_idx = jnp.min(jnp.where(dmed == mm, iN, float(N)))
    centers = jnp.where(counts > 0, centers, med_idx)

    cent_ref[...] = centers.astype(jnp.int32).reshape(1, C, 1)


_sc_mesh = plsc.VectorSubcoreMesh(core_axis_name="c", subcore_axis_name="s")


@functools.partial(
    pl.kernel,
    mesh=_sc_mesh,
    compiler_params=pltpu.CompilerParams(needs_layout_passes=False),
    out_type=[
        jax.ShapeDtypeStruct((B * C, C), jnp.float32),
        jax.ShapeDtypeStruct((B * C, D), jnp.float32),
    ],
    scratch_types=[
        pltpu.VMEM((RPW,), jnp.int32),
        pltpu.VMEM((RPW,), jnp.int32),
        pltpu.VMEM((C,), jnp.int32),
        pltpu.VMEM((RPW, D), jnp.float32),
        pltpu.VMEM((RPW, N), jnp.float32),
        pltpu.VMEM((RPW, C), jnp.float32),
        pltpu.SemaphoreType.DMA,
        pltpu.SemaphoreType.DMA,
    ],
)
def _sc_gather(cent_hbm, h_hbm, g_hbm, newg_hbm, newh_hbm,
               cidx_v, ridx_v, cb_v, rowsh_v, rowsg_v, outg_v, sem1, sem2):
    i32 = jnp.int32
    wid = lax.axis_index("s") * 2 + lax.axis_index("c")
    base = wid * RPW
    batch = base // C
    pltpu.sync_copy(cent_hbm.at[pl.ds(base, RPW)], cidx_v)
    pltpu.sync_copy(cent_hbm.at[pl.ds(batch * C, C)], cb_v)
    off = batch * N
    for t in range(RPW // 16):
        ridx_v[pl.ds(16 * t, 16)] = cidx_v[pl.ds(16 * t, 16)] + off
    cp1 = pltpu.async_copy(h_hbm.at[ridx_v], rowsh_v, sem1)
    cp2 = pltpu.async_copy(g_hbm.at[ridx_v], rowsg_v, sem2)
    cp1.wait()
    pltpu.sync_copy(rowsh_v, newh_hbm.at[pl.ds(base, RPW)])
    cp2.wait()

    lane = lax.iota(i32, 16)

    @plsc.parallel_loop(0, RPW, unroll=4)
    def row_body(r):
        rvec = jnp.broadcast_to(r, (16,))
        for t in range(C // 16):
            cols = cb_v[pl.ds(16 * t, 16)]
            vals = plsc.load_gather(rowsg_v, [rvec, cols])
            plsc.store_scatter(outg_v, [rvec, lane + (16 * t)], vals)

    pltpu.sync_copy(outg_v, newg_hbm.at[pl.ds(base, RPW)])


def kernel(g, h, W, b):
    Wc = W.reshape(D, 1)
    b2 = b.reshape(1, 1)
    centers = pl.pallas_call(
        _centers_body,
        grid=(B,),
        in_specs=[
            pl.BlockSpec((D, 1), lambda i: (0, 0)),
            pl.BlockSpec((1, 1), lambda i: (0, 0)),
            pl.BlockSpec((1, N, D), lambda i: (i, 0, 0)),
        ],
        out_specs=pl.BlockSpec((1, C, 1), lambda i: (i, 0, 0)),
        out_shape=jax.ShapeDtypeStruct((B, C, 1), jnp.int32),
    )(Wc, b2, h)
    new_g, new_h = _sc_gather(
        centers.reshape(B * C), h.reshape(B * N, D), g.reshape(B * N, N)
    )
    return (new_g.reshape(B, C, C), new_h.reshape(B, C, D))

# --- scband reference (transcript-rebuilt; emitter-appended) ---
"""Pipeline reference for scband-pool-45603962749696 (READ-ONLY COPY).

The authoritative reference and input builder live on the scoring server;
editing this copy changes nothing except your own understanding.
"""

import jax, jax.numpy as jnp
import numpy as np

K_RATIO = 0.25
N_ITERS = 25


def setup_inputs(seed: int = 0) -> dict:
    key = jax.random.key(seed)
    kg, kh, kw, kb = jax.random.split(key, 4)
    g = jax.random.uniform(kg, (8, 1024, 1024), dtype=jnp.float32)
    h = jax.random.normal(kh, (8, 1024, 256), dtype=jnp.float32)
    W = jax.random.normal(kw, (1, 256), dtype=jnp.float32) * (1.0 / np.sqrt(256))
    b = jnp.zeros((1,), dtype=jnp.float32)
    return {"g": g, "h": h, "W": W, "b": b}


def _kmeans_assign(s, C, iters=N_ITERS):
    # deterministic 1-D Lloyd's k-means (stands in for sklearn KMeans on detached scores)
    N = s.shape[0]
    order = jnp.sort(s)
    init_idx = ((jnp.arange(C) + 0.5) * (N / C)).astype(jnp.int32)
    cent = order[init_idx]

    def body(_, cent):
        d = jnp.abs(s[None, :] - cent[:, None])  # [C, N]
        assign = jnp.argmin(d, axis=0)
        oh = jax.nn.one_hot(assign, C, dtype=s.dtype)  # [N, C]
        sums = oh.T @ s
        counts = oh.sum(axis=0)
        return jnp.where(counts > 0, sums / jnp.maximum(counts, 1.0), cent)

    cent = jax.lax.fori_loop(0, iters, body, cent)
    d = jnp.abs(s[None, :] - cent[:, None])
    return jnp.argmin(d, axis=0)


def _select_centers(scores, C):
    # torch code runs clustering/selection on detached scores -> stop_gradient
    s = jax.lax.stop_gradient(scores)
    assign = _kmeans_assign(s, C)
    oh = jax.nn.one_hot(assign, C, dtype=s.dtype).T  # [C, N]
    w = jax.nn.sigmoid(s)
    wsum = oh @ w
    wmean = (oh @ (w * s)) / jnp.where(wsum > 0, wsum, 1.0)  # weighted mean per cluster
    diff = jnp.abs(s[None, :] - wmean[:, None])  # [C, N]
    diff = jnp.where(oh > 0, diff, jnp.inf)
    centers = jnp.argmin(diff, axis=1)  # select_center_node: argsort(|s-wmean|)[0]
    counts = oh.sum(axis=1)
    med_idx = jnp.argmin(jnp.abs(s - jnp.median(s)))  # empty-cluster fallback: node closest to median
    return jnp.where(counts > 0, centers, med_idx)


def reference(g, h, W, b):
    N = h.shape[1]
    C = int(K_RATIO * N)
    Z = h  # Dropout(p=0.0) -> Identity
    scores = (Z @ W.T + b)[..., 0]  # proj(Z).squeeze() -> [B, N]
    centers = jax.vmap(lambda sc: _select_centers(sc, C))(scores)  # [B, C]
    new_h = jax.vmap(lambda hb, cb: hb[cb, :])(h, centers)  # [B, C, d]
    new_g = jax.vmap(lambda gb, cb: gb[cb][:, cb])(g, centers)  # [B, C, C]
    return (new_g, new_h)

if __name__ == "__main__":
    import jax
    _d = setup_inputs()
    print(jax.jit(kernel)(*tuple(_d.values())))

</pallas_src>

<mosaic_0001>
#map = affine_map<(d0, d1) -> (0)>
#map1 = affine_map<(d0, d1) -> (0, 0)>
module attributes {stable_mosaic.version = 14 : i64} {
  func.func @_sc_gather(%arg0: i32, %arg1: i32, %arg2: memref<2048xi32, #tpu.memory_space<hbm>>, %arg3: memref<8192x256xf32, #tpu.memory_space<hbm>>, %arg4: memref<8192x1024xf32, #tpu.memory_space<hbm>>, %arg5: memref<2048x256xf32, #tpu.memory_space<hbm>>, %arg6: memref<2048x256xf32, #tpu.memory_space<hbm>>, %arg7: memref<64xi32, #tpu.memory_space<vmem>>, %arg8: memref<64xi32, #tpu.memory_space<vmem>>, %arg9: memref<256xi32, #tpu.memory_space<vmem>>, %arg10: memref<64x256xf32, #tpu.memory_space<vmem>>, %arg11: memref<64x1024xf32, #tpu.memory_space<vmem>>, %arg12: memref<64x256xf32, #tpu.memory_space<vmem>>, %arg13: memref<!tpu.dma_semaphore, #tpu.memory_space<semaphore_mem>>, %arg14: memref<!tpu.dma_semaphore, #tpu.memory_space<semaphore_mem>>) attributes {dimension_semantics = [#tpu.dimension_semantics<core_parallel>, #tpu.dimension_semantics<subcore_parallel>], iteration_bounds = array<i64: 2, 16>, scalar_prefetch = 0 : i64, scratch_operands = 8 : i64, tpu.core_type = #tpu.core_type<sc_vector_subcore>, window_params = [{transform_indices = #map}, {transform_indices = #map1}, {transform_indices = #map1}, {transform_indices = #map1}, {transform_indices = #map1}]} {
    %mul3A = arith.constant 2 : i32
    %mul3A_0 = arith.muli %arg1, %mul3A : i32
    %add3A = arith.addi %mul3A_0, %arg0 : i32
    %mul3A_1 = arith.constant 64 : i32
    %mul3A_2 = arith.muli %add3A, %mul3A_1 : i32
    %jit3A = arith.constant 256 : i32
    %div3A = arith.divsi %mul3A_2, %jit3A : i32
    %sign3A = arith.constant 0 : i32
    %sign3A_3 = arith.cmpi sgt, %mul3A_2, %sign3A : i32
    %sign3A_4 = arith.extui %sign3A_3 : i1 to i32
    %sign3A_5 = arith.constant 0 : i32
    %sign3A_6 = arith.cmpi slt, %mul3A_2, %sign3A_5 : i32
    %sign3A_7 = arith.extui %sign3A_6 : i1 to i32
    %sign3A_8 = arith.subi %sign3A_4, %sign3A_7 : i32
    %sign3A_9 = arith.constant 0 : i32
    %sign3A_10 = arith.cmpi sgt, %jit3A, %sign3A_9 : i32
    %sign3A_11 = arith.extui %sign3A_10 : i1 to i32
    %sign3A_12 = arith.constant 0 : i32
    %sign3A_13 = arith.cmpi slt, %jit3A, %sign3A_12 : i32
    %sign3A_14 = arith.extui %sign3A_13 : i1 to i32
    %sign3A_15 = arith.subi %sign3A_11, %sign3A_14 : i32
    %ne3A = arith.cmpi ne, %sign3A_8, %sign3A_15 : i32
    %rem3A = arith.remsi %mul3A_2, %jit3A : i32
    %ne3A_16 = arith.constant 0 : i32
    %ne3A_17 = arith.cmpi ne, %rem3A, %ne3A_16 : i32
    %and3A = arith.andi %ne3A, %ne3A_17 : i1
    %sub3A = arith.constant 1 : i32
    %sub3A_18 = arith.subi %div3A, %sub3A : i32
    %select_n3A = arith.select %and3A, %sub3A_18, %div3A : i32
    "tpu.region"() ({
      %run_scoped3A = tpu.sem_alloc : memref<!tpu.dma_semaphore, #tpu.memory_space<semaphore_mem>>
      %dma_start3A_57 = tpu.memref_slice %arg2[%mul3A_2] : memref<2048xi32, #tpu.memory_space<hbm>> -> memref<64xi32, #tpu.memory_space<hbm>>
      %dma_start3A_58 = tpu.memref_slice %arg2[%mul3A_2] : memref<2048xi32, #tpu.memory_space<hbm>> -> memref<64xi32, #tpu.memory_space<hbm>>
      tpu.enqueue_dma source(%dma_start3A_58 : memref<64xi32, #tpu.memory_space<hbm>>) target(%arg7 : memref<64xi32, #tpu.memory_space<vmem>>) target_semaphore(%run_scoped3A : memref<!tpu.dma_semaphore, #tpu.memory_space<semaphore_mem>>)
      %dma_wait3A_59 = tpu.memref_slice %arg2[%mul3A_2] : memref<2048xi32, #tpu.memory_space<hbm>> -> memref<64xi32, #tpu.memory_space<hbm>>
      %dma_wait3A_60 = tpu.memref_slice %arg2[%mul3A_2] : memref<2048xi32, #tpu.memory_space<hbm>> -> memref<64xi32, #tpu.memory_space<hbm>>
      tpu.wait_dma2 semaphore(%run_scoped3A : memref<!tpu.dma_semaphore, #tpu.memory_space<semaphore_mem>>) src(%dma_wait3A_60 : memref<64xi32, #tpu.memory_space<hbm>>) dst(%arg7 : memref<64xi32, #tpu.memory_space<vmem>>)
      tpu.yield
    }) : () -> ()
    %mul3A_19 = arith.constant 256 : i32
    %mul3A_20 = arith.muli %select_n3A, %mul3A_19 : i32
    "tpu.region"() ({
      %run_scoped3A = tpu.sem_alloc : memref<!tpu.dma_semaphore, #tpu.memory_space<semaphore_mem>>
      %dma_start3A_57 = tpu.memref_slice %arg2[%mul3A_20] : memref<2048xi32, #tpu.memory_space<hbm>> -> memref<256xi32, #tpu.memory_space<hbm>>
      %dma_start3A_58 = tpu.memref_slice %arg2[%mul3A_20] : memref<2048xi32, #tpu.memory_space<hbm>> -> memref<256xi32, #tpu.memory_space<hbm>>
      tpu.enqueue_dma source(%dma_start3A_58 : memref<256xi32, #tpu.memory_space<hbm>>) target(%arg9 : memref<256xi32, #tpu.memory_space<vmem>>) target_semaphore(%run_scoped3A : memref<!tpu.dma_semaphore, #tpu.memory_space<semaphore_mem>>)
      %dma_wait3A_59 = tpu.memref_slice %arg2[%mul3A_20] : memref<2048xi32, #tpu.memory_space<hbm>> -> memref<256xi32, #tpu.memory_space<hbm>>
      %dma_wait3A_60 = tpu.memref_slice %arg2[%mul3A_20] : memref<2048xi32, #tpu.memory_space<hbm>> -> memref<256xi32, #tpu.memory_space<hbm>>
      tpu.wait_dma2 semaphore(%run_scoped3A : memref<!tpu.dma_semaphore, #tpu.memory_space<semaphore_mem>>) src(%dma_wait3A_60 : memref<256xi32, #tpu.memory_space<hbm>>) dst(%arg9 : memref<256xi32, #tpu.memory_space<vmem>>)
      tpu.yield
    }) : () -> ()
    %mul3A_21 = arith.constant 1024 : i32
    %mul3A_22 = arith.muli %select_n3A, %mul3A_21 : i32
    %get3A = arith.constant 0 : index
    %get3A_23 = tpu.vector_load %arg7[%get3A] {strides = array<i32>} : memref<64xi32, #tpu.memory_space<vmem>>, vector<16xi32>,
    %add3A_24 = vector.broadcast %mul3A_22 : i32 to vector<16xi32>
    %add3A_25 = arith.addi %get3A_23, %add3A_24 : vector<16xi32>
    %swap3A = arith.constant 0 : index
    %swap3A_26 = tpu.vector_load %arg8[%swap3A] {strides = array<i32>} : memref<64xi32, #tpu.memory_space<vmem>>, vector<16xi32>,
    tpu.vector_store %arg8[%swap3A], %add3A_25 {strides = array<i32>} : memref<64xi32, #tpu.memory_space<vmem>>, vector<16xi32>,
    %get3A_27 = arith.constant 16 : index
    %get3A_28 = tpu.vector_load %arg7[%get3A_27] {strides = array<i32>} : memref<64xi32, #tpu.memory_space<vmem>>, vector<16xi32>,
    %add3A_29 = vector.broadcast %mul3A_22 : i32 to vector<16xi32>
    %add3A_30 = arith.addi %get3A_28, %add3A_29 : vector<16xi32>
    %swap3A_31 = arith.constant 16 : index
    %swap3A_32 = tpu.vector_load %arg8[%swap3A_31] {strides = array<i32>} : memref<64xi32, #tpu.memory_space<vmem>>, vector<16xi32>,
    tpu.vector_store %arg8[%swap3A_31], %add3A_30 {strides = array<i32>} : memref<64xi32, #tpu.memory_space<vmem>>, vector<16xi32>,
    %get3A_33 = arith.constant 32 : index
    %get3A_34 = tpu.vector_load %arg7[%get3A_33] {strides = array<i32>} : memref<64xi32, #tpu.memory_space<vmem>>, vector<16xi32>,
    %add3A_35 = vector.broadcast %mul3A_22 : i32 to vector<16xi32>
    %add3A_36 = arith.addi %get3A_34, %add3A_35 : vector<16xi32>
    %swap3A_37 = arith.constant 32 : index
    %swap3A_38 = tpu.vector_load %arg8[%swap3A_37] {strides = array<i32>} : memref<64xi32, #tpu.memory_space<vmem>>, vector<16xi32>,
    tpu.vector_store %arg8[%swap3A_37], %add3A_36 {strides = array<i32>} : memref<64xi32, #tpu.memory_space<vmem>>, vector<16xi32>,
    %get3A_39 = arith.constant 48 : index
    %get3A_40 = tpu.vector_load %arg7[%get3A_39] {strides = array<i32>} : memref<64xi32, #tpu.memory_space<vmem>>, vector<16xi32>,
    %add3A_41 = vector.broadcast %mul3A_22 : i32 to vector<16xi32>
    %add3A_42 = arith.addi %get3A_40, %add3A_41 : vector<16xi32>
    %swap3A_43 = arith.constant 48 : index
    %swap3A_44 = tpu.vector_load %arg8[%swap3A_43] {strides = array<i32>} : memref<64xi32, #tpu.memory_space<vmem>>, vector<16xi32>,
    tpu.vector_store %arg8[%swap3A_43], %add3A_42 {strides = array<i32>} : memref<64xi32, #tpu.memory_space<vmem>>, vector<16xi32>,
    %dma_start3A = arith.constant 0 : i32
    %dma_start3A_45 = arith.constant 0 : i32
    %dma_start3A_46 = tpu.memref_slice %arg3[%dma_start3A, %dma_start3A_45] : memref<8192x256xf32, #tpu.memory_space<hbm>> -> memref<8192x256xf32, #tpu.memory_space<hbm>>
    tpu.enqueue_indirect_dma source(%dma_start3A_46 : memref<8192x256xf32, #tpu.memory_space<hbm>>) target(%arg10 : memref<64x256xf32, #tpu.memory_space<vmem>>) offsets(%arg8 : memref<64xi32, #tpu.memory_space<vmem>>) semaphore(%arg13 : memref<!tpu.dma_semaphore, #tpu.memory_space<semaphore_mem>>)
    %dma_start3A_47 = arith.constant 0 : i32
    %dma_start3A_48 = arith.constant 0 : i32
    %dma_start3A_49 = tpu.memref_slice %arg4[%dma_start3A_47, %dma_start3A_48] : memref<8192x1024xf32, #tpu.memory_space<hbm>> -> memref<8192x1024xf32, #tpu.memory_space<hbm>>
    tpu.enqueue_indirect_dma source(%dma_start3A_49 : memref<8192x1024xf32, #tpu.memory_space<hbm>>) target(%arg11 : memref<64x1024xf32, #tpu.memory_space<vmem>>) offsets(%arg8 : memref<64xi32, #tpu.memory_space<vmem>>) semaphore(%arg14 : memref<!tpu.dma_semaphore, #tpu.memory_space<semaphore_mem>>)
    %dma_wait3A = arith.constant 0 : i32
    %dma_wait3A_50 = arith.constant 0 : i32
    %dma_wait3A_51 = tpu.memref_slice %arg3[%dma_wait3A, %dma_wait3A_50] : memref<8192x256xf32, #tpu.memory_space<hbm>> -> memref<8192x256xf32, #tpu.memory_space<hbm>>
    tpu.wait_indirect_dma semaphore(%arg13 : memref<!tpu.dma_semaphore, #tpu.memory_space<semaphore_mem>>) src(%dma_wait3A_51 : memref<8192x256xf32, #tpu.memory_space<hbm>>) dst(%arg10 : memref<64x256xf32, #tpu.memory_space<vmem>>)
    "tpu.region"() ({
      %run_scoped3A = tpu.sem_alloc : memref<!tpu.dma_semaphore, #tpu.memory_space<semaphore_mem>>
      %dma_start3A_57 = arith.constant 0 : i32
      %dma_start3A_58 = tpu.memref_slice %arg6[%mul3A_2, %dma_start3A_57] : memref<2048x256xf32, #tpu.memory_space<hbm>> -> memref<64x256xf32, #tpu.memory_space<hbm>>
      %dma_start3A_59 = arith.constant 0 : i32
      %dma_start3A_60 = tpu.memref_slice %arg6[%mul3A_2, %dma_start3A_59] : memref<2048x256xf32, #tpu.memory_space<hbm>> -> memref<64x256xf32, #tpu.memory_space<hbm>>
      tpu.enqueue_dma source(%arg10 : memref<64x256xf32, #tpu.memory_space<vmem>>) target(%dma_start3A_60 : memref<64x256xf32, #tpu.memory_space<hbm>>) target_semaphore(%run_scoped3A : memref<!tpu.dma_semaphore, #tpu.memory_space<semaphore_mem>>)
      %dma_wait3A_61 = arith.constant 0 : i32
      %dma_wait3A_62 = tpu.memref_slice %arg6[%mul3A_2, %dma_wait3A_61] : memref<2048x256xf32, #tpu.memory_space<hbm>> -> memref<64x256xf32, #tpu.memory_space<hbm>>
      %dma_wait3A_63 = arith.constant 0 : i32
      %dma_wait3A_64 = tpu.memref_slice %arg6[%mul3A_2, %dma_wait3A_63] : memref<2048x256xf32, #tpu.memory_space<hbm>> -> memref<64x256xf32, #tpu.memory_space<hbm>>
      tpu.wait_dma2 semaphore(%run_scoped3A : memref<!tpu.dma_semaphore, #tpu.memory_space<semaphore_mem>>) src(%arg10 : memref<64x256xf32, #tpu.memory_space<vmem>>) dst(%dma_wait3A_64 : memref<64x256xf32, #tpu.memory_space<hbm>>)
      tpu.yield
    }) : () -> ()
    %dma_wait3A_52 = arith.constant 0 : i32
    %dma_wait3A_53 = arith.constant 0 : i32
    %dma_wait3A_54 = tpu.memref_slice %arg4[%dma_wait3A_52, %dma_wait3A_53] : memref<8192x1024xf32, #tpu.memory_space<hbm>> -> memref<8192x1024xf32, #tpu.memory_space<hbm>>
    tpu.wait_indirect_dma semaphore(%arg14 : memref<!tpu.dma_semaphore, #tpu.memory_space<semaphore_mem>>) src(%dma_wait3A_54 : memref<8192x1024xf32, #tpu.memory_space<hbm>>) dst(%arg11 : memref<64x1024xf32, #tpu.memory_space<vmem>>)
    %iota3A = tpu.iota {dimensions = array<i32: 0>} : vector<16xi32>
    %parallel_loop3A = arith.constant 0 : i32
    %parallel_loop3A_55 = arith.constant 64 : i32
    %parallel_loop3A_56 = arith.constant 1 : i32
    scf.for %parallel_loop3A_57 = %parallel_loop3A to %parallel_loop3A_55 step %parallel_loop3A_56  : i32 {
      %parallel_loop3A_58 = vector.broadcast %parallel_loop3A_57 : i32 to vector<16xi32>
      %parallel_loop3A_59 = arith.constant 0 : index
      %parallel_loop3A_60 = tpu.vector_load %arg9[%parallel_loop3A_59] {strides = array<i32>} : memref<256xi32, #tpu.memory_space<vmem>>, vector<16xi32>,
      %parallel_loop3A_61 = tpu.vector_load_idx %arg11[%parallel_loop3A_58, %parallel_loop3A_60] : memref<64x1024xf32, #tpu.memory_space<vmem>>[vector<16xi32>, vector<16xi32>], vector<16xf32>,
      %parallel_loop3A_62 = arith.constant 0 : i32
      %parallel_loop3A_63 = vector.broadcast %parallel_loop3A_62 : i32 to vector<16xi32>
      %parallel_loop3A_64 = arith.addi %iota3A, %parallel_loop3A_63 : vector<16xi32>
      tpu.vector_store_idx %arg12[%parallel_loop3A_58, %parallel_loop3A_64], %parallel_loop3A_61 : memref<64x256xf32, #tpu.memory_space<vmem>>[vector<16xi32>, vector<16xi32>], vector<16xf32>,
      %parallel_loop3A_65 = arith.constant 16 : index
      %parallel_loop3A_66 = tpu.vector_load %arg9[%parallel_loop3A_65] {strides = array<i32>} : memref<256xi32, #tpu.memory_space<vmem>>, vector<16xi32>,
      %parallel_loop3A_67 = tpu.vector_load_idx %arg11[%parallel_loop3A_58, %parallel_loop3A_66] : memref<64x1024xf32, #tpu.memory_space<vmem>>[vector<16xi32>, vector<16xi32>], vector<16xf32>,
      %parallel_loop3A_68 = arith.constant 16 : i32
      %parallel_loop3A_69 = vector.broadcast %parallel_loop3A_68 : i32 to vector<16xi32>
      %parallel_loop3A_70 = arith.addi %iota3A, %parallel_loop3A_69 : vector<16xi32>
      tpu.vector_store_idx %arg12[%parallel_loop3A_58, %parallel_loop3A_70], %parallel_loop3A_67 : memref<64x256xf32, #tpu.memory_space<vmem>>[vector<16xi32>, vector<16xi32>], vector<16xf32>,
      %parallel_loop3A_71 = arith.constant 32 : index
      %parallel_loop3A_72 = tpu.vector_load %arg9[%parallel_loop3A_71] {strides = array<i32>} : memref<256xi32, #tpu.memory_space<vmem>>, vector<16xi32>,
      %parallel_loop3A_73 = tpu.vector_load_idx %arg11[%parallel_loop3A_58, %parallel_loop3A_72] : memref<64x1024xf32, #tpu.memory_space<vmem>>[vector<16xi32>, vector<16xi32>], vector<16xf32>,
      %parallel_loop3A_74 = arith.constant 32 : i32
      %parallel_loop3A_75 = vector.broadcast %parallel_loop3A_74 : i32 to vector<16xi32>
      %parallel_loop3A_76 = arith.addi %iota3A, %parallel_loop3A_75 : vector<16xi32>
      tpu.vector_store_idx %arg12[%parallel_loop3A_58, %parallel_loop3A_76], %parallel_loop3A_73 : memref<64x256xf32, #tpu.memory_space<vmem>>[vector<16xi32>, vector<16xi32>], vector<16xf32>,
      %parallel_loop3A_77 = arith.constant 48 : index
      %parallel_loop3A_78 = tpu.vector_load %arg9[%parallel_loop3A_77] {strides = array<i32>} : memref<256xi32, #tpu.memory_space<vmem>>, vector<16xi32>,
      %parallel_loop3A_79 = tpu.vector_load_idx %arg11[%parallel_loop3A_58, %parallel_loop3A_78] : memref<64x1024xf32, #tpu.memory_space<vmem>>[vector<16xi32>, vector<16xi32>], vector<16xf32>,
      %parallel_loop3A_80 = arith.constant 48 : i32
      %parallel_loop3A_81 = vector.broadcast %parallel_loop3A_80 : i32 to vector<16xi32>
      %parallel_loop3A_82 = arith.addi %iota3A, %parallel_loop3A_81 : vector<16xi32>
      tpu.vector_store_idx %arg12[%parallel_loop3A_58, %parallel_loop3A_82], %parallel_loop3A_79 : memref<64x256xf32, #tpu.memory_space<vmem>>[vector<16xi32>, vector<16xi32>], vector<16xf32>,
      %parallel_loop3A_83 = arith.constant 64 : index
      %parallel_loop3A_84 = tpu.vector_load %arg9[%parallel_loop3A_83] {strides = array<i32>} : memref<256xi32, #tpu.memory_space<vmem>>, vector<16xi32>,
      %parallel_loop3A_85 = tpu.vector_load_idx %arg11[%parallel_loop3A_58, %parallel_loop3A_84] : memref<64x1024xf32, #tpu.memory_space<vmem>>[vector<16xi32>, vector<16xi32>], vector<16xf32>,
      %parallel_loop3A_86 = arith.constant 64 : i32
      %parallel_loop3A_87 = vector.broadcast %parallel_loop3A_86 : i32 to vector<16xi32>
      %parallel_loop3A_88 = arith.addi %iota3A, %parallel_loop3A_87 : vector<16xi32>
      tpu.vector_store_idx %arg12[%parallel_loop3A_58, %parallel_loop3A_88], %parallel_loop3A_85 : memref<64x256xf32, #tpu.memory_space<vmem>>[vector<16xi32>, vector<16xi32>], vector<16xf32>,
      %parallel_loop3A_89 = arith.constant 80 : index
      %parallel_loop3A_90 = tpu.vector_load %arg9[%parallel_loop3A_89] {strides = array<i32>} : memref<256xi32, #tpu.memory_space<vmem>>, vector<16xi32>,
      %parallel_loop3A_91 = tpu.vector_load_idx %arg11[%parallel_loop3A_58, %parallel_loop3A_90] : memref<64x1024xf32, #tpu.memory_space<vmem>>[vector<16xi32>, vector<16xi32>], vector<16xf32>,
      %parallel_loop3A_92 = arith.constant 80 : i32
      %parallel_loop3A_93 = vector.broadcast %parallel_loop3A_92 : i32 to vector<16xi32>
      %parallel_loop3A_94 = arith.addi %iota3A, %parallel_loop3A_93 : vector<16xi32>
      tpu.vector_store_idx %arg12[%parallel_loop3A_58, %parallel_loop3A_94], %parallel_loop3A_91 : memref<64x256xf32, #tpu.memory_space<vmem>>[vector<16xi32>, vector<16xi32>], vector<16xf32>,
      %parallel_loop3A_95 = arith.constant 96 : index
      %parallel_loop3A_96 = tpu.vector_load %arg9[%parallel_loop3A_95] {strides = array<i32>} : memref<256xi32, #tpu.memory_space<vmem>>, vector<16xi32>,
      %parallel_loop3A_97 = tpu.vector_load_idx %arg11[%parallel_loop3A_58, %parallel_loop3A_96] : memref<64x1024xf32, #tpu.memory_space<vmem>>[vector<16xi32>, vector<16xi32>], vector<16xf32>,
      %parallel_loop3A_98 = arith.constant 96 : i32
      %parallel_loop3A_99 = vector.broadcast %parallel_loop3A_98 : i32 to vector<16xi32>
      %parallel_loop3A_100 = arith.addi %iota3A, %parallel_loop3A_99 : vector<16xi32>
      tpu.vector_store_idx %arg12[%parallel_loop3A_58, %parallel_loop3A_100], %parallel_loop3A_97 : memref<64x256xf32, #tpu.memory_space<vmem>>[vector<16xi32>, vector<16xi32>], vector<16xf32>,
      %parallel_loop3A_101 = arith.constant 112 : index
      %parallel_loop3A_102 = tpu.vector_load %arg9[%parallel_loop3A_101] {strides = array<i32>} : memref<256xi32, #tpu.memory_space<vmem>>, vector<16xi32>,
      %parallel_loop3A_103 = tpu.vector_load_idx %arg11[%parallel_loop3A_58, %parallel_loop3A_102] : memref<64x1024xf32, #tpu.memory_space<vmem>>[vector<16xi32>, vector<16xi32>], vector<16xf32>,
      %parallel_loop3A_104 = arith.constant 112 : i32
      %parallel_loop3A_105 = vector.broadcast %parallel_loop3A_104 : i32 to vector<16xi32>
      %parallel_loop3A_106 = arith.addi %iota3A, %parallel_loop3A_105 : vector<16xi32>
      tpu.vector_store_idx %arg12[%parallel_loop3A_58, %parallel_loop3A_106], %parallel_loop3A_103 : memref<64x256xf32, #tpu.memory_space<vmem>>[vector<16xi32>, vector<16xi32>], vector<16xf32>,
      %parallel_loop3A_107 = arith.constant 128 : index
      %parallel_loop3A_108 = tpu.vector_load %arg9[%parallel_loop3A_107] {strides = array<i32>} : memref<256xi32, #tpu.memory_space<vmem>>, vector<16xi32>,
      %parallel_loop3A_109 = tpu.vector_load_idx %arg11[%parallel_loop3A_58, %parallel_loop3A_108] : memref<64x1024xf32, #tpu.memory_space<vmem>>[vector<16xi32>, vector<16xi32>], vector<16xf32>,
      %parallel_loop3A_110 = arith.constant 128 : i32
      %parallel_loop3A_111 = vector.broadcast %parallel_loop3A_110 : i32 to vector<16xi32>
      %parallel_loop3A_112 = arith.addi %iota3A, %parallel_loop3A_111 : vector<16xi32>
      tpu.vector_store_idx %arg12[%parallel_loop3A_58, %parallel_loop3A_112], %parallel_loop3A_109 : memref<64x256xf32, #tpu.memory_space<vmem>>[vector<16xi32>, vector<16xi32>], vector<16xf32>,
      %parallel_loop3A_113 = arith.constant 144 : index
      %parallel_loop3A_114 = tpu.vector_load %arg9[%parallel_loop3A_113] {strides = array<i32>} : memref<256xi32, #tpu.memory_space<vmem>>, vector<16xi32>,
      %parallel_loop3A_115 = tpu.vector_load_idx %arg11[%parallel_loop3A_58, %parallel_loop3A_114] : memref<64x1024xf32, #tpu.memory_space<vmem>>[vector<16xi32>, vector<16xi32>], vector<16xf32>,
      %parallel_loop3A_116 = arith.constant 144 : i32
      %parallel_loop3A_117 = vector.broadcast %parallel_loop3A_116 : i32 to vector<16xi32>
      %parallel_loop3A_118 = arith.addi %iota3A, %parallel_loop3A_117 : vector<16xi32>
      tpu.vector_store_idx %arg12[%parallel_loop3A_58, %parallel_loop3A_118], %parallel_loop3A_115 : memref<64x256xf32, #tpu.memory_space<vmem>>[vector<16xi32>, vector<16xi32>], vector<16xf32>,
      %parallel_loop3A_119 = arith.constant 160 : index
      %parallel_loop3A_120 = tpu.vector_load %arg9[%parallel_loop3A_119] {strides = array<i32>} : memref<256xi32, #tpu.memory_space<vmem>>, vector<16xi32>,
      %parallel_loop3A_121 = tpu.vector_load_idx %arg11[%parallel_loop3A_58, %parallel_loop3A_120] : memref<64x1024xf32, #tpu.memory_space<vmem>>[vector<16xi32>, vector<16xi32>], vector<16xf32>,
      %parallel_loop3A_122 = arith.constant 160 : i32
      %parallel_loop3A_123 = vector.broadcast %parallel_loop3A_122 : i32 to vector<16xi32>
      %parallel_loop3A_124 = arith.addi %iota3A, %parallel_loop3A_123 : vector<16xi32>
      tpu.vector_store_idx %arg12[%parallel_loop3A_58, %parallel_loop3A_124], %parallel_loop3A_121 : memref<64x256xf32, #tpu.memory_space<vmem>>[vector<16xi32>, vector<16xi32>], vector<16xf32>,
      %parallel_loop3A_125 = arith.constant 176 : index
      %parallel_loop3A_126 = tpu.vector_load %arg9[%parallel_loop3A_125] {strides = array<i32>} : memref<256xi32, #tpu.memory_space<vmem>>, vector<16xi32>,
      %parallel_loop3A_127 = tpu.vector_load_idx %arg11[%parallel_loop3A_58, %parallel_loop3A_126] : memref<64x1024xf32, #tpu.memory_space<vmem>>[vector<16xi32>, vector<16xi32>], vector<16xf32>,
      %parallel_loop3A_128 = arith.constant 176 : i32
      %parallel_loop3A_129 = vector.broadcast %parallel_loop3A_128 : i32 to vector<16xi32>
      %parallel_loop3A_130 = arith.addi %iota3A, %parallel_loop3A_129 : vector<16xi32>
      tpu.vector_store_idx %arg12[%parallel_loop3A_58, %parallel_loop3A_130], %parallel_loop3A_127 : memref<64x256xf32, #tpu.memory_space<vmem>>[vector<16xi32>, vector<16xi32>], vector<16xf32>,
      %parallel_loop3A_131 = arith.constant 192 : index
      %parallel_loop3A_132 = tpu.vector_load %arg9[%parallel_loop3A_131] {strides = array<i32>} : memref<256xi32, #tpu.memory_space<vmem>>, vector<16xi32>,
      %parallel_loop3A_133 = tpu.vector_load_idx %arg11[%parallel_loop3A_58, %parallel_loop3A_132] : memref<64x1024xf32, #tpu.memory_space<vmem>>[vector<16xi32>, vector<16xi32>], vector<16xf32>,
      %parallel_loop3A_134 = arith.constant 192 : i32
      %parallel_loop3A_135 = vector.broadcast %parallel_loop3A_134 : i32 to vector<16xi32>
      %parallel_loop3A_136 = arith.addi %iota3A, %parallel_loop3A_135 : vector<16xi32>
      tpu.vector_store_idx %arg12[%parallel_loop3A_58, %parallel_loop3A_136], %parallel_loop3A_133 : memref<64x256xf32, #tpu.memory_space<vmem>>[vector<16xi32>, vector<16xi32>], vector<16xf32>,
      %parallel_loop3A_137 = arith.constant 208 : index
      %parallel_loop3A_138 = tpu.vector_load %arg9[%parallel_loop3A_137] {strides = array<i32>} : memref<256xi32, #tpu.memory_space<vmem>>, vector<16xi32>,
      %parallel_loop3A_139 = tpu.vector_load_idx %arg11[%parallel_loop3A_58, %parallel_loop3A_138] : memref<64x1024xf32, #tpu.memory_space<vmem>>[vector<16xi32>, vector<16xi32>], vector<16xf32>,
      %parallel_loop3A_140 = arith.constant 208 : i32
      %parallel_loop3A_141 = vector.broadcast %parallel_loop3A_140 : i32 to vector<16xi32>
      %parallel_loop3A_142 = arith.addi %iota3A, %parallel_loop3A_141 : vector<16xi32>
      tpu.vector_store_idx %arg12[%parallel_loop3A_58, %parallel_loop3A_142], %parallel_loop3A_139 : memref<64x256xf32, #tpu.memory_space<vmem>>[vector<16xi32>, vector<16xi32>], vector<16xf32>,
      %parallel_loop3A_143 = arith.constant 224 : index
      %parallel_loop3A_144 = tpu.vector_load %arg9[%parallel_loop3A_143] {strides = array<i32>} : memref<256xi32, #tpu.memory_space<vmem>>, vector<16xi32>,
      %parallel_loop3A_145 = tpu.vector_load_idx %arg11[%parallel_loop3A_58, %parallel_loop3A_144] : memref<64x1024xf32, #tpu.memory_space<vmem>>[vector<16xi32>, vector<16xi32>], vector<16xf32>,
      %parallel_loop3A_146 = arith.constant 224 : i32
      %parallel_loop3A_147 = vector.broadcast %parallel_loop3A_146 : i32 to vector<16xi32>
      %parallel_loop3A_148 = arith.addi %iota3A, %parallel_loop3A_147 : vector<16xi32>
      tpu.vector_store_idx %arg12[%parallel_loop3A_58, %parallel_loop3A_148], %parallel_loop3A_145 : memref<64x256xf32, #tpu.memory_space<vmem>>[vector<16xi32>, vector<16xi32>], vector<16xf32>,
      %parallel_loop3A_149 = arith.constant 240 : index
      %parallel_loop3A_150 = tpu.vector_load %arg9[%parallel_loop3A_149] {strides = array<i32>} : memref<256xi32, #tpu.memory_space<vmem>>, vector<16xi32>,
      %parallel_loop3A_151 = tpu.vector_load_idx %arg11[%parallel_loop3A_58, %parallel_loop3A_150] : memref<64x1024xf32, #tpu.memory_space<vmem>>[vector<16xi32>, vector<16xi32>], vector<16xf32>,
      %parallel_loop3A_152 = arith.constant 240 : i32
      %parallel_loop3A_153 = vector.broadcast %parallel_loop3A_152 : i32 to vector<16xi32>
      %parallel_loop3A_154 = arith.addi %iota3A, %parallel_loop3A_153 : vector<16xi32>
      tpu.vector_store_idx %arg12[%parallel_loop3A_58, %parallel_loop3A_154], %parallel_loop3A_151 : memref<64x256xf32, #tpu.memory_space<vmem>>[vector<16xi32>, vector<16xi32>], vector<16xf32>,
    } {sc.loop_unroll_factor = 4 : i64, sc.parallel_access}
    "tpu.region"() ({
      %run_scoped3A = tpu.sem_alloc : memref<!tpu.dma_semaphore, #tpu.memory_space<semaphore_mem>>
      %dma_start3A_57 = arith.constant 0 : i32
      %dma_start3A_58 = tpu.memref_slice %arg5[%mul3A_2, %dma_start3A_57] : memref<2048x256xf32, #tpu.memory_space<hbm>> -> memref<64x256xf32, #tpu.memory_space<hbm>>
      %dma_start3A_59 = arith.constant 0 : i32
      %dma_start3A_60 = tpu.memref_slice %arg5[%mul3A_2, %dma_start3A_59] : memref<2048x256xf32, #tpu.memory_space<hbm>> -> memref<64x256xf32, #tpu.memory_space<hbm>>
      tpu.enqueue_dma source(%arg12 : memref<64x256xf32, #tpu.memory_space<vmem>>) target(%dma_start3A_60 : memref<64x256xf32, #tpu.memory_space<hbm>>) target_semaphore(%run_scoped3A : memref<!tpu.dma_semaphore, #tpu.memory_space<semaphore_mem>>)
      %dma_wait3A_61 = arith.constant 0 : i32
      %dma_wait3A_62 = tpu.memref_slice %arg5[%mul3A_2, %dma_wait3A_61] : memref<2048x256xf32, #tpu.memory_space<hbm>> -> memref<64x256xf32, #tpu.memory_space<hbm>>
      %dma_wait3A_63 = arith.constant 0 : i32
      %dma_wait3A_64 = tpu.memref_slice %arg5[%mul3A_2, %dma_wait3A_63] : memref<2048x256xf32, #tpu.memory_space<hbm>> -> memref<64x256xf32, #tpu.memory_space<hbm>>
      tpu.wait_dma2 semaphore(%run_scoped3A : memref<!tpu.dma_semaphore, #tpu.memory_space<semaphore_mem>>) src(%arg12 : memref<64x256xf32, #tpu.memory_space<vmem>>) dst(%dma_wait3A_64 : memref<64x256xf32, #tpu.memory_space<hbm>>)
      tpu.yield
    }) : () -> ()
    return
  }
}

module attributes {stable_mosaic.version = 14 : i64} {
  func.func @_centers_body(%arg0: i32, %arg1: memref<256x1xf32, #tpu.memory_space<vmem>>, %arg2: memref<1x1xf32, #tpu.memory_space<vmem>>, %arg3: memref<1x1024x256xf32, #tpu.memory_space<vmem>>, %arg4: memref<1x256x1xi32, #tpu.memory_space<vmem>>) attributes {dimension_semantics = [#tpu.dimension_semantics<arbitrary>], iteration_bounds = array<i64: 8>, scalar_prefetch = 0 : i64, scratch_operands = 0 : i64, tpu.core_type = #tpu.core_type<tc>, window_params = [{pipeline_mode = #tpu.pipeline_mode<synchronous>, transform_indices = @transform_0, window_bounds = array<i64: 256, 1>}, {pipeline_mode = #tpu.pipeline_mode<synchronous>, transform_indices = @transform_1, window_bounds = array<i64: 1, 1>}, {transform_indices = @transform_2, window_bounds = array<i64: 1, 1024, 256>}, {transform_indices = @transform_3, window_bounds = array<i64: 1, 256, 1>}]} {
    %get3A = arith.constant 0 : index
    %get3A_0 = arith.constant 0 : index
    %get3A_1 = arith.constant 0 : index
    %get3A_2 = vector.load %arg3[%get3A, %get3A_0, %get3A_1] : memref<1x1024x256xf32, #tpu.memory_space<vmem>>, vector<1x1024x256xf32>
    %get3A_3 = vector.shape_cast %get3A_2 : vector<1x1024x256xf32> to vector<1024x256xf32>
    %get3A_4 = arith.constant 0 : index
    %get3A_5 = arith.constant 0 : index
    %get3A_6 = vector.load %arg1[%get3A_4, %get3A_5] : memref<256x1xf32, #tpu.memory_space<vmem>>, vector<256x1xf32>
    %get3A_7 = arith.constant 0 : index
    %get3A_8 = arith.constant 0 : index
    %get3A_9 = vector.load %arg2[%get3A_7, %get3A_8] : memref<1x1xf32, #tpu.memory_space<vmem>>, vector<1x1xf32>
    %get3A_10 = vector.extract %get3A_9[0, 0] : f32 from vector<1x1xf32>
    %dot_general3A = arith.constant dense<0.000000e+00> : vector<1024x1xf32>
    %dot_general3A_11 = tpu.matmul %get3A_3, %get3A_6, %dot_general3A {dimension_numbers = #tpu.dot_dimension_numbers<[1], [0], [0], [1], [0, 0, 1, 1], [], []>, transpose_lhs_hint = false} : vector<1024x256xf32>, vector<256x1xf32>, vector<1024x1xf32> -> vector<1024x1xf32>
    %add3A = vector.broadcast %get3A_10 : f32 to vector<1024x1xf32>
    %add3A_12 = arith.addf %dot_general3A_11, %add3A : vector<1024x1xf32>
    %transpose3A = tpu.transpose %add3A_12, [1, 0] : vector<1024x1xf32> -> vector<1x1024xf32>
    %iota3A = tpu.iota {dimensions = array<i32: 0>} : vector<1024x1024xi32>
    %iota3A_13 = tpu.iota {dimensions = array<i32: 1>} : vector<1024x1024xi32>
    %lt3A = vector.broadcast %transpose3A : vector<1x1024xf32> to vector<1024x1024xf32>
    %lt3A_14 = vector.broadcast %add3A_12 : vector<1024x1xf32> to vector<1024x1024xf32>
    %lt3A_15 = arith.cmpf olt, %lt3A, %lt3A_14 : vector<1024x1024xf32>
    %eq3A = vector.broadcast %transpose3A : vector<1x1024xf32> to vector<1024x1024xf32>
    %eq3A_16 = vector.broadcast %add3A_12 : vector<1024x1xf32> to vector<1024x1024xf32>
    %eq3A_17 = arith.cmpf oeq, %eq3A, %eq3A_16 : vector<1024x1024xf32>
    %lt3A_18 = arith.cmpi slt, %iota3A_13, %iota3A : vector<1024x1024xi32>
    %and3A = arith.andi %eq3A_17, %lt3A_18 : vector<1024x1024xi1>
    %or3A = arith.ori %lt3A_15, %and3A : vector<1024x1024xi1>
    %convert_element_type3A = arith.extui %or3A : vector<1024x1024xi1> to vector<1024x1024xi32>
    %convert_element_type3A_19 = arith.sitofp %convert_element_type3A : vector<1024x1024xi32> to vector<1024x1024xf32>
    %reduce_sum3A = arith.constant dense<0.000000e+00> : vector<1024xf32>
    %reduce_sum3A_20 = vector.multi_reduction <add>, %convert_element_type3A_19, %reduce_sum3A [0] : vector<1024x1024xf32> to vector<1024xf32>
    %broadcast_in_dim3A = vector.shape_cast %reduce_sum3A_20 : vector<1024xf32> to vector<1x1024xf32>
    %sub3A = arith.constant 1.023000e+03 : f32
    %sub3A_21 = vector.broadcast %sub3A : f32 to vector<1x1024xf32>
    %sub3A_22 = arith.subf %sub3A_21, %broadcast_in_dim3A : vector<1x1024xf32>
    %iota3A_23 = tpu.iota {dimensions = array<i32: 0>} : vector<256x1xi32>
    %convert_element_type3A_24 = arith.sitofp %iota3A_23 : vector<256x1xi32> to vector<256x1xf32>
    %mul3A = arith.constant 4.000000e+00 : f32
    %mul3A_25 = vector.broadcast %mul3A : f32 to vector<256x1xf32>
    %mul3A_26 = arith.mulf %mul3A_25, %convert_element_type3A_24 : vector<256x1xf32>
    %add3A_27 = arith.constant 2.000000e+00 : f32
    %add3A_28 = vector.broadcast %add3A_27 : f32 to vector<256x1xf32>
    %add3A_29 = arith.addf %mul3A_26, %add3A_28 : vector<256x1xf32>
    %eq3A_30 = vector.broadcast %sub3A_22 : vector<1x1024xf32> to vector<256x1024xf32>
    %eq3A_31 = vector.broadcast %add3A_29 : vector<256x1xf32> to vector<256x1024xf32>
    %eq3A_32 = arith.cmpf oeq, %eq3A_30, %eq3A_31 : vector<256x1024xf32>
    %jit3A = arith.constant 0.000000e+00 : f32
    %broadcast_in_dim3A_33 = vector.shape_cast %transpose3A : vector<1x1024xf32> to vector<1x1024xf32>
    %broadcast_in_dim3A_34 = vector.broadcast %broadcast_in_dim3A_33 : vector<1x1024xf32> to vector<256x1024xf32>
    %broadcast_in_dim3A_35 = vector.broadcast %jit3A : f32 to vector<256x1024xf32>
    %select_n3A = arith.select %eq3A_32, %broadcast_in_dim3A_34, %broadcast_in_dim3A_35 : vector<256x1024xi1>, vector<256x1024xf32>
    %reduce_sum3A_36 = arith.constant dense<0.000000e+00> : vector<256xf32>
    %reduce_sum3A_37 = vector.multi_reduction <add>, %select_n3A, %reduce_sum3A_36 [1] : vector<256x1024xf32> to vector<256xf32>
    %broadcast_in_dim3A_38 = vector.shape_cast %reduce_sum3A_37 : vector<256xf32> to vector<256x1xf32>
    %eq3A_39 = arith.constant 5.110000e+02 : f32
    %eq3A_40 = vector.broadcast %eq3A_39 : f32 to vector<1x1024xf32>
    %eq3A_41 = arith.cmpf oeq, %sub3A_22, %eq3A_40 : vector<1x1024xf32>
    %jit3A_42 = arith.constant 0.000000e+00 : f32
    %broadcast_in_dim3A_43 = vector.broadcast %jit3A_42 : f32 to vector<1x1024xf32>
    %select_n3A_44 = arith.select %eq3A_41, %transpose3A, %broadcast_in_dim3A_43 : vector<1x1024xi1>, vector<1x1024xf32>
    %reduce_sum3A_45 = vector.shape_cast %select_n3A_44 : vector<1x1024xf32> to vector<1x1x1024xf32>
    %reduce_sum3A_46 = arith.constant dense<0.000000e+00> : vector<1xf32>
    %reduce_sum3A_47 = vector.multi_reduction <add>, %reduce_sum3A_45, %reduce_sum3A_46 [1, 2] : vector<1x1x1024xf32> to vector<1xf32>
    %reduce_sum3A_48 = vector.shape_cast %reduce_sum3A_47 : vector<1xf32> to vector<1x1x1xf32>
    %reduce_sum3A_49 = vector.extract %reduce_sum3A_48[0, 0, 0] : f32 from vector<1x1x1xf32>
    %eq3A_50 = arith.constant 5.120000e+02 : f32
    %eq3A_51 = vector.broadcast %eq3A_50 : f32 to vector<1x1024xf32>
    %eq3A_52 = arith.cmpf oeq, %sub3A_22, %eq3A_51 : vector<1x1024xf32>
    %jit3A_53 = arith.constant 0.000000e+00 : f32
    %broadcast_in_dim3A_54 = vector.broadcast %jit3A_53 : f32 to vector<1x1024xf32>
    %select_n3A_55 = arith.select %eq3A_52, %transpose3A, %broadcast_in_dim3A_54 : vector<1x1024xi1>, vector<1x1024xf32>
    %reduce_sum3A_56 = vector.shape_cast %select_n3A_55 : vector<1x1024xf32> to vector<1x1x1024xf32>
    %reduce_sum3A_57 = arith.constant dense<0.000000e+00> : vector<1xf32>
    %reduce_sum3A_58 = vector.multi_reduction <add>, %reduce_sum3A_56, %reduce_sum3A_57 [1, 2] : vector<1x1x1024xf32> to vector<1xf32>
    %reduce_sum3A_59 = vector.shape_cast %reduce_sum3A_58 : vector<1xf32> to vector<1x1x1xf32>
    %reduce_sum3A_60 = vector.extract %reduce_sum3A_59[0, 0, 0] : f32 from vector<1x1x1xf32>
    %add3A_61 = arith.addf %reduce_sum3A_49, %reduce_sum3A_60 : f32
    %mul3A_62 = arith.constant 5.000000e-01 : f32
    %mul3A_63 = arith.mulf %add3A_61, %mul3A_62 : f32
    %iota3A_64 = tpu.iota {dimensions = array<i32: 0>} : vector<256x1024xi32>
    %convert_element_type3A_65 = arith.sitofp %iota3A_64 : vector<256x1024xi32> to vector<256x1024xf32>
    %iota3A_66 = tpu.iota {dimensions = array<i32: 1>} : vector<256x1024xi32>
    %convert_element_type3A_67 = arith.sitofp %iota3A_66 : vector<256x1024xi32> to vector<256x1024xf32>
    %while3A = arith.constant 0 : i32
    %while3A_68 = arith.constant false
    %while3A_69:3 = scf.while (%while3A_152 = %while3A, %while3A_153 = %broadcast_in_dim3A_38, %while3A_154 = %while3A_68) : (i32, vector<256x1xf32>, i1) -> (i32, vector<256x1xf32>, i1) {
      %lt3A_155 = arith.constant 25 : i32
      %lt3A_156 = arith.cmpi slt, %while3A_152, %lt3A_155 : i32
      %not3A = arith.constant true
      %not3A_157 = arith.xori %while3A_154, %not3A : i1
      %and3A_158 = arith.andi %lt3A_156, %not3A_157 : i1
      scf.condition(%and3A_158) %while3A_152, %while3A_153, %while3A_154 : i32, vector<256x1xf32>, i1
    } do {
    ^bb0(%while3A_152: i32, %while3A_153: vector<256x1xf32>, %while3A_154: i1):
      %sub3A_155 = vector.broadcast %transpose3A : vector<1x1024xf32> to vector<256x1024xf32>
      %sub3A_156 = vector.broadcast %while3A_153 : vector<256x1xf32> to vector<256x1024xf32>
      %sub3A_157 = arith.subf %sub3A_155, %sub3A_156 : vector<256x1024xf32>
      %abs3A_158 = math.absf %sub3A_157 : vector<256x1024xf32>
      %reduce_min3A_159 = arith.constant dense<0x7F800000> : vector<1024xf32>
      %reduce_min3A_160 = vector.multi_reduction <minimumf>, %abs3A_158, %reduce_min3A_159 [0] : vector<256x1024xf32> to vector<1024xf32>
      %broadcast_in_dim3A_161 = vector.shape_cast %reduce_min3A_160 : vector<1024xf32> to vector<1x1024xf32>
      %eq3A_162 = vector.broadcast %broadcast_in_dim3A_161 : vector<1x1024xf32> to vector<256x1024xf32>
      %eq3A_163 = arith.cmpf oeq, %abs3A_158, %eq3A_162 : vector<256x1024xf32>
      %jit3A_164 = arith.constant 2.560000e+02 : f32
      %broadcast_in_dim3A_165 = vector.broadcast %jit3A_164 : f32 to vector<256x1024xf32>
      %select_n3A_166 = arith.select %eq3A_163, %convert_element_type3A_65, %broadcast_in_dim3A_165 : vector<256x1024xi1>, vector<256x1024xf32>
      %reduce_min3A_167 = arith.constant dense<0x7F800000> : vector<1024xf32>
      %reduce_min3A_168 = vector.multi_reduction <minimumf>, %select_n3A_166, %reduce_min3A_167 [0] : vector<256x1024xf32> to vector<1024xf32>
      %broadcast_in_dim3A_169 = vector.shape_cast %reduce_min3A_168 : vector<1024xf32> to vector<1x1024xf32>
      %eq3A_170 = vector.broadcast %broadcast_in_dim3A_169 : vector<1x1024xf32> to vector<256x1024xf32>
      %eq3A_171 = arith.cmpf oeq, %eq3A_170, %convert_element_type3A_65 : vector<256x1024xf32>
      %convert_element_type3A_172 = arith.extui %eq3A_171 : vector<256x1024xi1> to vector<256x1024xi32>
      %convert_element_type3A_173 = arith.sitofp %convert_element_type3A_172 : vector<256x1024xi32> to vector<256x1024xf32>
      %dot_general3A_174 = arith.constant dense<0.000000e+00> : vector<256x1xf32>
      %dot_general3A_175 = tpu.matmul %convert_element_type3A_173, %add3A_12, %dot_general3A_174 {dimension_numbers = #tpu.dot_dimension_numbers<[1], [0], [0], [1], [0, 0, 1, 1], [], []>, transpose_lhs_hint = false} : vector<256x1024xf32>, vector<1024x1xf32>, vector<256x1xf32> -> vector<256x1xf32>
      %reduce_sum3A_176 = arith.constant dense<0.000000e+00> : vector<256xf32>
      %reduce_sum3A_177 = vector.multi_reduction <add>, %convert_element_type3A_173, %reduce_sum3A_176 [1] : vector<256x1024xf32> to vector<256xf32>
      %broadcast_in_dim3A_178 = vector.shape_cast %reduce_sum3A_177 : vector<256xf32> to vector<256x1xf32>
      %gt3A_179 = arith.constant 0.000000e+00 : f32
      %gt3A_180 = vector.broadcast %gt3A_179 : f32 to vector<256x1xf32>
      %gt3A_181 = arith.cmpf ogt, %broadcast_in_dim3A_178, %gt3A_180 : vector<256x1xf32>
      %max3A = arith.constant 1.000000e+00 : f32
      %max3A_182 = vector.broadcast %max3A : f32 to vector<256x1xf32>
      %max3A_183 = arith.maximumf %broadcast_in_dim3A_178, %max3A_182 : vector<256x1xf32>
      %div3A_184 = arith.divf %dot_general3A_175, %max3A_183 : vector<256x1xf32>
      %select_n3A_185 = arith.select %gt3A_181, %div3A_184, %while3A_153 : vector<256x1xi1>, vector<256x1xf32>
      %ne3A = arith.cmpf one, %select_n3A_185, %while3A_153 : vector<256x1xf32>
      %convert_element_type3A_186 = arith.extui %ne3A : vector<256x1xi1> to vector<256x1xi32>
      %convert_element_type3A_187 = arith.sitofp %convert_element_type3A_186 : vector<256x1xi32> to vector<256x1xf32>
      %reduce_sum3A_188 = vector.shape_cast %convert_element_type3A_187 : vector<256x1xf32> to vector<1x256x1xf32>
      %reduce_sum3A_189 = arith.constant dense<0.000000e+00> : vector<1xf32>
      %reduce_sum3A_190 = vector.multi_reduction <add>, %reduce_sum3A_188, %reduce_sum3A_189 [1, 2] : vector<1x256x1xf32> to vector<1xf32>
      %reduce_sum3A_191 = vector.shape_cast %reduce_sum3A_190 : vector<1xf32> to vector<1x1x1xf32>
      %reduce_sum3A_192 = vector.extract %reduce_sum3A_191[0, 0, 0] : f32 from vector<1x1x1xf32>
      %eq3A_193 = arith.constant 0.000000e+00 : f32
      %eq3A_194 = arith.cmpf oeq, %reduce_sum3A_192, %eq3A_193 : f32
      %add3A_195 = arith.constant 1 : i32
      %add3A_196 = arith.addi %while3A_152, %add3A_195 : i32
      scf.yield %add3A_196, %select_n3A_185, %eq3A_194 : i32, vector<256x1xf32>, i1
    }
    %sub3A_70 = vector.broadcast %transpose3A : vector<1x1024xf32> to vector<256x1024xf32>
    %sub3A_71 = vector.broadcast %while3A_69#1 : vector<256x1xf32> to vector<256x1024xf32>
    %sub3A_72 = arith.subf %sub3A_70, %sub3A_71 : vector<256x1024xf32>
    %abs3A = math.absf %sub3A_72 : vector<256x1024xf32>
    %reduce_min3A = arith.constant dense<0x7F800000> : vector<1024xf32>
    %reduce_min3A_73 = vector.multi_reduction <minimumf>, %abs3A, %reduce_min3A [0] : vector<256x1024xf32> to vector<1024xf32>
    %broadcast_in_dim3A_74 = vector.shape_cast %reduce_min3A_73 : vector<1024xf32> to vector<1x1024xf32>
    %eq3A_75 = vector.broadcast %broadcast_in_dim3A_74 : vector<1x1024xf32> to vector<256x1024xf32>
    %eq3A_76 = arith.cmpf oeq, %abs3A, %eq3A_75 : vector<256x1024xf32>
    %jit3A_77 = arith.constant 2.560000e+02 : f32
    %broadcast_in_dim3A_78 = vector.broadcast %jit3A_77 : f32 to vector<256x1024xf32>
    %select_n3A_79 = arith.select %eq3A_76, %convert_element_type3A_65, %broadcast_in_dim3A_78 : vector<256x1024xi1>, vector<256x1024xf32>
    %reduce_min3A_80 = arith.constant dense<0x7F800000> : vector<1024xf32>
    %reduce_min3A_81 = vector.multi_reduction <minimumf>, %select_n3A_79, %reduce_min3A_80 [0] : vector<256x1024xf32> to vector<1024xf32>
    %broadcast_in_dim3A_82 = vector.shape_cast %reduce_min3A_81 : vector<1024xf32> to vector<1x1024xf32>
    %eq3A_83 = vector.broadcast %broadcast_in_dim3A_82 : vector<1x1024xf32> to vector<256x1024xf32>
    %eq3A_84 = arith.cmpf oeq, %eq3A_83, %convert_element_type3A_65 : vector<256x1024xf32>
    %convert_element_type3A_85 = arith.extui %eq3A_84 : vector<256x1024xi1> to vector<256x1024xi32>
    %convert_element_type3A_86 = arith.sitofp %convert_element_type3A_85 : vector<256x1024xi32> to vector<256x1024xf32>
    %logistic3A = arith.negf %add3A_12 : vector<1024x1xf32>
    %logistic3A_87 = math.exp %logistic3A : vector<1024x1xf32>
    %logistic3A_88 = arith.constant 1.000000e+00 : f32
    %logistic3A_89 = vector.broadcast %logistic3A_88 : f32 to vector<1024x1xf32>
    %logistic3A_90 = arith.addf %logistic3A_89, %logistic3A_87 : vector<1024x1xf32>
    %logistic3A_91 = arith.divf %logistic3A_89, %logistic3A_90 : vector<1024x1xf32>
    %dot_general3A_92 = arith.constant dense<0.000000e+00> : vector<256x1xf32>
    %dot_general3A_93 = tpu.matmul %convert_element_type3A_86, %logistic3A_91, %dot_general3A_92 {dimension_numbers = #tpu.dot_dimension_numbers<[1], [0], [0], [1], [0, 0, 1, 1], [], []>, transpose_lhs_hint = false} : vector<256x1024xf32>, vector<1024x1xf32>, vector<256x1xf32> -> vector<256x1xf32>
    %mul3A_94 = arith.mulf %logistic3A_91, %add3A_12 : vector<1024x1xf32>
    %dot_general3A_95 = arith.constant dense<0.000000e+00> : vector<256x1xf32>
    %dot_general3A_96 = tpu.matmul %convert_element_type3A_86, %mul3A_94, %dot_general3A_95 {dimension_numbers = #tpu.dot_dimension_numbers<[1], [0], [0], [1], [0, 0, 1, 1], [], []>, transpose_lhs_hint = false} : vector<256x1024xf32>, vector<1024x1xf32>, vector<256x1xf32> -> vector<256x1xf32>
    %gt3A = arith.constant 0.000000e+00 : f32
    %gt3A_97 = vector.broadcast %gt3A : f32 to vector<256x1xf32>
    %gt3A_98 = arith.cmpf ogt, %dot_general3A_93, %gt3A_97 : vector<256x1xf32>
    %jit3A_99 = arith.constant 1.000000e+00 : f32
    %broadcast_in_dim3A_100 = vector.broadcast %jit3A_99 : f32 to vector<256x1xf32>
    %select_n3A_101 = arith.select %gt3A_98, %dot_general3A_93, %broadcast_in_dim3A_100 : vector<256x1xi1>, vector<256x1xf32>
    %div3A = arith.divf %dot_general3A_96, %select_n3A_101 : vector<256x1xf32>
    %sub3A_102 = vector.broadcast %transpose3A : vector<1x1024xf32> to vector<256x1024xf32>
    %sub3A_103 = vector.broadcast %div3A : vector<256x1xf32> to vector<256x1024xf32>
    %sub3A_104 = arith.subf %sub3A_102, %sub3A_103 : vector<256x1024xf32>
    %abs3A_105 = math.absf %sub3A_104 : vector<256x1024xf32>
    %jit3A_106 = arith.constant 0x7F800000 : f32
    %broadcast_in_dim3A_107 = vector.broadcast %jit3A_106 : f32 to vector<256x1024xf32>
    %select_n3A_108 = arith.select %eq3A_84, %abs3A_105, %broadcast_in_dim3A_107 : vector<256x1024xi1>, vector<256x1024xf32>
    %reduce_min3A_109 = arith.constant dense<0x7F800000> : vector<256xf32>
    %reduce_min3A_110 = vector.multi_reduction <minimumf>, %select_n3A_108, %reduce_min3A_109 [1] : vector<256x1024xf32> to vector<256xf32>
    %broadcast_in_dim3A_111 = vector.shape_cast %reduce_min3A_110 : vector<256xf32> to vector<256x1xf32>
    %eq3A_112 = vector.broadcast %broadcast_in_dim3A_111 : vector<256x1xf32> to vector<256x1024xf32>
    %eq3A_113 = arith.cmpf oeq, %select_n3A_108, %eq3A_112 : vector<256x1024xf32>
    %jit3A_114 = arith.constant 1.024000e+03 : f32
    %broadcast_in_dim3A_115 = vector.broadcast %jit3A_114 : f32 to vector<256x1024xf32>
    %select_n3A_116 = arith.select %eq3A_113, %convert_element_type3A_67, %broadcast_in_dim3A_115 : vector<256x1024xi1>, vector<256x1024xf32>
    %reduce_min3A_117 = arith.constant dense<0x7F800000> : vector<256xf32>
    %reduce_min3A_118 = vector.multi_reduction <minimumf>, %select_n3A_116, %reduce_min3A_117 [1] : vector<256x1024xf32> to vector<256xf32>
    %broadcast_in_dim3A_119 = vector.shape_cast %reduce_min3A_118 : vector<256xf32> to vector<256x1xf32>
    %reduce_sum3A_120 = arith.constant dense<0.000000e+00> : vector<256xf32>
    %reduce_sum3A_121 = vector.multi_reduction <add>, %convert_element_type3A_86, %reduce_sum3A_120 [1] : vector<256x1024xf32> to vector<256xf32>
    %broadcast_in_dim3A_122 = vector.shape_cast %reduce_sum3A_121 : vector<256xf32> to vector<256x1xf32>
    %sub3A_123 = vector.broadcast %mul3A_63 : f32 to vector<1x1024xf32>
    %sub3A_124 = arith.subf %transpose3A, %sub3A_123 : vector<1x1024xf32>
    %abs3A_125 = math.absf %sub3A_124 : vector<1x1024xf32>
    %reduce_min3A_126 = vector.shape_cast %abs3A_125 : vector<1x1024xf32> to vector<1x1x1024xf32>
    %reduce_min3A_127 = arith.constant dense<0x7F800000> : vector<1xf32>
    %reduce_min3A_128 = vector.multi_reduction <minimumf>, %reduce_min3A_126, %reduce_min3A_127 [1, 2] : vector<1x1x1024xf32> to vector<1xf32>
    %reduce_min3A_129 = vector.shape_cast %reduce_min3A_128 : vector<1xf32> to vector<1x1x1xf32>
    %reduce_min3A_130 = vector.extract %reduce_min3A_129[0, 0, 0] : f32 from vector<1x1x1xf32>
    %iota3A_131 = tpu.iota {dimensions = array<i32: 1>} : vector<1x1024xi32>
    %convert_element_type3A_132 = arith.sitofp %iota3A_131 : vector<1x1024xi32> to vector<1x1024xf32>
    %eq3A_133 = vector.broadcast %reduce_min3A_130 : f32 to vector<1x1024xf32>
    %eq3A_134 = arith.cmpf oeq, %abs3A_125, %eq3A_133 : vector<1x1024xf32>
    %jit3A_135 = arith.constant 1.024000e+03 : f32
    %broadcast_in_dim3A_136 = vector.broadcast %jit3A_135 : f32 to vector<1x1024xf32>
    %select_n3A_137 = arith.select %eq3A_134, %convert_element_type3A_132, %broadcast_in_dim3A_136 : vector<1x1024xi1>, vector<1x1024xf32>
    %reduce_min3A_138 = vector.shape_cast %select_n3A_137 : vector<1x1024xf32> to vector<1x1x1024xf32>
    %reduce_min3A_139 = arith.constant dense<0x7F800000> : vector<1xf32>
    %reduce_min3A_140 = vector.multi_reduction <minimumf>, %reduce_min3A_138, %reduce_min3A_139 [1, 2] : vector<1x1x1024xf32> to vector<1xf32>
    %reduce_min3A_141 = vector.shape_cast %reduce_min3A_140 : vector<1xf32> to vector<1x1x1xf32>
    %reduce_min3A_142 = vector.extract %reduce_min3A_141[0, 0, 0] : f32 from vector<1x1x1xf32>
    %gt3A_143 = arith.constant 0.000000e+00 : f32
    %gt3A_144 = vector.broadcast %gt3A_143 : f32 to vector<256x1xf32>
    %gt3A_145 = arith.cmpf ogt, %broadcast_in_dim3A_122, %gt3A_144 : vector<256x1xf32>
    %broadcast_in_dim3A_146 = vector.broadcast %reduce_min3A_142 : f32 to vector<256x1xf32>
    %select_n3A_147 = arith.select %gt3A_145, %broadcast_in_dim3A_119, %broadcast_in_dim3A_146 : vector<256x1xi1>, vector<256x1xf32>
    %convert_element_type3A_148 = arith.fptosi %select_n3A_147 : vector<256x1xf32> to vector<256x1xi32>
    %reshape3A = vector.shape_cast %convert_element_type3A_148 : vector<256x1xi32> to vector<1x256x1xi32>
    %swap3A = arith.constant 0 : index
    %swap3A_149 = arith.constant 0 : index
    %swap3A_150 = arith.constant 0 : index
    %swap3A_151 = vector.load %arg4[%swap3A, %swap3A_149, %swap3A_150] : memref<1x256x1xi32, #tpu.memory_space<vmem>>, vector<1x256x1xi32>
    tpu.vector_store %arg4[%swap3A, %swap3A_149, %swap3A_150], %reshape3A {strides = array<i32>} : memref<1x256x1xi32, #tpu.memory_space<vmem>>, vector<1x256x1xi32>,
    return
  }
  func.func @transform_0(%arg0: i32) -> (i32, i32) {
    %c0_i32 = arith.constant 0 : i32
    %c0_i32_0 = arith.constant 0 : i32
    %c0_i32_1 = arith.constant 0 : i32
    return %c0_i32, %c0_i32_0 : i32, i32
  }
  func.func @transform_1(%arg0: i32) -> (i32, i32) {
    %c0_i32 = arith.constant 0 : i32
    %c0_i32_0 = arith.constant 0 : i32
    %c0_i32_1 = arith.constant 0 : i32
    return %c0_i32, %c0_i32_0 : i32, i32
  }
  func.func @transform_2(%arg0: i32) -> (i32, i32, i32) {
    %c0_i32 = arith.constant 0 : i32
    %c0_i32_0 = arith.constant 0 : i32
    %c0_i32_1 = arith.constant 0 : i32
    return %arg0, %c0_i32, %c0_i32_0 : i32, i32, i32
  }
  func.func @transform_3(%arg0: i32) -> (i32, i32, i32) {
    %c0_i32 = arith.constant 0 : i32
    %c0_i32_0 = arith.constant 0 : i32
    %c0_i32_1 = arith.constant 0 : i32
    return %arg0, %c0_i32, %c0_i32_0 : i32, i32, i32
  }
}

</mosaic_0001>

<sc_bundles>
// kernel: kernel.4.cloned.1.call-start
scs
__scs_entry_jumppad:
0x0: {  	(pc) =	sbr.rel $0x88, $3  }
0x1: {  	(tag) =	ssettag $0x0;
	lr =	simm.s32 $0x1  }
0x2: {  	[smem:$0x3F9D] =	sst lr;
	_ =	strace $0xD0000000  }
0x3: {  	_ = 	snop  }
0x4: {  	_ = 	snop  }
0x5: {  	_ = 	snop  }
0x6: {  	_ = 	snop  }
0x7: {  	_ = 	snop  }
__scs_overlays_trampoline_lowered:
0x8: {  	[smem:$0x3FAC] =	sst s0  }
0x9: {  	[smem:$0x3FAD] =	sst s1  }
0xa: {  	[smem:$0x3FAE] =	sst s2  }
0xb: {  	[smem:$0x3FAF] =	sst s3  }
0xc: {  	[smem:$0x3FB0] =	sst s4  }
0xd: {  	[smem:$0x3FB1] =	sst s5  }
0xe: {  	[smem:$0x3FB2] =	sst s6  }
0xf: {  	[smem:$0x3FB3] =	sst s7  }
0x10: {  	[smem:$0x3FB4] =	sst s8  }
0x11: {  	[smem:$0x3FB5] =	sst s9;
	s0 =	simm.s32 @!p0 $0x0  }
0x12: {  	s1 =	sld [smem:$0x3F9B];
	s0 =	simm.s32 @p0 $0x1  }
0x13: {  	[smem:$0x3FB6] =	sst s0;
	s0 =	simm.s32 @!p1 $0x0  }
0x14: {  	s2 =	sld [smem:$0x3F9A];
	s0 =	simm.s32 @p1 $0x1  }
0x15: {  	[smem:$0x3FB7] =	sst s0;
	s0 =	simm.s32 @!p2 $0x0  }
0x16: {  	s3 =	sld [smem:$0x3FDB];
	s0 =	simm.s32 @p2 $0x1  }
0x17: {  	s4 =	simm.s32 $0x1BF5;
	[smem:$0x3FB9] =	sst s0  }
0x18: {  	s0 =	sld [smem:$0x3F9C];
	_ =	swait.ge [sflag:s4], $0x0  }
0x19: {  	s7 =	sld [smem:$0x3F9D]  }
0x1a: {  	s8 =	sadd.s32 $0xFFFFE003, lr  }
0x1b: {  	s9 =	sadd.s32 $0xFFFFFEF7, lr;
	s5 =	simm.s32 $0xFFFFFFFF;
	p2 =	slt.u32 s8, $0xFFFFF086  }
0x1c: {  	p1 =	slt.u32 s9, $0xF7A;
	s5 =	simm.s32 @!p2 $0x0  }
0x1d: {  	s5 =	simm.s32 @p1 $0x1;
	p0 =	seq.s32 s7, s2  }
0x1e: {  	s7 =	smul.u32 @!p0 $0xF7A, s2;
	p2 =	seq.s32 @!p0 s5, $0x0  }
0x1f: {  	s9 =	smul.u32 $0xF7A, s1;
	s8 =	simm.s32 @!p0 $0x1BF5;
	p2 =	por !p2, p0  }
0x20: {  	[sflag:s8] =	ssyncset.s32 @!p0 $0xFFFFF086;
	s6 =	sadd.s32 @!p0 s3, s7;
	s7 =	simm.s32 @!p0 $0x108  }
0x21: {  	s3 =	sadd.s32 s3, s9;
	s6 =	sadd.s32 @!p0 $0x88, s6;
	s7 =	simm.s32 @p2 $0x1082  }
0x22: {  	[simem:s7], [sflag:s8] =	dma.local @!p0 [hbm:s6], $0xF7A  }
0x23: {  	s9 =	sor.u32 $0xD0000000, s2;
	s6 =	simm.s32 $0x108;
	_ =	swait.ge @!p0 [sflag:s8], $0x0  }
0x24: {  	s3 =	sadd.s32 $0x88, s3;
	s6 =	simm.s32 @!p1 $0x1082;
	[sflag:s4] =	ssyncset.s32 $0xFFFFF086  }
0x25: {  	[simem:s6], [sflag:s4] =	dma.local [hbm:s3], $0xF7A  }
0x26: {  	[smem:$0x3F9D] =	sst s1;
	(tag) =	ssettag s2;
	_ =	strace s9  }
0x27: {  	s1 =	sld [smem:$0x3FAD]  }
0x28: {  	s2 =	sld [smem:$0x3FAE]  }
0x29: {  	s4 =	sld [smem:$0x3FB0]  }
0x2a: {  	p0 =	seq.s32 s5, $0x0;
	s5 =	sld [smem:$0x3FB1]  }
0x2b: {  	s6 =	sld [smem:$0x3FB2]  }
0x2c: {  	s7 =	sld [smem:$0x3FB3]  }
0x2d: {  	s3 =	simm.s32 $0x108;
	s8 =	sld [smem:$0x3FB4]  }
0x2e: {  	s3 =	simm.s32 @!p0 $0x1082;
	s9 =	sld [smem:$0x3FB5]  }
0x2f: {  	lr =	sadd.s32 s0, s3;
	s0 =	sld [smem:$0x3FAC]  }
0x30: {  	s3 =	sld [smem:$0x3FAF]  }
0x31: {  	[smem:$0x3FB8] =	sst s10  }
0x32: {  	s10 =	sld [smem:$0x3FB6];
	_ =	sdelay $0x3  }
0x33: {  	p0 =	seq.s32 s10, $0x1;
	s10 =	sld [smem:$0x3FB8];
	_ =	sdelay $0x3  }
0x34: {  	[smem:$0x3FB8] =	sst s10  }
0x35: {  	s10 =	sld [smem:$0x3FB7];
	_ =	sdelay $0x3  }
0x36: {  	p1 =	seq.s32 s10, $0x1;
	s10 =	sld [smem:$0x3FB8];
	_ =	sdelay $0x3  }
0x37: {  	[smem:$0x3FB8] =	sst s10  }
0x38: {  	s10 =	sld [smem:$0x3FB9]  }
0x39: {  	_ = 	snop;
	(pc) =	sbr.ind lr, $3  }
0x3a: {  	_ = 	snop  }
0x3b: {  	_ = 	snop  }
0x3c: {  	p2 =	seq.s32 s10, $0x1;
	s10 =	sld [smem:$0x3FB8]  }
0x3d: {  	_ =	shalt  }
0x3e: {  	_ =	shalt  }
0x3f: {  	_ =	shalt  }
0x40: {  	_ =	shalt  }
0x41: {  	_ =	shalt  }
0x42: {  	_ =	shalt  }
0x43: {  	_ =	shalt  }
0x44: {  	_ =	shalt  }
0x45: {  	_ =	shalt  }
0x46: {  	_ =	shalt  }
0x47: {  	_ =	shalt  }
0x48: {  	_ =	shalt  }
0x49: {  	_ =	shalt  }
0x4a: {  	_ =	shalt  }
0x4b: {  	_ =	shalt  }
0x4c: {  	_ =	shalt  }
0x4d: {  	_ =	shalt  }
0x4e: {  	_ =	shalt  }
0x4f: {  	_ =	shalt  }
0x50: {  	_ =	shalt  }
0x51: {  	_ =	shalt  }
0x52: {  	_ =	shalt  }
0x53: {  	_ =	shalt  }
0x54: {  	_ =	shalt  }
0x55: {  	_ =	shalt  }
0x56: {  	_ =	shalt  }
0x57: {  	_ =	shalt  }
0x58: {  	_ =	shalt  }
0x59: {  	_ =	shalt  }
0x5a: {  	_ =	shalt  }
0x5b: {  	_ =	shalt  }
0x5c: {  	_ =	shalt  }
0x5d: {  	_ =	shalt  }
0x5e: {  	_ =	shalt  }
0x5f: {  	_ =	shalt  }
0x60: {  	_ =	shalt  }
0x61: {  	_ =	shalt  }
0x62: {  	_ =	shalt  }
0x63: {  	_ =	shalt  }
0x64: {  	_ =	shalt  }
0x65: {  	_ =	shalt  }
0x66: {  	_ =	shalt  }
0x67: {  	_ =	shalt  }
0x68: {  	_ =	shalt  }
0x69: {  	_ =	shalt  }
0x6a: {  	_ =	shalt  }
0x6b: {  	_ =	shalt  }
0x6c: {  	_ =	shalt  }
0x6d: {  	_ =	shalt  }
0x6e: {  	_ =	shalt  }
0x6f: {  	_ =	shalt  }
0x70: {  	_ =	shalt  }
0x71: {  	_ =	shalt  }
0x72: {  	_ =	shalt  }
0x73: {  	_ =	shalt  }
0x74: {  	_ =	shalt  }
0x75: {  	_ =	shalt  }
0x76: {  	_ =	shalt  }
0x77: {  	_ =	shalt  }
0x78: {  	_ =	shalt  }
0x79: {  	_ =	shalt  }
0x7a: {  	_ =	shalt  }
0x7b: {  	_ =	shalt  }
0x7c: {  	_ =	shalt  }
0x7d: {  	_ =	shalt  }
0x7e: {  	_ =	shalt  }
0x7f: {  	_ =	shalt  }
0x80: {  	_ =	shalt  }
0x81: {  	_ =	shalt  }
0x82: {  	_ =	shalt  }
0x83: {  	_ =	shalt  }
0x84: {  	_ =	shalt  }
0x85: {  	_ =	shalt  }
0x86: {  	_ =	shalt  }
0x87: {  	_ =	shalt  }
.Lfunc_end0:
.L_simem_size_0:
called_computation_lowered:
.L_overlay_start_0:
0x88: {  	s2 =	sld [smem:$0x3FD9]  }
0x89: {  	s3 =	sld [smem:$0x3FFE];
	_ =	sdelay $0x1  }
0x8a: {  	s1 =	srdreg.scid  }
0x8b: {  	s0 =	sand.u32 $0x1, s1  }
0x8c: {  	s14 =	sshll.u32 s0, $0xA;
	s2 =	sadd.s32 s3, s2  }
0x8d: {  	s2 =	sadd.s32 s2, s14  }
0x8e: {  	[smem:$0x3FC4] =	sst s2  }
0x8f: {  	_ = 	snop  }
0x90: {  	s2 =	sld [smem:$0x3FD0];
	_ =	sdelay $0x1  }
0x91: {  	s15 =	sld [smem:$0x3FC9]  }
0x92: {  	s5 =	simm.s32 $0xA;
	s6 =	simm.s32 $0x10;
	s4 =	sld [smem:$0x3FC8]  }
0x93: {  	[smem:s6], [sflag:s5] =	dma.local [hbm:s2], $0x1  }
0x94: {  	_ =	swait.eq [sflag:s5], $0x1  }
0x95: {  	[sflag:s5] =	ssyncset.done $0x0  }
0x96: {  	s16 =	sld [smem:$0x10];
	[sflag:s5] =	ssyncadd.s32 $0xFFFFFFFF  }
0x97: {  	s17 =	sld [smem:$0x11];
	(tm) =	ssettm $0x1  }
0x98: {  	s18 =	sld [smem:$0x3FFB];
	_ =	sdelay $0x3  }
0x99: {  	_ =	strace s18  }
0x9a: {  	s6 =	sld [smem:$0x3FFC];
	_ =	sdelay $0x3  }
0x9b: {  	_ =	strace s6  }
0x9c: {  	s6 =	sld [smem:$0x3FFD];
	_ =	sdelay $0x3  }
0x9d: {  	_ =	strace s6  }
0x9e: {  	_ =	strace $0x8FFFFFFF  }
0x9f: {  	s19 =	sld [smem:$0x3FDB];
	_ =	sdelay $0x1  }
0xa0: {  	s7 =	simm.s32 $_scs_section_size  }
0xa1: {  	s8 =	simm.s32 $_size__tile_overlayer_lowered;
	s9 =	simm.s32 $_tile_overlayer_lowered  }
0xa2: {  	s22 =	simm.s32 $0x1BFF;
	s21 =	sshll.u32 s9, $0x1;
	s6 =	sadd.s32 s7, s19  }
0xa3: {  	s10 =	simm.s32 $0x0;
	s20 =	sshll.u32 s8, $0x1;
	s8 =	sadd.s32 s21, s6  }
0xa4: {  	[timem:s10], [sflag:s22] =	dma.local [hbm:s8], s20  }
0xa5: {  	_ =	swait.ge [sflag:s22], s20  }
0xa6: {  	s7 =	ssub.s32 $0x0, s20;
	[sflag:s22] =	ssyncset.done $0x0  }
0xa7: {  	[sflag:s22] =	ssyncadd.s32 s7;
	_ =	sdelay $0x1  }
0xa8: {  	s23 =	simm.s32 $0x1B8B  }
0xa9: {  	_ =	swait.ge [sflag:s23], $0x1  }
0xaa: {  	[sflag:s23] =	ssyncset.done $0x0  }
0xab: {  	s25 =	simm.s32 $0x1B8E;
	s24 =	sld [smem:$0x3FFE];
	[sflag:s23] =	ssyncadd.s32 $0xFFFFFFFF  }
0xac: {  	s26 =	simm.s32 $execute0_lowered;
	[smem:$0x3FD2] =	sst s25  }
0xad: {  	s8 =	sshll.u32 s26, $0x1;
	_ =	strace $0x80000046;
	[dreg:$0x1] =	wrdreg $0xFFFFFFFF  }
0xae: {  	s28 =	simm.s32 $_size_execute0_lowered;
	s6 =	sadd.s32 s6, s8;
	[dreg:$0x0] =	wrdreg $0x0  }
0xaf: {  	s8 =	sshll.u32 s28, $0x1;
	[dreg:$0x2] =	wrdreg s6  }
0xb0: {  	[dreg:$0x3] =	wrdreg s8  }
0xb1: {  	[dreg:$0x4] =	wrdreg $0xC0  }
0xb2: {  	_ =	task [dreg:s10], $0x5FFFF  }
0xb3: {  	[dreg:$0x1] =	wrdreg $0xFFFFFFFF  }
0xb4: {  	[dreg:$0x0] =	wrdreg $0x60  }
0xb5: {  	[dreg:$0x2] =	wrdreg s24  }
0xb6: {  	[dreg:$0x3] =	wrdreg s4  }
0xb7: {  	[dreg:$0x4] =	wrdreg s15  }
0xb8: {  	[dreg:$0x5] =	wrdreg s16  }
0xb9: {  	[dreg:$0x6] =	wrdreg s17  }
0xba: {  	[dreg:$0x7] =	wrdreg $0x9  }
0xbb: {  	_ =	task.clear_ibuf [dreg:s10], $0x8FFFF;
	_ =	strace $0x90000046  }
0xbc: {  	s29 =	simm.s32 $0x9;
	_ =	strace $0x80000048  }
0xbd: {  	_ =	swait.ge [sflag:s29], $0x1  }
0xbe: {  	[sflag:s29] =	ssyncadd.s32 $0xFFFFFFFF  }
0xbf: {  	_ =	strace $0x90000048  }
0xc0: {  	_ =	sfence  }
0xc1: {  	s30 =	sld [smem:$0x0];
	_ =	sdelay $0x2  }
0xc2: {  	s31 =	sshll.u32 s1, $0xD;
	s1 =	sshrl.u32 s1, $0x2  }
0xc3: {  	s3 =	sand.u32 $0x4000, s31;
	s1 =	sadd.s32 s1, s30  }
0xc4: {  	s0 =	sor.u32 s3, s0;
	s1 =	sshll.u32 s1, $0x11  }
0xc5: {  	s0 =	sor.u32 s1, s0  }
0xc6: {  	s0 =	sadd.s32 $0x8F2B, s0  }
0xc7: {  	[sflag:s0] =	ssyncadd.remote.s32 $0x1  }
0xc8: {  	_ =	sfence.sel $0xFFFF  }
0xc9: {  	[dreg:$0x0] =	wrdreg $0xFFFFFFFF;
	(pc) =	sbr.abs _section_cstart, $3  }
0xca: {  	[dreg:$0x1] =	wrdreg $0xFFFFFFFF  }
0xcb: {  	_ =	task.clear_ibuf [dreg:s10], $0x2FFFF;
	_ =	strace $0x9FFFFFFF  }
0xcc: {  	(tm) =	ssettm $0x7FFFFFFF  }
0xcd: {  	_ =	shalt  }
tec
execute0_lowered:
.L_overlay_start_1:
0x0: {  	(tag) =	ssettag $0x1  }
0x1: {  	s0 =	rddreg [dreg:$0x0]  }
0x2: {  	s1 =	rddreg [dreg:$0x1]  }
0x3: {  	s2 =	rddreg [dreg:$0x2]  }
0x4: {  	s3 =	rddreg [dreg:$0x3];
	s4 =	simm.s32 $0x0;
	v1 =	vlaneseq.u32  }
0x5: {  	[smem:$0x7FF] =	sst s4;
	v46 =	vand.u32 $0x7, v1  }
0x6: {  	s10 =	rddreg [dreg:$0x4];
	v48 =	vor.u32 $0x8, v1;
	_ =	strace $0x80000047;
	[tilespmem:$0x1FEE0] =	vst v46  }
0x7: {  	v49 =	vor.u32 $0x10, v1;
	[tilespmem:$0x1FF00] =	vst v48  }
0x8: {  	v50 =	vor.u32 $0x20, v1;
	[tilespmem:$0x1FF10] =	vst v49  }
0x9: {  	v51 =	vor.u32 $0x30, v1;
	[tilespmem:$0x1FF20] =	vst v50  }
0xa: {  	v52 =	vor.u32 $0x40, v1;
	[tilespmem:$0x1FF30] =	vst v51  }
0xb: {  	s5 =	srdreg.scid;
	v53 =	vor.u32 $0x50, v1;
	[tilespmem:$0x1FF40] =	vst v52  }
0xc: {  	s9 =	stileid.u32;
	s13 =	simm.s32 $0x3;
	s15 =	simm.s32 $0x200;
	v54 =	vor.u32 $0x60, v1;
	[tilespmem:$0x1FF50] =	vst v53  }
0xd: {  	s29 =	simm.s32 $0xF200;
	s30 =	simm.s32 $0xFA00;
	s31 =	simm.s32 $0x10200;
	v55 =	vor.u32 $0x70, v1;
	[tilespmem:$0x1FF60] =	vst v54  }
0xe: {  	s14 =	simm.s32 $0x11A00;
	s16 =	simm.s32 $0x12200;
	s17 =	simm.s32 $0x12A00;
	v56 =	vor.u32 $0x400, v1;
	[tilespmem:$0x1FF70] =	vst v55  }
0xf: {  	s18 =	simm.s32 $0x13200;
	s19 =	simm.s32 $0x13A00;
	s20 =	simm.s32 $0x1;
	v57 =	vor.u32 $0x410, v1;
	[tilespmem:$0x1FF80] =	vst v56  }
0x10: {  	s21 =	simm.s32 $0x2;
	s22 =	simm.s32 $0x14200;
	s5 =	sand.u32 $0x1, s5;
	v58 =	vor.u32 $0x420, v1;
	[tilespmem:$0x1FF90] =	vst v57  }
0x11: {  	s0 =	sadd.s32 $0x600, s0;
	s6 =	sshll.u32 s9, $0x7;
	s23 =	sshrl.u32 s9, $0x1;
	v59 =	vor.u32 $0x430, v1;
	[tilespmem:$0x1FFA0] =	vst v58  }
0x12: {  	s9 =	sadd.s32 $0x300, s2;
	v60 =	vor.u32 $0x440, v1;
	s7 =	sshll.u32 s5, $0x6;
	s5 =	ssub.s32 $0x2, s5;
	[tilespmem:$0x1FFB0] =	vst v59  }
0x13: {  	v61 =	vor.u32 $0x450, v1;
	s11 =	sshll.u32 s23, $0x5;
	s26 =	sshll.u32 s23, $0xA;
	s23 =	simm.s32 $0x4200;
	[tilespmem:$0x1FFC0] =	vst v60  }
0x14: {  	v62 =	vor.u32 $0x460, v1;
	[tilespmem:$0x1FFD0] =	vst v61;
	s8 =	sor.u32 s7, s6;
	s24 =	sshrl.u32 s5, $0x1;
	s6 =	sadd.s32 s0, s11  }
0x15: {  	v47 =	vshrl.u32 v1, $0x3;
	[tilespmem:$0x1FFE0] =	vst v62;
	s7 =	sadd.s32 $0x100, s2;
	v0 =	vmov s26;
	s25 =	sshrl.u32 s8, $0x3;
	s12 =	ssub.s32 s5, s24  }
0x16: {  	v63 =	vor.u32 $0x470, v1;
	s28 =	sshll.u32 s8, $0x5;
	s8 =	sadd.s32 $0x200, s2;
	[tilespmem:$0x1FED0] =	vst v0;
	v0 =	vmul.u32 $0x8, v47;
	s24 =	simm.s32 $0x0  }
0x17: {  	[tilespmem:$0x1FFF0] =	vst v63;
	s5 =	sadd.s32 s0, s25;
	s10 =	sadd.s32 s10, s28;
	s11 =	sadd.s32 s3, s28  }
0x18: {  	vm0 =	vmmov $0xffff;
	s12 =	smax.u32 s12, $0x1;
	s0 =	simm.s32 $0x10A00;
	s3 =	simm.s32 $0x11200;
	[tilespmem:$0x1FEF0] =	vst v0  }
.LBB2_1:
0x19: {  	[tilespmem:s4], [sflag:$0x3] =	stream.linear.gather [hbm4b:s5+s4], $0x40, $0x38;
	[tilespmem:$0x18200] =	vst v63  }
0x1a: {  	_ =	swait.ge [sflag:s13], $0x40  }
0x1b: {  	[sflag:s13] =	ssyncset.done $0x0  }
0x1c: {  	s25 =	simm.s32 $0x100;
	[sflag:s13] =	ssyncadd.s32 $0xFFFFFFC0  }
0x1d: {  	[tilespmem:s25], [sflag:$0x3] =	stream.linear.gather [hbm4b:s6+s4], $0x100, $0x38;
	[tilespmem:$0x18200] =	vst v63  }
0x1e: {  	_ =	swait.ge [sflag:s13], $0x100  }
0x1f: {  	[sflag:s13] =	ssyncset.done $0x0  }
0x20: {  	v6 =	vld [tilespmem:$0x1FED0];
	[sflag:s13] =	ssyncadd.s32 $0xFFFFFF00  }
0x21: {  	v0 =	vld [tilespmem:$0x0];
	_ =	sdelay $0x3  }
0x22: {  	v7 =	vld [tilespmem:$0x1FEE0]  }
0x23: {  	v8 =	vld [tilespmem:$0x1FEF0];
	v1 =	vadd.s32 v6, v0  }
0x24: {  	v9 =	vld [tilespmem:$0x1FF00];
	v2 =	vshll.u32 v1, $0x1  }
0x25: {  	v3 =	vld [tilespmem:$0x10];
	v0 =	vand.u32 $0x7, v0;
	v2 =	vand.u32 $0xFFFFFFF0, v2  }
0x26: {  	v4 =	vld [tilespmem:$0x20];
	v0 =	vor.u32 v0, v2  }
0x27: {  	v2 =	vld [tilespmem:$0x30];
	v5 =	vperm.xlane v0, v7;
	_ =	sdelay $0x1  }
0x28: {  	v0 =	vperm.xlane v0, v9;
	v5 =	vadd.s32 v8, v5  }
0x29: {  	[tilespmem:$0x80] =	vst v1;
	v1 =	vadd.s32 v6, v3  }
0x2a: {  	[tilespmem:$0x90] =	vst v1;
	v1 =	vadd.s32 v6, v4;
	v0 =	vadd.s32 v8, v0  }
0x2b: {  	[tilespmem:$0xA0] =	vst v1;
	v1 =	vadd.s32 v6, v2  }
0x2c: {  	[tilespmem:$0xB0] =	vst v1  }
0x2d: {  	[tilespmem:s15], [sflag:$0x1] =	stream.indirect_vreg.gather [hbm4b:s1+s4], $0x80, v5, vm0, $0xb8;
	[tilespmem:$0x18200] =	vst v63  }
0x2e: {  	s26 =	simm.s32 $0xA00  }
0x2f: {  	[tilespmem:s26], [sflag:$0x1] =	stream.indirect_vreg.gather [hbm4b:s1+s4], $0x80, v0, vm0, $0xb8;
	[tilespmem:$0x18200] =	vst v63  }
0x30: {  	v0 =	vld [tilespmem:$0x90];
	_ =	sdelay $0x4  }
0x31: {  	v1 =	vshll.u32 v0, $0x1  }
0x32: {  	v0 =	vand.u32 $0x7, v0;
	v1 =	vand.u32 $0xFFFFFFF0, v1  }
0x33: {  	v0 =	vor.u32 v0, v1  }
0x34: {  	v1 =	vperm.xlane v0, v7;
	_ =	sdelay $0x1  }
0x35: {  	v0 =	vperm.xlane v0, v9;
	v1 =	vadd.s32 v8, v1;
	_ =	sdelay $0x1  }
0x36: {  	v0 =	vadd.s32 v8, v0;
	_ =	sdelay $0x1  }
0x37: {  	s28 =	simm.s32 $0x1200  }
0x38: {  	[tilespmem:s28], [sflag:$0x1] =	stream.indirect_vreg.gather [hbm4b:s1+s4], $0x80, v1, vm0, $0xb8;
	[tilespmem:$0x18200] =	vst v63  }
0x39: {  	s26 =	simm.s32 $0x1A00  }
0x3a: {  	[tilespmem:s26], [sflag:$0x1] =	stream.indirect_vreg.gather [hbm4b:s1+s4], $0x80, v0, vm0, $0xb8;
	[tilespmem:$0x18200] =	vst v63  }
0x3b: {  	v0 =	vld [tilespmem:$0xA0];
	_ =	sdelay $0x4  }
0x3c: {  	v1 =	vshll.u32 v0, $0x1  }
0x3d: {  	v0 =	vand.u32 $0x7, v0;
	v1 =	vand.u32 $0xFFFFFFF0, v1  }
0x3e: {  	v0 =	vor.u32 v0, v1  }
0x3f: {  	v1 =	vperm.xlane v0, v7;
	_ =	sdelay $0x1  }
0x40: {  	v0 =	vperm.xlane v0, v9;
	v1 =	vadd.s32 v8, v1;
	_ =	sdelay $0x1  }
0x41: {  	v0 =	vadd.s32 v8, v0;
	_ =	sdelay $0x1  }
0x42: {  	s28 =	simm.s32 $0x2200  }
0x43: {  	[tilespmem:s28], [sflag:$0x1] =	stream.indirect_vreg.gather [hbm4b:s1+s4], $0x80, v1, vm0, $0xb8;
	[tilespmem:$0x18200] =	vst v63  }
0x44: {  	s26 =	simm.s32 $0x2A00  }
0x45: {  	[tilespmem:s26], [sflag:$0x1] =	stream.indirect_vreg.gather [hbm4b:s1+s4], $0x80, v0, vm0, $0xb8;
	[tilespmem:$0x18200] =	vst v63  }
0x46: {  	v0 =	vld [tilespmem:$0xB0];
	_ =	sdelay $0x4  }
0x47: {  	v1 =	vshll.u32 v0, $0x1  }
0x48: {  	v0 =	vand.u32 $0x7, v0;
	v1 =	vand.u32 $0xFFFFFFF0, v1  }
0x49: {  	v0 =	vor.u32 v0, v1  }
0x4a: {  	v1 =	vperm.xlane v0, v7;
	_ =	sdelay $0x1  }
0x4b: {  	v0 =	vperm.xlane v0, v9;
	v1 =	vadd.s32 v8, v1;
	_ =	sdelay $0x1  }
0x4c: {  	v0 =	vadd.s32 v8, v0;
	_ =	sdelay $0x1  }
0x4d: {  	s28 =	simm.s32 $0x3200  }
0x4e: {  	[tilespmem:s28], [sflag:$0x1] =	stream.indirect_vreg.gather [hbm4b:s1+s4], $0x80, v1, vm0, $0xb8;
	[tilespmem:$0x18200] =	vst v63  }
0x4f: {  	s26 =	simm.s32 $0x3A00  }
0x50: {  	[tilespmem:s26], [sflag:$0x1] =	stream.indirect_vreg.gather [hbm4b:s1+s4], $0x80, v0, vm0, $0xb8;
	[tilespmem:$0x18200] =	vst v63  }
0x51: {  	v0 =	vld [tilespmem:$0x80];
	_ =	sdelay $0x4  }
0x52: {  	v1 =	vshll.u32 v0, $0x3  }
0x53: {  	v0 =	vand.u32 $0x7, v0;
	v1 =	vand.u32 $0xFFFFFFC0, v1  }
0x54: {  	v0 =	vor.u32 v0, v1  }
0x55: {  	v1 =	vperm.xlane v0, v7;
	_ =	sdelay $0x1  }
0x56: {  	v1 =	vadd.s32 v8, v1;
	_ =	sdelay $0x4  }
0x57: {  	[tilespmem:s23], [sflag:$0x2] =	stream.indirect_vreg.gather [hbm4b:s2+s4], $0x80, v1, vm0, $0xb8;
	[tilespmem:$0x18200] =	vst v63  }
0x58: {  	s28 =	simm.s32 $0x4A00;
	v0 =	vperm.xlane v0, v9  }
0x59: {  	[tilespmem:s28], [sflag:$0x2] =	stream.indirect_vreg.gather [hbm4b:s7+s4], $0x80, v1, vm0, $0xb8;
	[tilespmem:$0x18200] =	vst v63  }
0x5a: {  	s26 =	simm.s32 $0x5200;
	v0 =	vadd.s32 v8, v0  }
0x5b: {  	[tilespmem:s26], [sflag:$0x2] =	stream.indirect_vreg.gather [hbm4b:s8+s4], $0x80, v1, vm0, $0xb8;
	[tilespmem:$0x18200] =	vst v63  }
0x5c: {  	s28 =	simm.s32 $0x5A00  }
0x5d: {  	[tilespmem:s28], [sflag:$0x2] =	stream.indirect_vreg.gather [hbm4b:s9+s4], $0x80, v1, vm0, $0xb8;
	[tilespmem:$0x18200] =	vst v63  }
0x5e: {  	s26 =	simm.s32 $0x6200  }
0x5f: {  	[tilespmem:s26], [sflag:$0x2] =	stream.indirect_vreg.gather [hbm4b:s2+s4], $0x80, v0, vm0, $0xb8;
	[tilespmem:$0x18200] =	vst v63  }
0x60: {  	s28 =	simm.s32 $0x6A00  }
0x61: {  	[tilespmem:s28], [sflag:$0x2] =	stream.indirect_vreg.gather [hbm4b:s7+s4], $0x80, v0, vm0, $0xb8;
	[tilespmem:$0x18200] =	vst v63  }
0x62: {  	s26 =	simm.s32 $0x7200  }
0x63: {  	[tilespmem:s26], [sflag:$0x2] =	stream.indirect_vreg.gather [hbm4b:s8+s4], $0x80, v0, vm0, $0xb8;
	[tilespmem:$0x18200] =	vst v63  }
0x64: {  	s28 =	simm.s32 $0x7A00  }
0x65: {  	[tilespmem:s28], [sflag:$0x2] =	stream.indirect_vreg.gather [hbm4b:s9+s4], $0x80, v0, vm0, $0xb8;
	[tilespmem:$0x18200] =	vst v63  }
0x66: {  	v0 =	vld [tilespmem:$0x90];
	_ =	sdelay $0x4  }
0x67: {  	v1 =	vshll.u32 v0, $0x3  }
0x68: {  	v0 =	vand.u32 $0x7, v0;
	v1 =	vand.u32 $0xFFFFFFC0, v1  }
0x69: {  	v0 =	vor.u32 v0, v1  }
0x6a: {  	v1 =	vperm.xlane v0, v7;
	_ =	sdelay $0x1  }
0x6b: {  	v1 =	vadd.s32 v8, v1;
	_ =	sdelay $0x3  }
0x6c: {  	s26 =	simm.s32 $0x8200  }
0x6d: {  	[tilespmem:s26], [sflag:$0x2] =	stream.indirect_vreg.gather [hbm4b:s2+s4], $0x80, v1, vm0, $0xb8;
	[tilespmem:$0x18200] =	vst v63  }
0x6e: {  	s28 =	simm.s32 $0x8A00;
	v0 =	vperm.xlane v0, v9  }
0x6f: {  	[tilespmem:s28], [sflag:$0x2] =	stream.indirect_vreg.gather [hbm4b:s7+s4], $0x80, v1, vm0, $0xb8;
	[tilespmem:$0x18200] =	vst v63  }
0x70: {  	v0 =	vadd.s32 v8, v0;
	s26 =	simm.s32 $0x9200  }
0x71: {  	[tilespmem:s26], [sflag:$0x2] =	stream.indirect_vreg.gather [hbm4b:s8+s4], $0x80, v1, vm0, $0xb8;
	[tilespmem:$0x18200] =	vst v63  }
0x72: {  	s28 =	simm.s32 $0x9A00  }
0x73: {  	[tilespmem:s28], [sflag:$0x2] =	stream.indirect_vreg.gather [hbm4b:s9+s4], $0x80, v1, vm0, $0xb8;
	[tilespmem:$0x18200] =	vst v63  }
0x74: {  	s26 =	simm.s32 $0xA200  }
0x75: {  	[tilespmem:s26], [sflag:$0x2] =	stream.indirect_vreg.gather [hbm4b:s2+s4], $0x80, v0, vm0, $0xb8;
	[tilespmem:$0x18200] =	vst v63  }
0x76: {  	s28 =	simm.s32 $0xAA00  }
0x77: {  	[tilespmem:s28], [sflag:$0x2] =	stream.indirect_vreg.gather [hbm4b:s7+s4], $0x80, v0, vm0, $0xb8;
	[tilespmem:$0x18200] =	vst v63  }
0x78: {  	s26 =	simm.s32 $0xB200  }
0x79: {  	[tilespmem:s26], [sflag:$0x2] =	stream.indirect_vreg.gather [hbm4b:s8+s4], $0x80, v0, vm0, $0xb8;
	[tilespmem:$0x18200] =	vst v63  }
0x7a: {  	s28 =	simm.s32 $0xBA00  }
0x7b: {  	[tilespmem:s28], [sflag:$0x2] =	stream.indirect_vreg.gather [hbm4b:s9+s4], $0x80, v0, vm0, $0xb8;
	[tilespmem:$0x18200] =	vst v63  }
0x7c: {  	v0 =	vld [tilespmem:$0xA0];
	_ =	sdelay $0x4  }
0x7d: {  	v1 =	vshll.u32 v0, $0x3  }
0x7e: {  	v0 =	vand.u32 $0x7, v0;
	v1 =	vand.u32 $0xFFFFFFC0, v1  }
0x7f: {  	v0 =	vor.u32 v0, v1  }
0x80: {  	v1 =	vperm.xlane v0, v7;
	_ =	sdelay $0x1  }
0x81: {  	v1 =	vadd.s32 v8, v1;
	_ =	sdelay $0x3  }
0x82: {  	s26 =	simm.s32 $0xC200  }
0x83: {  	[tilespmem:s26], [sflag:$0x2] =	stream.indirect_vreg.gather [hbm4b:s2+s4], $0x80, v1, vm0, $0xb8;
	[tilespmem:$0x18200] =	vst v63  }
0x84: {  	s28 =	simm.s32 $0xCA00;
	v0 =	vperm.xlane v0, v9  }
0x85: {  	[tilespmem:s28], [sflag:$0x2] =	stream.indirect_vreg.gather [hbm4b:s7+s4], $0x80, v1, vm0, $0xb8;
	[tilespmem:$0x18200] =	vst v63  }
0x86: {  	v0 =	vadd.s32 v8, v0;
	s26 =	simm.s32 $0xD200  }
0x87: {  	[tilespmem:s26], [sflag:$0x2] =	stream.indirect_vreg.gather [hbm4b:s8+s4], $0x80, v1, vm0, $0xb8;
	[tilespmem:$0x18200] =	vst v63  }
0x88: {  	s28 =	simm.s32 $0xDA00  }
0x89: {  	[tilespmem:s28], [sflag:$0x2] =	stream.indirect_vreg.gather [hbm4b:s9+s4], $0x80, v1, vm0, $0xb8;
	[tilespmem:$0x18200] =	vst v63  }
0x8a: {  	s26 =	simm.s32 $0xE200  }
0x8b: {  	[tilespmem:s26], [sflag:$0x2] =	stream.indirect_vreg.gather [hbm4b:s2+s4], $0x80, v0, vm0, $0xb8;
	[tilespmem:$0x18200] =	vst v63  }
0x8c: {  	s28 =	simm.s32 $0xEA00  }
0x8d: {  	[tilespmem:s28], [sflag:$0x2] =	stream.indirect_vreg.gather [hbm4b:s7+s4], $0x80, v0, vm0, $0xb8;
	[tilespmem:$0x18200] =	vst v63  }
0x8e: {  	_ = 	snop  }
0x8f: {  	[tilespmem:s29], [sflag:$0x2] =	stream.indirect_vreg.gather [hbm4b:s8+s4], $0x80, v0, vm0, $0xb8;
	[tilespmem:$0x18200] =	vst v63  }
0x90: {  	_ = 	snop  }
0x91: {  	[tilespmem:s30], [sflag:$0x2] =	stream.indirect_vreg.gather [hbm4b:s9+s4], $0x80, v0, vm0, $0xb8;
	[tilespmem:$0x18200] =	vst v63  }
0x92: {  	v0 =	vld [tilespmem:$0xB0];
	_ =	sdelay $0x4  }
0x93: {  	v1 =	vshll.u32 v0, $0x3  }
0x94: {  	v0 =	vand.u32 $0x7, v0;
	v1 =	vand.u32 $0xFFFFFFC0, v1  }
0x95: {  	v0 =	vor.u32 v0, v1  }
0x96: {  	v1 =	vperm.xlane v0, v7;
	_ =	sdelay $0x1  }
0x97: {  	v1 =	vadd.s32 v8, v1;
	_ =	sdelay $0x4  }
0x98: {  	[tilespmem:s31], [sflag:$0x2] =	stream.indirect_vreg.gather [hbm4b:s2+s4], $0x80, v1, vm0, $0xb8;
	[tilespmem:$0x18200] =	vst v63  }
0x99: {  	v0 =	vperm.xlane v0, v9  }
0x9a: {  	[tilespmem:s0], [sflag:$0x2] =	stream.indirect_vreg.gather [hbm4b:s7+s4], $0x80, v1, vm0, $0xb8;
	[tilespmem:$0x18200] =	vst v63  }
0x9b: {  	v0 =	vadd.s32 v8, v0  }
0x9c: {  	[tilespmem:s3], [sflag:$0x2] =	stream.indirect_vreg.gather [hbm4b:s8+s4], $0x80, v1, vm0, $0xb8;
	[tilespmem:$0x18200] =	vst v63  }
0x9d: {  	_ = 	snop  }
0x9e: {  	[tilespmem:s14], [sflag:$0x2] =	stream.indirect_vreg.gather [hbm4b:s9+s4], $0x80, v1, vm0, $0xb8;
	[tilespmem:$0x18200] =	vst v63  }
0x9f: {  	_ = 	snop  }
0xa0: {  	[tilespmem:s16], [sflag:$0x2] =	stream.indirect_vreg.gather [hbm4b:s2+s4], $0x80, v0, vm0, $0xb8;
	[tilespmem:$0x18200] =	vst v63  }
0xa1: {  	_ = 	snop  }
0xa2: {  	[tilespmem:s17], [sflag:$0x2] =	stream.indirect_vreg.gather [hbm4b:s7+s4], $0x80, v0, vm0, $0xb8;
	[tilespmem:$0x18200] =	vst v63  }
0xa3: {  	_ = 	snop  }
0xa4: {  	[tilespmem:s18], [sflag:$0x2] =	stream.indirect_vreg.gather [hbm4b:s8+s4], $0x80, v0, vm0, $0xb8;
	[tilespmem:$0x18200] =	vst v63  }
0xa5: {  	_ = 	snop  }
0xa6: {  	[tilespmem:s19], [sflag:$0x2] =	stream.indirect_vreg.gather [hbm4b:s9+s4], $0x80, v0, vm0, $0xb8;
	[tilespmem:$0x18200] =	vst v63  }
0xa7: {  	_ =	swait.ge [sflag:s20], $0x4000  }
0xa8: {  	[sflag:s20] =	ssyncset.done $0x0  }
0xa9: {  	[sflag:s20] =	ssyncadd.s32 $0xFFFFC000  }
0xaa: {  	[hbm4b:s10+s4] =	stream.linear.scatter [tilespmem:s15], [sflag:$0x3], $0x4000, $0x38;
	[tilespmem:$0x18200] =	vst v63  }
0xab: {  	_ =	swait.ge [sflag:s13], $0x4000  }
0xac: {  	[sflag:s13] =	ssyncset.done $0x0  }
0xad: {  	[sflag:s13] =	ssyncadd.s32 $0xFFFFC000  }
0xae: {  	_ =	swait.ge [sflag:s21], $0x10000  }
0xaf: {  	[sflag:s21] =	ssyncset.done $0x0  }
0xb0: {  	[sflag:s21] =	ssyncadd.s32 $0xFFFF0000  }
0xb1: {  	v0 =	vld [tilespmem:$0x100];
	_ =	sdelay $0x2  }
0xb2: {  	s26 =	simm.s32 $0x3  }
0xb3: {  	v1 =	vmov s26  }
0xb4: {  	v3 =	vshrl.u32 v1, $0x3;
	v2 =	vshll.u32 v0, $0x3  }
0xb5: {  	v42 =	vshll.u32 v3, $0xD;
	v2 =	vand.u32 $0xFFFFFC00, v2  }
0xb6: {  	v1 =	vshll.u32 v1, $0x7;
	v0 =	vand.u32 $0x7F, v0;
	v4 =	vadd.s32 v42, v2  }
0xb7: {  	v41 =	vand.u32 $0x380, v1;
	v1 =	vor.u32 v0, v4  }
0xb8: {  	v1 =	vor.u32 v41, v1;
	_ =	sdelay $0x2  }
0xb9: {  	v3 =	vshll.u32 v3, $0xB  }
0xba: {  	v17 =	vlaneseq.u32;
	v20 =	vor.u32 v41, v3  }
0xbb: {  	v3 =	vor.u32 v17, v20;
	v1 =	vld.idx.msk [tilespmem:v1+s23+$0x0], $0xffff;
	_ =	sdelay $0x4  }
0xbc: {  	[tilespmem:v3+s22+$0x0] =	vst.idx.msk $0xffff, v1  }
0xbd: {  	v1 =	vld [tilespmem:$0x110];
	_ =	sdelay $0x4  }
0xbe: {  	v3 =	vshll.u32 v1, $0x3  }
0xbf: {  	v3 =	vand.u32 $0xFFFFFC00, v3  }
0xc0: {  	v4 =	vmov s4;
	v1 =	vand.u32 $0x7F, v1;
	v3 =	vadd.s32 v42, v3  }
0xc1: {  	s28 =	simm.s32 $0x1;
	v5 =	vshll.u32 v4, $0x7;
	v1 =	vor.u32 v1, v3;
	v3 =	vshrl.u32 v4, $0x3  }
0xc2: {  	v18 =	vld [tilespmem:$0x1FF10];
	v4 =	vmov s28;
	v1 =	vor.u32 v41, v1;
	v30 =	vshll.u32 v3, $0xD  }
0xc3: {  	s26 =	simm.s32 $0x2;
	v28 =	vand.u32 $0x200, v5;
	v7 =	vshrl.u32 v4, $0x3;
	v5 =	vadd.s32 v30, v2  }
0xc4: {  	v6 =	vmov s26;
	v25 =	vshll.u32 v7, $0xD;
	v5 =	vor.u32 v0, v5  }
0xc5: {  	v4 =	vshll.u32 v4, $0x7;
	v8 =	vadd.s32 v25, v2;
	v5 =	vor.u32 v28, v5  }
0xc6: {  	v23 =	vand.u32 $0x280, v4;
	v4 =	vor.u32 v0, v8;
	v8 =	vshrl.u32 v6, $0x3  }
0xc7: {  	v10 =	vor.u32 v18, v20;
	v4 =	vor.u32 v23, v4;
	v63 =	vshll.u32 v8, $0xD;
	v9 =	vld.idx.msk [tilespmem:v1+s23+$0x0], $0xffff  }
0xc8: {  	v1 =	vshll.u32 v3, $0xB;
	v3 =	vshll.u32 v6, $0x7;
	v2 =	vadd.s32 v63, v2  }
0xc9: {  	v1 =	vor.u32 v28, v1;
	v62 =	vand.u32 $0x300, v3;
	v0 =	vor.u32 v0, v2  }
0xca: {  	v6 =	vshll.u32 v7, $0xB;
	v2 =	vor.u32 v17, v1;
	v0 =	vor.u32 v62, v0;
	v3 =	vld.idx.msk [tilespmem:v5+s23+$0x0], $0xffff  }
0xcb: {  	v22 =	vor.u32 v23, v6  }
0xcc: {  	v5 =	vor.u32 v17, v22;
	v4 =	vld.idx.msk [tilespmem:v4+s23+$0x0], $0xffff;
	[tilespmem:v10+s22+$0x0] =	vst.idx.msk $0xffff, v9  }
0xcd: {  	v7 =	vshll.u32 v8, $0xB;
	v6 =	vld [tilespmem:$0x120]  }
0xce: {  	v55 =	vor.u32 v62, v7  }
0xcf: {  	v7 =	vor.u32 v17, v55;
	v0 =	vld.idx.msk [tilespmem:v0+s23+$0x0], $0xffff;
	[tilespmem:v2+s22+$0x0] =	vst.idx.msk $0xffff, v3  }
0xd0: {  	v2 =	vld [tilespmem:$0x110]  }
0xd1: {  	[tilespmem:v5+s22+$0x0] =	vst.idx.msk $0xffff, v4  }
0xd2: {  	v3 =	vld [tilespmem:$0x110];
	v4 =	vshll.u32 v6, $0x3  }
0xd3: {  	v4 =	vand.u32 $0xFFFFFC00, v4  }
0xd4: {  	v5 =	vand.u32 $0x7F, v6;
	[tilespmem:v7+s22+$0x0] =	vst.idx.msk $0xffff, v0;
	v4 =	vadd.s32 v42, v4  }
0xd5: {  	v0 =	vor.u32 v5, v4;
	v4 =	vld [tilespmem:$0x110];
	v5 =	vshll.u32 v2, $0x3  }
0xd6: {  	v19 =	vld [tilespmem:$0x1FF20];
	v0 =	vor.u32 v41, v0;
	v5 =	vand.u32 $0xFFFFFC00, v5  }
0xd7: {  	v2 =	vand.u32 $0x7F, v2;
	v6 =	vshll.u32 v3, $0x3;
	v5 =	vadd.s32 v30, v5  }
0xd8: {  	v6 =	vand.u32 $0xFFFFFC00, v6;
	v2 =	vor.u32 v2, v5  }
0xd9: {  	v3 =	vand.u32 $0x7F, v3;
	v6 =	vadd.s32 v25, v6;
	v2 =	vor.u32 v28, v2  }
0xda: {  	v3 =	vor.u32 v3, v6;
	v5 =	vshll.u32 v4, $0x3  }
0xdb: {  	v6 =	vor.u32 v19, v20;
	v3 =	vor.u32 v23, v3;
	v0 =	vld.idx.msk [tilespmem:v0+s23+$0x0], $0xffff;
	v5 =	vand.u32 $0xFFFFFC00, v5  }
0xdc: {  	v4 =	vand.u32 $0x7F, v4;
	v5 =	vadd.s32 v63, v5  }
0xdd: {  	v4 =	vor.u32 v4, v5  }
0xde: {  	v5 =	vor.u32 v18, v1;
	v4 =	vor.u32 v62, v4;
	v2 =	vld.idx.msk [tilespmem:v2+s23+$0x0], $0xffff;
	_ =	sdelay $0x1  }
0xdf: {  	v7 =	vor.u32 v18, v22;
	v3 =	vld.idx.msk [tilespmem:v3+s23+$0x0], $0xffff;
	[tilespmem:v6+s22+$0x0] =	vst.idx.msk $0xffff, v0  }
0xe0: {  	v0 =	vld [tilespmem:$0x130];
	_ =	sdelay $0x1  }
0xe1: {  	v6 =	vor.u32 v18, v55;
	v4 =	vld.idx.msk [tilespmem:v4+s23+$0x0], $0xffff;
	[tilespmem:v5+s22+$0x0] =	vst.idx.msk $0xffff, v2  }
0xe2: {  	v2 =	vld [tilespmem:$0x120]  }
0xe3: {  	[tilespmem:v7+s22+$0x0] =	vst.idx.msk $0xffff, v3  }
0xe4: {  	v3 =	vld [tilespmem:$0x120];
	v5 =	vshll.u32 v0, $0x3  }
0xe5: {  	v5 =	vand.u32 $0xFFFFFC00, v5  }
0xe6: {  	v0 =	vand.u32 $0x7F, v0;
	v5 =	vadd.s32 v42, v5;
	[tilespmem:v6+s22+$0x0] =	vst.idx.msk $0xffff, v4  }
0xe7: {  	v0 =	vor.u32 v0, v5;
	v4 =	vld [tilespmem:$0x120];
	v5 =	vshll.u32 v2, $0x3  }
0xe8: {  	v43 =	vld [tilespmem:$0x1FF30];
	v0 =	vor.u32 v41, v0;
	v5 =	vand.u32 $0xFFFFFC00, v5  }
0xe9: {  	v2 =	vand.u32 $0x7F, v2;
	v6 =	vshll.u32 v3, $0x3;
	v5 =	vadd.s32 v30, v5  }
0xea: {  	v6 =	vand.u32 $0xFFFFFC00, v6;
	v2 =	vor.u32 v2, v5  }
0xeb: {  	v3 =	vand.u32 $0x7F, v3;
	v6 =	vadd.s32 v25, v6;
	v2 =	vor.u32 v28, v2  }
0xec: {  	v3 =	vor.u32 v3, v6;
	v5 =	vshll.u32 v4, $0x3  }
0xed: {  	v3 =	vor.u32 v23, v3;
	v6 =	vor.u32 v43, v20;
	v0 =	vld.idx.msk [tilespmem:v0+s23+$0x0], $0xffff;
	v5 =	vand.u32 $0xFFFFFC00, v5  }
0xee: {  	v4 =	vand.u32 $0x7F, v4;
	v5 =	vadd.s32 v63, v5  }
0xef: {  	v4 =	vor.u32 v4, v5  }
0xf0: {  	v5 =	vor.u32 v19, v1;
	v4 =	vor.u32 v62, v4;
	v2 =	vld.idx.msk [tilespmem:v2+s23+$0x0], $0xffff;
	_ =	sdelay $0x1  }
0xf1: {  	v7 =	vor.u32 v19, v22;
	v3 =	vld.idx.msk [tilespmem:v3+s23+$0x0], $0xffff;
	[tilespmem:v6+s22+$0x0] =	vst.idx.msk $0xffff, v0  }
0xf2: {  	v0 =	vld [tilespmem:$0x140];
	_ =	sdelay $0x1  }
0xf3: {  	v6 =	vor.u32 v19, v55;
	v4 =	vld.idx.msk [tilespmem:v4+s23+$0x0], $0xffff;
	[tilespmem:v5+s22+$0x0] =	vst.idx.msk $0xffff, v2  }
0xf4: {  	v2 =	vld [tilespmem:$0x130]  }
0xf5: {  	[tilespmem:v7+s22+$0x0] =	vst.idx.msk $0xffff, v3  }
0xf6: {  	v3 =	vld [tilespmem:$0x130];
	v5 =	vshll.u32 v0, $0x3  }
0xf7: {  	v5 =	vand.u32 $0xFFFFFC00, v5  }
0xf8: {  	v0 =	vand.u32 $0x7F, v0;
	v5 =	vadd.s32 v42, v5;
	[tilespmem:v6+s22+$0x0] =	vst.idx.msk $0xffff, v4  }
0xf9: {  	v0 =	vor.u32 v0, v5;
	v4 =	vld [tilespmem:$0x130];
	v5 =	vshll.u32 v2, $0x3  }
0xfa: {  	v45 =	vld [tilespmem:$0x1FF40];
	v0 =	vor.u32 v41, v0;
	v5 =	vand.u32 $0xFFFFFC00, v5  }
0xfb: {  	v2 =	vand.u32 $0x7F, v2;
	v6 =	vshll.u32 v3, $0x3;
	v5 =	vadd.s32 v30, v5  }
0xfc: {  	v6 =	vand.u32 $0xFFFFFC00, v6;
	v2 =	vor.u32 v2, v5  }
0xfd: {  	v3 =	vand.u32 $0x7F, v3;
	v6 =	vadd.s32 v25, v6;
	v2 =	vor.u32 v28, v2  }
0xfe: {  	v3 =	vor.u32 v3, v6;
	v5 =	vshll.u32 v4, $0x3  }
0xff: {  	v3 =	vor.u32 v23, v3;
	v6 =	vor.u32 v45, v20;
	v0 =	vld.idx.msk [tilespmem:v0+s23+$0x0], $0xffff;
	v5 =	vand.u32 $0xFFFFFC00, v5  }
0x100: {  	v4 =	vand.u32 $0x7F, v4;
	v5 =	vadd.s32 v63, v5  }
0x101: {  	v4 =	vor.u32 v4, v5  }
0x102: {  	v5 =	vor.u32 v43, v1;
	v4 =	vor.u32 v62, v4;
	v2 =	vld.idx.msk [tilespmem:v2+s23+$0x0], $0xffff;
	_ =	sdelay $0x1  }
0x103: {  	v7 =	vor.u32 v43, v22;
	v3 =	vld.idx.msk [tilespmem:v3+s23+$0x0], $0xffff;
	[tilespmem:v6+s22+$0x0] =	vst.idx.msk $0xffff, v0  }
0x104: {  	v0 =	vld [tilespmem:$0x150];
	_ =	sdelay $0x1  }
0x105: {  	v6 =	vor.u32 v43, v55;
	v4 =	vld.idx.msk [tilespmem:v4+s23+$0x0], $0xffff;
	[tilespmem:v5+s22+$0x0] =	vst.idx.msk $0xffff, v2  }
0x106: {  	v2 =	vld [tilespmem:$0x140]  }
0x107: {  	[tilespmem:v7+s22+$0x0] =	vst.idx.msk $0xffff, v3  }
0x108: {  	v3 =	vld [tilespmem:$0x140];
	v5 =	vshll.u32 v0, $0x3  }
0x109: {  	v5 =	vand.u32 $0xFFFFFC00, v5  }
0x10a: {  	v0 =	vand.u32 $0x7F, v0;
	v5 =	vadd.s32 v42, v5;
	[tilespmem:v6+s22+$0x0] =	vst.idx.msk $0xffff, v4  }
0x10b: {  	v0 =	vor.u32 v0, v5;
	v4 =	vld [tilespmem:$0x140];
	v5 =	vshll.u32 v2, $0x3  }
0x10c: {  	v51 =	vld [tilespmem:$0x1FF50];
	v0 =	vor.u32 v41, v0;
	v5 =	vand.u32 $0xFFFFFC00, v5  }
0x10d: {  	v2 =	vand.u32 $0x7F, v2;
	v6 =	vshll.u32 v3, $0x3;
	v5 =	vadd.s32 v30, v5  }
0x10e: {  	v6 =	vand.u32 $0xFFFFFC00, v6;
	v2 =	vor.u32 v2, v5  }
0x10f: {  	v3 =	vand.u32 $0x7F, v3;
	v6 =	vadd.s32 v25, v6;
	v2 =	vor.u32 v28, v2  }
0x110: {  	v3 =	vor.u32 v3, v6;
	v5 =	vshll.u32 v4, $0x3  }
0x111: {  	v3 =	vor.u32 v23, v3;
	v6 =	vor.u32 v51, v20;
	v0 =	vld.idx.msk [tilespmem:v0+s23+$0x0], $0xffff;
	v5 =	vand.u32 $0xFFFFFC00, v5  }
0x112: {  	v4 =	vand.u32 $0x7F, v4;
	v5 =	vadd.s32 v63, v5  }
0x113: {  	v4 =	vor.u32 v4, v5  }
0x114: {  	v5 =	vor.u32 v45, v1;
	v4 =	vor.u32 v62, v4;
	v2 =	vld.idx.msk [tilespmem:v2+s23+$0x0], $0xffff;
	_ =	sdelay $0x1  }
0x115: {  	v7 =	vor.u32 v45, v22;
	v3 =	vld.idx.msk [tilespmem:v3+s23+$0x0], $0xffff;
	[tilespmem:v6+s22+$0x0] =	vst.idx.msk $0xffff, v0  }
0x116: {  	v0 =	vld [tilespmem:$0x160];
	_ =	sdelay $0x1  }
0x117: {  	v6 =	vor.u32 v45, v55;
	v4 =	vld.idx.msk [tilespmem:v4+s23+$0x0], $0xffff;
	[tilespmem:v5+s22+$0x0] =	vst.idx.msk $0xffff, v2  }
0x118: {  	v2 =	vld [tilespmem:$0x150]  }
0x119: {  	[tilespmem:v7+s22+$0x0] =	vst.idx.msk $0xffff, v3  }
0x11a: {  	v3 =	vld [tilespmem:$0x150];
	v5 =	vshll.u32 v0, $0x3  }
0x11b: {  	v5 =	vand.u32 $0xFFFFFC00, v5  }
0x11c: {  	v0 =	vand.u32 $0x7F, v0;
	v5 =	vadd.s32 v42, v5;
	[tilespmem:v6+s22+$0x0] =	vst.idx.msk $0xffff, v4  }
0x11d: {  	v0 =	vor.u32 v0, v5;
	v4 =	vld [tilespmem:$0x150];
	v5 =	vshll.u32 v2, $0x3  }
0x11e: {  	v21 =	vld [tilespmem:$0x1FF60];
	v0 =	vor.u32 v41, v0;
	v5 =	vand.u32 $0xFFFFFC00, v5  }
0x11f: {  	v2 =	vand.u32 $0x7F, v2;
	v6 =	vshll.u32 v3, $0x3;
	v5 =	vadd.s32 v30, v5  }
0x120: {  	v6 =	vand.u32 $0xFFFFFC00, v6;
	v2 =	vor.u32 v2, v5  }
0x121: {  	v3 =	vand.u32 $0x7F, v3;
	v5 =	vadd.s32 v25, v6;
	v2 =	vor.u32 v28, v2  }
0x122: {  	v3 =	vor.u32 v3, v5;
	v5 =	vshll.u32 v4, $0x3  }
0x123: {  	v3 =	vor.u32 v23, v3;
	v6 =	vor.u32 v21, v20;
	v0 =	vld.idx.msk [tilespmem:v0+s23+$0x0], $0xffff;
	v5 =	vand.u32 $0xFFFFFC00, v5  }
0x124: {  	v4 =	vand.u32 $0x7F, v4;
	v5 =	vadd.s32 v63, v5  }
0x125: {  	v4 =	vor.u32 v4, v5  }
0x126: {  	v5 =	vor.u32 v51, v1;
	v4 =	vor.u32 v62, v4;
	v2 =	vld.idx.msk [tilespmem:v2+s23+$0x0], $0xffff;
	_ =	sdelay $0x1  }
0x127: {  	v7 =	vor.u32 v51, v22;
	v3 =	vld.idx.msk [tilespmem:v3+s23+$0x0], $0xffff;
	[tilespmem:v6+s22+$0x0] =	vst.idx.msk $0xffff, v0  }
0x128: {  	v0 =	vld [tilespmem:$0x170];
	_ =	sdelay $0x1  }
0x129: {  	v6 =	vor.u32 v51, v55;
	v4 =	vld.idx.msk [tilespmem:v4+s23+$0x0], $0xffff;
	[tilespmem:v5+s22+$0x0] =	vst.idx.msk $0xffff, v2  }
0x12a: {  	s26 =	simm.s32 $0x5;
	v5 =	vld [tilespmem:$0x160]  }
0x12b: {  	v9 =	vmov s26;
	s26 =	simm.s32 $0x7;
	[tilespmem:v7+s22+$0x0] =	vst.idx.msk $0xffff, v3  }
0x12c: {  	v14 =	vmov s26;
	v7 =	vld [tilespmem:$0x160];
	v8 =	vshll.u32 v0, $0x3  }
0x12d: {  	v15 =	vshrl.u32 v14, $0x3;
	v14 =	vshll.u32 v14, $0x7;
	v8 =	vand.u32 $0xFFFFFC00, v8  }
0x12e: {  	v40 =	vshll.u32 v15, $0xD;
	v0 =	vand.u32 $0x7F, v0;
	v8 =	vadd.s32 v42, v8;
	[tilespmem:v6+s22+$0x0] =	vst.idx.msk $0xffff, v4  }
0x12f: {  	v39 =	vand.u32 $0x380, v14;
	v0 =	vor.u32 v0, v8;
	v4 =	vld [tilespmem:$0x160];
	v6 =	vshll.u32 v5, $0x3  }
0x130: {  	v13 =	vor.u32 v21, v1;
	v50 =	vld [tilespmem:$0x1FF70];
	v0 =	vor.u32 v41, v0;
	v6 =	vand.u32 $0xFFFFFC00, v6  }
0x131: {  	s28 =	simm.s32 $0x4;
	v5 =	vand.u32 $0x7F, v5;
	v11 =	vshll.u32 v7, $0x3;
	v6 =	vadd.s32 v30, v6  }
0x132: {  	v2 =	vmov s28;
	v11 =	vand.u32 $0xFFFFFC00, v11;
	v5 =	vor.u32 v5, v6;
	v6 =	vld [tilespmem:$0x100]  }
0x133: {  	v3 =	vshll.u32 v2, $0x7;
	v7 =	vand.u32 $0x7F, v7;
	v11 =	vadd.s32 v25, v11  }
0x134: {  	v7 =	vor.u32 v7, v11;
	v5 =	vor.u32 v28, v5;
	v11 =	vshll.u32 v4, $0x3  }
0x135: {  	v7 =	vor.u32 v23, v7;
	v12 =	vor.u32 v50, v20;
	v0 =	vld.idx.msk [tilespmem:v0+s23+$0x0], $0xffff;
	v11 =	vand.u32 $0xFFFFFC00, v11  }
0x136: {  	v2 =	vshrl.u32 v2, $0x3;
	v4 =	vand.u32 $0x7F, v4;
	v11 =	vadd.s32 v63, v11  }
0x137: {  	v29 =	vand.u32 $0x200, v3;
	v4 =	vor.u32 v4, v11;
	v11 =	vshll.u32 v6, $0x3  }
0x138: {  	v3 =	vshll.u32 v9, $0x7;
	v4 =	vor.u32 v62, v4;
	v11 =	vand.u32 $0xFFFFFC00, v11  }
0x139: {  	s28 =	simm.s32 $0x6;
	v9 =	vshrl.u32 v9, $0x3;
	v6 =	vand.u32 $0x7F, v6;
	v5 =	vld.idx.msk [tilespmem:v5+s23+$0x0], $0xffff;
	v16 =	vadd.s32 v40, v11  }
0x13a: {  	v10 =	vmov s28;
	v7 =	vld.idx.msk [tilespmem:v7+s23+$0x0], $0xffff;
	[tilespmem:v12+s22+$0x0] =	vst.idx.msk $0xffff, v0;
	v0 =	vor.u32 v21, v22;
	v12 =	vor.u32 v6, v16  }
0x13b: {  	v36 =	vand.u32 $0x280, v3;
	v8 =	vshll.u32 v10, $0x7;
	v3 =	vor.u32 v39, v12  }
0x13c: {  	v31 =	vshll.u32 v2, $0xD;
	v38 =	vshll.u32 v9, $0xD;
	v32 =	vand.u32 $0x300, v8;
	v14 =	vld [tilespmem:$0x180]  }
0x13d: {  	v8 =	vor.u32 v21, v55;
	v16 =	vadd.s32 v38, v11;
	v12 =	vadd.s32 v31, v11;
	v4 =	vld.idx.msk [tilespmem:v4+s23+$0x0], $0xffff  }
0x13e: {  	[tilespmem:v13+s22+$0x0] =	vst.idx.msk $0xffff, v5;
	v5 =	vor.u32 v6, v12;
	v12 =	vor.u32 v6, v16;
	v13 =	vshll.u32 v15, $0xB  }
0x13f: {  	v10 =	vshrl.u32 v10, $0x3;
	v34 =	vor.u32 v39, v13;
	[tilespmem:v0+s22+$0x0] =	vst.idx.msk $0xffff, v7;
	v0 =	vor.u32 v29, v5  }
0x140: {  	v37 =	vshll.u32 v10, $0xD;
	v7 =	vor.u32 v36, v12;
	v12 =	vor.u32 v17, v34;
	v3 =	vld.idx.msk [tilespmem:v3+s23+$0x0], $0xffff  }
0x141: {  	v2 =	vshll.u32 v2, $0xB;
	v11 =	vadd.s32 v37, v11;
	v15 =	vld [tilespmem:$0x170];
	v5 =	vshll.u32 v14, $0x3  }
0x142: {  	v33 =	vor.u32 v29, v2;
	v6 =	vor.u32 v6, v11;
	v13 =	vld [tilespmem:$0x170];
	v5 =	vand.u32 $0xFFFFFC00, v5;
	[tilespmem:v8+s22+$0x0] =	vst.idx.msk $0xffff, v4  }
0x143: {  	v11 =	vand.u32 $0x7F, v14;
	v5 =	vadd.s32 v42, v5;
	v4 =	vor.u32 v32, v6;
	v2 =	vld [tilespmem:$0x170]  }
0x144: {  	v6 =	vshll.u32 v9, $0xB;
	v8 =	vshll.u32 v10, $0xB;
	v9 =	vor.u32 v17, v33;
	v0 =	vld.idx.msk [tilespmem:v0+s23+$0x0], $0xffff  }
0x145: {  	v5 =	vor.u32 v11, v5;
	v35 =	vor.u32 v36, v6;
	v6 =	vld.idx.msk [tilespmem:v7+s23+$0x0], $0xffff;
	[tilespmem:v12+s22+$0x0] =	vst.idx.msk $0xffff, v3  }
0x146: {  	v46 =	vor.u32 v32, v8;
	v5 =	vor.u32 v41, v5;
	v3 =	vor.u32 v17, v35;
	v10 =	vld [tilespmem:$0x110]  }
0x147: {  	v7 =	vshll.u32 v15, $0x3;
	v11 =	vor.u32 v17, v46;
	v61 =	vld [tilespmem:$0x1FF80]  }
0x148: {  	v15 =	vand.u32 $0x7F, v15;
	v8 =	vshll.u32 v13, $0x3;
	v7 =	vand.u32 $0xFFFFFC00, v7  }
0x149: {  	v13 =	vand.u32 $0x7F, v13;
	v8 =	vand.u32 $0xFFFFFC00, v8;
	v7 =	vadd.s32 v30, v7;
	v4 =	vld.idx.msk [tilespmem:v4+s23+$0x0], $0xffff  }
0x14a: {  	v8 =	vadd.s32 v25, v8;
	v7 =	vor.u32 v15, v7;
	v12 =	vshll.u32 v2, $0x3;
	[tilespmem:v9+s22+$0x0] =	vst.idx.msk $0xffff, v0  }
0x14b: {  	v2 =	vand.u32 $0x7F, v2;
	v5 =	vld.idx.msk [tilespmem:v5+s23+$0x0], $0xffff;
	v12 =	vand.u32 $0xFFFFFC00, v12;
	[tilespmem:v3+s22+$0x0] =	vst.idx.msk $0xffff, v6;
	v6 =	vor.u32 v28, v7  }
0x14c: {  	v0 =	vor.u32 v13, v8;
	v8 =	vld [tilespmem:$0x110];
	v14 =	vor.u32 v61, v20;
	v3 =	vshll.u32 v10, $0x3  }
0x14d: {  	v12 =	vadd.s32 v63, v12;
	v0 =	vor.u32 v23, v0;
	v3 =	vand.u32 $0xFFFFFC00, v3  }
0x14e: {  	v2 =	vor.u32 v2, v12;
	v9 =	vand.u32 $0x7F, v10;
	v3 =	vadd.s32 v40, v3  }
0x14f: {  	v7 =	vld [tilespmem:$0x110];
	v2 =	vor.u32 v62, v2;
	v3 =	vor.u32 v9, v3  }
0x150: {  	[tilespmem:v11+s22+$0x0] =	vst.idx.msk $0xffff, v4;
	v9 =	vor.u32 v50, v1;
	v3 =	vor.u32 v39, v3;
	v6 =	vld.idx.msk [tilespmem:v6+s23+$0x0], $0xffff  }
0x151: {  	v4 =	vld [tilespmem:$0x110];
	v12 =	vshll.u32 v8, $0x3;
	[tilespmem:v14+s22+$0x0] =	vst.idx.msk $0xffff, v5  }
0x152: {  	v12 =	vand.u32 $0xFFFFFC00, v12;
	v5 =	vld [tilespmem:$0x190]  }
0x153: {  	v10 =	vor.u32 v50, v22;
	v0 =	vld.idx.msk [tilespmem:v0+s23+$0x0], $0xffff;
	v8 =	vand.u32 $0x7F, v8;
	v12 =	vadd.s32 v31, v12  }
0x154: {  	v11 =	vor.u32 v50, v55;
	v2 =	vld.idx.msk [tilespmem:v2+s23+$0x0], $0xffff;
	v8 =	vor.u32 v8, v12  }
0x155: {  	v16 =	vor.u32 v18, v34;
	v3 =	vld.idx.msk [tilespmem:v3+s23+$0x0], $0xffff;
	[tilespmem:v9+s22+$0x0] =	vst.idx.msk $0xffff, v6;
	v6 =	vor.u32 v29, v8  }
0x156: {  	v13 =	vshll.u32 v7, $0x3  }
0x157: {  	v7 =	vand.u32 $0x7F, v7;
	v13 =	vand.u32 $0xFFFFFC00, v13;
	v15 =	vshll.u32 v5, $0x3  }
0x158: {  	v14 =	vshll.u32 v4, $0x3;
	v13 =	vadd.s32 v38, v13;
	[tilespmem:v10+s22+$0x0] =	vst.idx.msk $0xffff, v0;
	v15 =	vand.u32 $0xFFFFFC00, v15  }
0x159: {  	v7 =	vor.u32 v7, v13;
	v9 =	vld [tilespmem:$0x180];
	v5 =	vand.u32 $0x7F, v5;
	[tilespmem:v11+s22+$0x0] =	vst.idx.msk $0xffff, v2;
	v12 =	vadd.s32 v42, v15  }
0x15a: {  	v2 =	vor.u32 v36, v7;
	v5 =	vor.u32 v5, v12;
	[tilespmem:v16+s22+$0x0] =	vst.idx.msk $0xffff, v3;
	v6 =	vld.idx.msk [tilespmem:v6+s23+$0x0], $0xffff  }
0x15b: {  	v8 =	vand.u32 $0xFFFFFC00, v14;
	v0 =	vor.u32 v41, v5;
	v54 =	vld [tilespmem:$0x1FF90]  }
0x15c: {  	v4 =	vand.u32 $0x7F, v4;
	v5 =	vadd.s32 v37, v8;
	v8 =	vld [tilespmem:$0x180]  }
0x15d: {  	v7 =	vor.u32 v18, v33;
	v4 =	vor.u32 v4, v5;
	v5 =	vld [tilespmem:$0x180]  }
0x15e: {  	v11 =	vand.u32 $0x7F, v9;
	v9 =	vshll.u32 v9, $0x3;
	v3 =	vor.u32 v32, v4;
	v4 =	vld [tilespmem:$0x120]  }
0x15f: {  	v10 =	vor.u32 v18, v35;
	v9 =	vand.u32 $0xFFFFFC00, v9;
	v2 =	vld.idx.msk [tilespmem:v2+s23+$0x0], $0xffff  }
0x160: {  	v9 =	vadd.s32 v30, v9;
	v0 =	vld.idx.msk [tilespmem:v0+s23+$0x0], $0xffff;
	v12 =	vor.u32 v54, v20  }
0x161: {  	v9 =	vor.u32 v11, v9;
	v13 =	vand.u32 $0x7F, v8;
	v8 =	vshll.u32 v8, $0x3  }
0x162: {  	v14 =	vor.u32 v18, v46;
	[tilespmem:v7+s22+$0x0] =	vst.idx.msk $0xffff, v6;
	v7 =	vor.u32 v28, v9;
	v8 =	vand.u32 $0xFFFFFC00, v8  }
0x163: {  	v15 =	vshll.u32 v5, $0x3;
	v5 =	vand.u32 $0x7F, v5;
	v16 =	vshll.u32 v4, $0x3  }
0x164: {  	[tilespmem:v10+s22+$0x0] =	vst.idx.msk $0xffff, v2;
	v3 =	vld.idx.msk [tilespmem:v3+s23+$0x0], $0xffff;
	v8 =	vadd.s32 v25, v8;
	v4 =	vand.u32 $0x7F, v4;
	v6 =	vand.u32 $0xFFFFFC00, v16  }
0x165: {  	v8 =	vor.u32 v13, v8;
	v6 =	vadd.s32 v40, v6;
	[tilespmem:v12+s22+$0x0] =	vst.idx.msk $0xffff, v0;
	v0 =	vand.u32 $0xFFFFFC00, v15  }
0x166: {  	v9 =	vld [tilespmem:$0x120];
	v8 =	vor.u32 v23, v8;
	v2 =	vor.u32 v4, v6;
	v0 =	vadd.s32 v63, v0  }
0x167: {  	v7 =	vld.idx.msk [tilespmem:v7+s23+$0x0], $0xffff;
	v2 =	vor.u32 v39, v2;
	v0 =	vor.u32 v5, v0  }
0x168: {  	v4 =	vld [tilespmem:$0x1A0];
	v0 =	vor.u32 v62, v0  }
0x169: {  	v6 =	vld [tilespmem:$0x120];
	[tilespmem:v14+s22+$0x0] =	vst.idx.msk $0xffff, v3  }
0x16a: {  	v3 =	vor.u32 v61, v1;
	v5 =	vld [tilespmem:$0x120]  }
0x16b: {  	v10 =	vor.u32 v61, v22;
	v8 =	vld.idx.msk [tilespmem:v8+s23+$0x0], $0xffff  }
0x16c: {  	v12 =	vshll.u32 v9, $0x3;
	v15 =	vor.u32 v19, v34;
	v2 =	vld.idx.msk [tilespmem:v2+s23+$0x0], $0xffff  }
0x16d: {  	v11 =	vor.u32 v61, v55;
	v12 =	vand.u32 $0xFFFFFC00, v12;
	v13 =	vshll.u32 v4, $0x3;
	v0 =	vld.idx.msk [tilespmem:v0+s23+$0x0], $0xffff  }
0x16e: {  	v9 =	vand.u32 $0x7F, v9;
	v12 =	vadd.s32 v31, v12;
	v13 =	vand.u32 $0xFFFFFC00, v13  }
0x16f: {  	v14 =	vshll.u32 v6, $0x3;
	v4 =	vand.u32 $0x7F, v4;
	[tilespmem:v3+s22+$0x0] =	vst.idx.msk $0xffff, v7;
	v13 =	vadd.s32 v42, v13  }
0x170: {  	v14 =	vand.u32 $0xFFFFFC00, v14;
	v16 =	vshll.u32 v5, $0x3;
	v4 =	vor.u32 v4, v13;
	[tilespmem:v10+s22+$0x0] =	vst.idx.msk $0xffff, v8  }
0x171: {  	v3 =	vor.u32 v41, v4;
	v4 =	vand.u32 $0x7F, v6;
	v6 =	vor.u32 v9, v12;
	v9 =	vld [tilespmem:$0x190];
	[tilespmem:v15+s22+$0x0] =	vst.idx.msk $0xffff, v2  }
0x172: {  	v13 =	vadd.s32 v38, v14;
	v14 =	vand.u32 $0xFFFFFC00, v16;
	v8 =	vld [tilespmem:$0x190];
	[tilespmem:v11+s22+$0x0] =	vst.idx.msk $0xffff, v0  }
0x173: {  	v5 =	vand.u32 $0x7F, v5;
	v7 =	vadd.s32 v37, v14;
	v44 =	vld [tilespmem:$0x1FFA0]  }
0x174: {  	v6 =	vor.u32 v29, v6;
	v2 =	vor.u32 v5, v7;
	v5 =	vld [tilespmem:$0x130]  }
0x175: {  	v4 =	vor.u32 v4, v13  }
0x176: {  	v4 =	vor.u32 v36, v4  }
0x177: {  	v7 =	vor.u32 v19, v33;
	v2 =	vor.u32 v32, v2;
	v11 =	vor.u32 v19, v35  }
0x178: {  	v0 =	vld.idx.msk [tilespmem:v3+s23+$0x0], $0xffff;
	v12 =	vshll.u32 v9, $0x3;
	v9 =	vand.u32 $0x7F, v9;
	v3 =	vor.u32 v44, v20  }
0x179: {  	v14 =	vand.u32 $0x7F, v8;
	v12 =	vand.u32 $0xFFFFFC00, v12;
	v6 =	vld.idx.msk [tilespmem:v6+s23+$0x0], $0xffff;
	v15 =	vshll.u32 v5, $0x3  }
0x17a: {  	v10 =	vld [tilespmem:$0x190];
	v8 =	vshll.u32 v8, $0x3;
	v12 =	vadd.s32 v30, v12;
	v15 =	vand.u32 $0xFFFFFC00, v15  }
0x17b: {  	v4 =	vld.idx.msk [tilespmem:v4+s23+$0x0], $0xffff;
	v5 =	vand.u32 $0x7F, v5;
	v9 =	vor.u32 v9, v12;
	v12 =	vadd.s32 v40, v15  }
0x17c: {  	v13 =	vor.u32 v19, v46;
	v8 =	vand.u32 $0xFFFFFC00, v8;
	v5 =	vor.u32 v5, v12  }
0x17d: {  	v5 =	vor.u32 v39, v5;
	[tilespmem:v3+s22+$0x0] =	vst.idx.msk $0xffff, v0;
	v0 =	vadd.s32 v25, v8  }
0x17e: {  	v2 =	vld.idx.msk [tilespmem:v2+s23+$0x0], $0xffff;
	[tilespmem:v7+s22+$0x0] =	vst.idx.msk $0xffff, v6;
	v3 =	vor.u32 v28, v9;
	v0 =	vor.u32 v14, v0  }
0x17f: {  	v7 =	vld [tilespmem:$0x130];
	v0 =	vor.u32 v23, v0  }
0x180: {  	[tilespmem:v11+s22+$0x0] =	vst.idx.msk $0xffff, v4;
	v9 =	vshll.u32 v10, $0x3;
	v8 =	vld [tilespmem:$0x1B0]  }
0x181: {  	v6 =	vand.u32 $0xFFFFFC00, v9;
	v9 =	vld [tilespmem:$0x130]  }
0x182: {  	v4 =	vand.u32 $0x7F, v10;
	v11 =	vor.u32 v43, v34;
	v6 =	vadd.s32 v63, v6;
	v5 =	vld.idx.msk [tilespmem:v5+s23+$0x0], $0xffff  }
0x183: {  	[tilespmem:v13+s22+$0x0] =	vst.idx.msk $0xffff, v2;
	v2 =	vor.u32 v4, v6;
	v6 =	vor.u32 v54, v1;
	v3 =	vld.idx.msk [tilespmem:v3+s23+$0x0], $0xffff  }
0x184: {  	v12 =	vor.u32 v54, v22;
	v2 =	vor.u32 v62, v2;
	v0 =	vld.idx.msk [tilespmem:v0+s23+$0x0], $0xffff  }
0x185: {  	v10 =	vshll.u32 v8, $0x3  }
0x186: {  	v4 =	vld [tilespmem:$0x130];
	v10 =	vand.u32 $0xFFFFFC00, v10  }
0x187: {  	v13 =	vor.u32 v54, v55;
	v8 =	vand.u32 $0x7F, v8;
	[tilespmem:v11+s22+$0x0] =	vst.idx.msk $0xffff, v5;
	v10 =	vadd.s32 v42, v10  }
0x188: {  	v14 =	vshll.u32 v9, $0x3;
	v8 =	vor.u32 v8, v10;
	v10 =	vshll.u32 v7, $0x3;
	[tilespmem:v6+s22+$0x0] =	vst.idx.msk $0xffff, v3  }
0x189: {  	v14 =	vand.u32 $0xFFFFFC00, v14;
	v5 =	vand.u32 $0x7F, v9;
	v2 =	vld.idx.msk [tilespmem:v2+s23+$0x0], $0xffff;
	v10 =	vand.u32 $0xFFFFFC00, v10;
	[tilespmem:v12+s22+$0x0] =	vst.idx.msk $0xffff, v0  }
0x18a: {  	v8 =	vor.u32 v41, v8;
	v6 =	vadd.s32 v31, v10;
	v10 =	vadd.s32 v38, v14;
	v48 =	vld [tilespmem:$0x1FFB0]  }
0x18b: {  	v7 =	vand.u32 $0x7F, v7;
	v3 =	vshll.u32 v4, $0x3;
	v14 =	vld [tilespmem:$0x1A0];
	v5 =	vor.u32 v5, v10  }
0x18c: {  	v3 =	vand.u32 $0xFFFFFC00, v3;
	v0 =	vor.u32 v7, v6;
	v6 =	vld [tilespmem:$0x140];
	v5 =	vor.u32 v36, v5  }
0x18d: {  	v4 =	vand.u32 $0x7F, v4;
	v3 =	vadd.s32 v37, v3  }
0x18e: {  	v7 =	vld [tilespmem:$0x1A0];
	v0 =	vor.u32 v29, v0;
	v3 =	vor.u32 v4, v3  }
0x18f: {  	v3 =	vor.u32 v32, v3;
	v8 =	vld.idx.msk [tilespmem:v8+s23+$0x0], $0xffff;
	v9 =	vor.u32 v48, v20  }
0x190: {  	[tilespmem:v13+s22+$0x0] =	vst.idx.msk $0xffff, v2;
	v2 =	vor.u32 v43, v35  }
0x191: {  	v12 =	vand.u32 $0x7F, v14;
	v13 =	vshll.u32 v14, $0x3;
	v14 =	vshll.u32 v6, $0x3;
	v5 =	vld.idx.msk [tilespmem:v5+s23+$0x0], $0xffff  }
0x192: {  	v11 =	vor.u32 v43, v46;
	v10 =	vor.u32 v43, v33;
	v4 =	vld [tilespmem:$0x1A0];
	v14 =	vand.u32 $0xFFFFFC00, v14  }
0x193: {  	v13 =	vand.u32 $0xFFFFFC00, v13;
	v6 =	vand.u32 $0x7F, v6;
	v0 =	vld.idx.msk [tilespmem:v0+s23+$0x0], $0xffff;
	v14 =	vadd.s32 v40, v14  }
0x194: {  	v15 =	vand.u32 $0x7F, v7;
	v7 =	vshll.u32 v7, $0x3;
	v3 =	vld.idx.msk [tilespmem:v3+s23+$0x0], $0xffff;
	v6 =	vor.u32 v6, v14;
	[tilespmem:v9+s22+$0x0] =	vst.idx.msk $0xffff, v8  }
0x195: {  	v7 =	vand.u32 $0xFFFFFC00, v7;
	v6 =	vor.u32 v39, v6;
	v8 =	vadd.s32 v30, v13;
	v9 =	vld [tilespmem:$0x1C0]  }
0x196: {  	v7 =	vadd.s32 v25, v7;
	[tilespmem:v2+s22+$0x0] =	vst.idx.msk $0xffff, v5;
	v8 =	vor.u32 v12, v8  }
0x197: {  	s25 =	simm.s32 $0x8;
	v7 =	vor.u32 v15, v7;
	v13 =	vshll.u32 v4, $0x3;
	v5 =	vld [tilespmem:$0x140];
	v8 =	vor.u32 v28, v8  }
0x198: {  	[tilespmem:v10+s22+$0x0] =	vst.idx.msk $0xffff, v0;
	v0 =	vor.u32 v23, v7;
	v7 =	vmov s25;
	v12 =	vand.u32 $0xFFFFFC00, v13  }
0x199: {  	v4 =	vand.u32 $0x7F, v4;
	v10 =	vld [tilespmem:$0x140];
	[tilespmem:v11+s22+$0x0] =	vst.idx.msk $0xffff, v3;
	v3 =	vshrl.u32 v7, $0x3;
	v12 =	vadd.s32 v63, v12  }
0x19a: {  	v13 =	vor.u32 v45, v34;
	v4 =	vor.u32 v4, v12;
	v6 =	vld.idx.msk [tilespmem:v6+s23+$0x0], $0xffff;
	v12 =	vshll.u32 v9, $0x3  }
0x19b: {  	v2 =	vor.u32 v62, v4;
	v4 =	vshll.u32 v7, $0x7;
	v11 =	vand.u32 $0xFFFFFC00, v12;
	v12 =	vld [tilespmem:$0x140]  }
0x19c: {  	v7 =	vor.u32 v44, v1;
	v16 =	vand.u32 $0x7F, v5;
	v5 =	vshll.u32 v5, $0x3;
	v8 =	vld.idx.msk [tilespmem:v8+s23+$0x0], $0xffff  }
0x19d: {  	v52 =	vor.u32 v44, v55;
	v15 =	vor.u32 v44, v22;
	v5 =	vand.u32 $0xFFFFFC00, v5  }
0x19e: {  	v9 =	vand.u32 $0x7F, v9;
	v11 =	vadd.s32 v42, v11;
	v5 =	vadd.s32 v38, v5  }
0x19f: {  	v9 =	vor.u32 v9, v11;
	v11 =	vand.u32 $0x7F, v10;
	v10 =	vshll.u32 v10, $0x3  }
0x1a0: {  	v0 =	vld.idx.msk [tilespmem:v0+s23+$0x0], $0xffff;
	[tilespmem:v13+s22+$0x0] =	vst.idx.msk $0xffff, v6;
	v5 =	vor.u32 v16, v5;
	v10 =	vand.u32 $0xFFFFFC00, v10  }
0x1a1: {  	v2 =	vld.idx.msk [tilespmem:v2+s23+$0x0], $0xffff;
	v10 =	vadd.s32 v31, v10;
	v53 =	vand.u32 $0x7F, v12;
	v12 =	vshll.u32 v12, $0x3;
	[tilespmem:v7+s22+$0x0] =	vst.idx.msk $0xffff, v8  }
0x1a2: {  	v9 =	vor.u32 v41, v9;
	v6 =	vor.u32 v11, v10;
	v10 =	vand.u32 $0xFFFFFC00, v12;
	v57 =	vld [tilespmem:$0x1FFC0]  }
0x1a3: {  	v13 =	vor.u32 v36, v5;
	v11 =	vld [tilespmem:$0x150];
	v12 =	vor.u32 v29, v6;
	v5 =	vadd.s32 v37, v10  }
0x1a4: {  	v5 =	vor.u32 v53, v5  }
0x1a5: {  	v16 =	vld [tilespmem:$0x1B0];
	[tilespmem:v15+s22+$0x0] =	vst.idx.msk $0xffff, v0;
	v8 =	vor.u32 v32, v5  }
0x1a6: {  	v15 =	vld [tilespmem:$0x1B0]  }
0x1a7: {  	s28 =	simm.s32 $0xA;
	v56 =	vor.u32 v45, v35;
	v9 =	vld.idx.msk [tilespmem:v9+s23+$0x0], $0xffff;
	v7 =	vor.u32 v57, v20  }
0x1a8: {  	v10 =	vmov s28;
	[tilespmem:v52+s22+$0x0] =	vst.idx.msk $0xffff, v2;
	v2 =	vor.u32 v45, v33;
	v0 =	vshll.u32 v11, $0x3;
	v12 =	vld.idx.msk [tilespmem:v12+s23+$0x0], $0xffff  }
0x1a9: {  	s26 =	simm.s32 $0x9;
	v6 =	vshll.u32 v10, $0x7;
	v47 =	vand.u32 $0xFFFFFC00, v0;
	v0 =	vshrl.u32 v10, $0x3;
	v10 =	vld.idx.msk [tilespmem:v13+s23+$0x0], $0xffff  }
0x1aa: {  	v14 =	vmov s26;
	v45 =	vor.u32 v45, v46;
	v8 =	vld.idx.msk [tilespmem:v8+s23+$0x0], $0xffff  }
0x1ab: {  	v59 =	vshll.u32 v3, $0xD;
	v11 =	vand.u32 $0x7F, v11;
	v13 =	vadd.s32 v40, v47  }
0x1ac: {  	v44 =	vand.u32 $0x200, v4;
	v4 =	vshll.u32 v3, $0xB;
	[tilespmem:v7+s22+$0x0] =	vst.idx.msk $0xffff, v9;
	v7 =	vor.u32 v11, v13  }
0x1ad: {  	v9 =	vand.u32 $0x7F, v16;
	v11 =	vshll.u32 v16, $0x3;
	v16 =	vshll.u32 v15, $0x3;
	[tilespmem:v2+s22+$0x0] =	vst.idx.msk $0xffff, v12  }
0x1ae: {  	v3 =	vshll.u32 v14, $0x7;
	v5 =	vshrl.u32 v14, $0x3;
	[tilespmem:v56+s22+$0x0] =	vst.idx.msk $0xffff, v10;
	v16 =	vand.u32 $0xFFFFFC00, v16  }
0x1af: {  	v14 =	vld [tilespmem:$0x1B0];
	v15 =	vand.u32 $0x7F, v15;
	v11 =	vand.u32 $0xFFFFFC00, v11;
	v16 =	vadd.s32 v25, v16;
	[tilespmem:v45+s22+$0x0] =	vst.idx.msk $0xffff, v8  }
0x1b0: {  	v11 =	vadd.s32 v30, v11;
	v10 =	vor.u32 v15, v16;
	v15 =	vld [tilespmem:$0x1FFF0]  }
0x1b1: {  	v7 =	vor.u32 v39, v7;
	v2 =	vor.u32 v9, v11  }
0x1b2: {  	v13 =	vld [tilespmem:$0x1D0];
	v2 =	vor.u32 v28, v2  }
0x1b3: {  	v12 =	vld [tilespmem:$0x150]  }
0x1b4: {  	v58 =	vshll.u32 v14, $0x3;
	v9 =	vand.u32 $0x7F, v14;
	v14 =	vld [tilespmem:$0x150]  }
0x1b5: {  	v43 =	vor.u32 v44, v4;
	v4 =	vld [tilespmem:$0x150];
	v15 =	vor.u32 v15, v1  }
0x1b6: {  	v8 =	vor.u32 v51, v34;
	v7 =	vld.idx.msk [tilespmem:v7+s23+$0x0], $0xffff;
	[tilespmem:$0x1FE50] =	vst v15  }
0x1b7: {  	v16 =	vor.u32 v48, v1;
	v2 =	vld.idx.msk [tilespmem:v2+s23+$0x0], $0xffff  }
0x1b8: {  	v47 =	vand.u32 $0xFFFFFC00, v58  }
0x1b9: {  	v11 =	vadd.s32 v63, v47  }
0x1ba: {  	v9 =	vor.u32 v9, v11;
	v11 =	vshll.u32 v13, $0x3  }
0x1bb: {  	v60 =	vor.u32 v48, v22;
	v10 =	vor.u32 v23, v10;
	v11 =	vand.u32 $0xFFFFFC00, v11;
	[tilespmem:v8+s22+$0x0] =	vst.idx.msk $0xffff, v7  }
0x1bc: {  	v52 =	vor.u32 v57, v1;
	v13 =	vand.u32 $0x7F, v13;
	v11 =	vadd.s32 v42, v11;
	v45 =	vld [tilespmem:$0x1FFD0];
	[tilespmem:v16+s22+$0x0] =	vst.idx.msk $0xffff, v2  }
0x1bd: {  	v48 =	vor.u32 v48, v55;
	v9 =	vor.u32 v62, v9;
	v11 =	vor.u32 v13, v11;
	v53 =	vld [tilespmem:$0x1FFE0]  }
0x1be: {  	v47 =	vand.u32 $0x280, v3;
	v49 =	vand.u32 $0x7F, v14;
	v11 =	vor.u32 v41, v11  }
0x1bf: {  	v14 =	vshll.u32 v14, $0x3;
	v15 =	vand.u32 $0x7F, v12;
	v12 =	vshll.u32 v12, $0x3  }
0x1c0: {  	v3 =	vor.u32 v21, v33;
	v12 =	vand.u32 $0xFFFFFC00, v12;
	v7 =	vld.idx.msk [tilespmem:v10+s23+$0x0], $0xffff;
	v8 =	vand.u32 $0xFFFFFC00, v14  }
0x1c1: {  	v10 =	vand.u32 $0x7F, v4;
	v4 =	vshll.u32 v4, $0x3;
	v12 =	vadd.s32 v31, v12;
	v14 =	vld [tilespmem:$0x160]  }
0x1c2: {  	v9 =	vld.idx.msk [tilespmem:v9+s23+$0x0], $0xffff;
	v8 =	vadd.s32 v38, v8;
	v12 =	vor.u32 v15, v12;
	v2 =	vor.u32 v53, v1  }
0x1c3: {  	v4 =	vand.u32 $0xFFFFFC00, v4;
	v8 =	vor.u32 v49, v8;
	v11 =	vld.idx.msk [tilespmem:v11+s23+$0x0], $0xffff;
	v1 =	vor.u32 v45, v1;
	[tilespmem:$0x1FE60] =	vst v2  }
0x1c4: {  	v4 =	vadd.s32 v37, v4;
	v12 =	vor.u32 v29, v12;
	v15 =	vor.u32 v45, v20;
	v16 =	vld [tilespmem:$0x1C0];
	[tilespmem:$0x1FE70] =	vst v1  }
0x1c5: {  	v13 =	vshll.u32 v5, $0xB;
	v4 =	vor.u32 v10, v4;
	v1 =	vor.u32 v61, v33;
	[tilespmem:v60+s22+$0x0] =	vst.idx.msk $0xffff, v7  }
0x1c6: {  	v56 =	vor.u32 v32, v4;
	v2 =	vshll.u32 v14, $0x3;
	[tilespmem:$0x1FE80] =	vst v1;
	v1 =	vor.u32 v54, v33  }
0x1c7: {  	v8 =	vor.u32 v36, v8;
	v4 =	vand.u32 $0x7F, v14;
	[tilespmem:$0x1FE90] =	vst v1;
	v1 =	vand.u32 $0xFFFFFC00, v2  }
0x1c8: {  	v14 =	vor.u32 v51, v33;
	v54 =	vor.u32 v51, v46;
	v7 =	vld [tilespmem:$0x1C0];
	v1 =	vadd.s32 v40, v1  }
0x1c9: {  	v2 =	vor.u32 v50, v33;
	[tilespmem:v15+s22+$0x0] =	vst.idx.msk $0xffff, v11;
	v12 =	vld.idx.msk [tilespmem:v12+s23+$0x0], $0xffff;
	v1 =	vor.u32 v4, v1  }
0x1ca: {  	v11 =	vld [tilespmem:$0x1E0];
	v58 =	vand.u32 $0x7F, v16;
	v16 =	vshll.u32 v16, $0x3;
	v1 =	vor.u32 v39, v1  }
0x1cb: {  	v10 =	vshll.u32 v0, $0xB;
	v15 =	vor.u32 v51, v35;
	[tilespmem:v48+s22+$0x0] =	vst.idx.msk $0xffff, v9;
	v9 =	vld.idx.msk [tilespmem:v56+s23+$0x0], $0xffff;
	v16 =	vand.u32 $0xFFFFFC00, v16  }
0x1cc: {  	v48 =	vand.u32 $0x300, v6;
	v51 =	vshll.u32 v5, $0xD;
	v56 =	vld [tilespmem:$0x1C0];
	v16 =	vadd.s32 v30, v16  }
0x1cd: {  	v8 =	vld.idx.msk [tilespmem:v8+s23+$0x0], $0xffff;
	v16 =	vor.u32 v58, v16;
	v60 =	vand.u32 $0x7F, v7;
	v7 =	vshll.u32 v7, $0x3  }
0x1ce: {  	v4 =	vor.u32 v19, v43;
	v16 =	vor.u32 v28, v16;
	[tilespmem:v14+s22+$0x0] =	vst.idx.msk $0xffff, v12;
	v7 =	vand.u32 $0xFFFFFC00, v7  }
0x1cf: {  	v12 =	vor.u32 v21, v34;
	v58 =	vshll.u32 v11, $0x3;
	v7 =	vadd.s32 v25, v7;
	v1 =	vld.idx.msk [tilespmem:v1+s23+$0x0], $0xffff  }
0x1d0: {  	v11 =	vand.u32 $0x7F, v11;
	v7 =	vor.u32 v60, v7;
	v60 =	vand.u32 $0xFFFFFC00, v58  }
0x1d1: {  	[tilespmem:v54+s22+$0x0] =	vst.idx.msk $0xffff, v9;
	v6 =	vld [tilespmem:$0x160];
	v9 =	vand.u32 $0x7F, v56;
	v58 =	vor.u32 v57, v22;
	v14 =	vadd.s32 v42, v60  }
0x1d2: {  	[tilespmem:v15+s22+$0x0] =	vst.idx.msk $0xffff, v8;
	v49 =	vld [tilespmem:$0x160];
	v8 =	vor.u32 v23, v7;
	v7 =	vor.u32 v11, v14;
	v14 =	vshll.u32 v56, $0x3  }
0x1d3: {  	v27 =	vmovc v23;
	v23 =	vor.u32 v47, v13;
	v11 =	vld [tilespmem:$0x160];
	v15 =	vor.u32 v41, v7;
	v14 =	vand.u32 $0xFFFFFC00, v14  }
0x1d4: {  	v56 =	vor.u32 v18, v43;
	v13 =	vld.idx.msk [tilespmem:v16+s23+$0x0], $0xffff;
	v14 =	vadd.s32 v63, v14;
	[tilespmem:v12+s22+$0x0] =	vst.idx.msk $0xffff, v1  }
0x1d5: {  	v18 =	vor.u32 v57, v55;
	v57 =	vor.u32 v53, v20;
	v1 =	vor.u32 v9, v14;
	v12 =	vld [tilespmem:$0x170]  }
0x1d6: {  	v9 =	vand.u32 $0x7F, v6;
	v6 =	vshll.u32 v6, $0x3;
	v1 =	vor.u32 v62, v1  }
0x1d7: {  	v26 =	vmovc v62;
	v7 =	vor.u32 v17, v43;
	v6 =	vand.u32 $0xFFFFFC00, v6;
	v62 =	vshll.u32 v49, $0x3;
	v8 =	vld.idx.msk [tilespmem:v8+s23+$0x0], $0xffff  }
0x1d8: {  	v14 =	vand.u32 $0x7F, v11;
	v11 =	vshll.u32 v11, $0x3;
	v6 =	vadd.s32 v31, v6;
	v15 =	vld.idx.msk [tilespmem:v15+s23+$0x0], $0xffff  }
0x1d9: {  	v54 =	vand.u32 $0xFFFFFC00, v62;
	[tilespmem:v52+s22+$0x0] =	vst.idx.msk $0xffff, v13;
	v52 =	vshll.u32 v0, $0xD;
	v11 =	vand.u32 $0xFFFFFC00, v11  }
0x1da: {  	v24 =	vmovc v25;
	v6 =	vor.u32 v9, v6;
	v11 =	vadd.s32 v38, v11;
	v13 =	vshll.u32 v12, $0x3  }
0x1db: {  	v25 =	vmovc v63;
	v6 =	vor.u32 v29, v6;
	v11 =	vor.u32 v14, v11;
	v5 =	vld.idx.msk [tilespmem:v1+s23+$0x0], $0xffff;
	v1 =	vand.u32 $0xFFFFFC00, v13  }
0x1dc: {  	v14 =	vld [tilespmem:$0x1D0];
	v16 =	vor.u32 v36, v11;
	v11 =	vand.u32 $0x7F, v12;
	[tilespmem:v58+s22+$0x0] =	vst.idx.msk $0xffff, v8;
	v1 =	vadd.s32 v40, v1  }
0x1dd: {  	v62 =	vor.u32 v45, v55;
	v9 =	vand.u32 $0x7F, v49;
	[tilespmem:v57+s22+$0x0] =	vst.idx.msk $0xffff, v15;
	v0 =	vor.u32 v11, v1  }
0x1de: {  	v63 =	vadd.s32 v37, v54;
	v58 =	vld [tilespmem:$0x1F0];
	v13 =	vor.u32 v39, v0;
	[tilespmem:$0x1FEA0] =	vst v22;
	v0 =	vor.u32 v53, v22  }
0x1df: {  	v49 =	vor.u32 v48, v10;
	v10 =	vor.u32 v21, v35;
	v9 =	vor.u32 v9, v63;
	[tilespmem:$0x1FEB0] =	vst v0  }
0x1e0: {  	v63 =	vor.u32 v45, v22;
	v9 =	vor.u32 v32, v9;
	v8 =	vor.u32 v21, v46;
	v57 =	vld [tilespmem:$0x1D0];
	[tilespmem:$0x1FEC0] =	vst v55  }
0x1e1: {  	v1 =	vor.u32 v61, v35;
	v61 =	vor.u32 v61, v46;
	v11 =	vld.idx.msk [tilespmem:v6+s23+$0x0], $0xffff;
	v6 =	vshll.u32 v14, $0x3  }
0x1e2: {  	v50 =	vmovc v36;
	v60 =	vmovc v32;
	v15 =	vor.u32 v17, v49;
	v0 =	vand.u32 $0x7F, v14;
	v12 =	vld.idx.msk [tilespmem:v16+s23+$0x0], $0xffff;
	v6 =	vand.u32 $0xFFFFFC00, v6  }
0x1e3: {  	s26 =	simm.s32 $0xC;
	v14 =	vor.u32 v17, v23;
	[tilespmem:v18+s22+$0x0] =	vst.idx.msk $0xffff, v5;
	v16 =	vld [tilespmem:$0x100];
	v5 =	vadd.s32 v30, v6;
	v6 =	vshll.u32 v58, $0x3  }
.LBB2_2:
0x1e4: {  	v54 =	vld [tilespmem:$0x1FF70];
	_ =	sdelay $0x1  }
0x1e5: {  	v6 =	vand.u32 $0xFFFFFC00, v6;
	v58 =	vand.u32 $0x7F, v58;
	s28 =	sadd.s32 $0x3, s25  }
0x1e6: {  	v0 =	vor.u32 v0, v5;
	v6 =	vadd.s32 v42, v6;
	v45 =	vmov s28  }
0x1e7: {  	v13 =	vld.idx.msk [tilespmem:v13+s23+$0x0], $0xffff;
	v6 =	vor.u32 v58, v6;
	[tilespmem:v3+s22+$0x0] =	vst.idx.msk $0xffff, v11;
	v11 =	vshrl.u32 v45, $0x3;
	v36 =	vshll.u32 v57, $0x3  }
0x1e8: {  	v9 =	vld.idx.msk [tilespmem:v9+s23+$0x0], $0xffff;
	v42 =	vmovc v40;
	v40 =	vshll.u32 v11, $0xD;
	v18 =	vor.u32 v54, v34;
	v5 =	vand.u32 $0xFFFFFC00, v36  }
0x1e9: {  	v55 =	vld [tilespmem:$0x1FFF0];
	v3 =	vadd.s32 v24, v5;
	v5 =	vor.u32 v41, v6;
	v6 =	vshll.u32 v16, $0x3  }
0x1ea: {  	v17 =	vand.u32 $0x7F, v57;
	[tilespmem:v10+s22+$0x0] =	vst.idx.msk $0xffff, v12;
	v12 =	vand.u32 $0x7F, v16;
	v6 =	vand.u32 $0xFFFFFC00, v6  }
0x1eb: {  	v10 =	vld [tilespmem:$0x170];
	v3 =	vor.u32 v17, v3;
	v17 =	vshll.u32 v45, $0x7;
	v16 =	vadd.s32 v40, v6  }
0x1ec: {  	v19 =	vld [tilespmem:$0x170];
	v41 =	vmov v39;
	v39 =	vand.u32 $0x380, v17;
	v16 =	vor.u32 v12, v16  }
0x1ed: {  	v0 =	vor.u32 v28, v0;
	v57 =	vld [tilespmem:$0x1D0];
	[tilespmem:v18+s22+$0x0] =	vst.idx.msk $0xffff, v13;
	v16 =	vor.u32 v39, v16  }
0x1ee: {  	v21 =	vlaneseq.u32;
	[tilespmem:v8+s22+$0x0] =	vst.idx.msk $0xffff, v9;
	v9 =	vadd.s32 v51, v6;
	v18 =	vor.u32 v55, v20;
	v5 =	vld.idx.msk [tilespmem:v5+s23+$0x0], $0xffff  }
0x1ef: {  	v11 =	vshll.u32 v11, $0xB;
	v9 =	vor.u32 v12, v9;
	v13 =	vadd.s32 v59, v6;
	v8 =	vld [tilespmem:$0x180]  }
0x1f0: {  	v6 =	vadd.s32 v52, v6;
	v9 =	vor.u32 v47, v9;
	v53 =	vshll.u32 v10, $0x3  }
0x1f1: {  	v17 =	vld [tilespmem:$0x170];
	v20 =	vmovc v34;
	v34 =	vor.u32 v39, v11;
	v10 =	vand.u32 $0x7F, v10;
	v13 =	vor.u32 v12, v13  }
0x1f2: {  	v6 =	vor.u32 v12, v6;
	v12 =	vshll.u32 v19, $0x3;
	v13 =	vor.u32 v44, v13;
	v16 =	vld.idx.msk [tilespmem:v16+s23+$0x0], $0xffff  }
0x1f3: {  	v11 =	vand.u32 $0xFFFFFC00, v53;
	v36 =	vor.u32 v21, v34;
	[tilespmem:v18+s22+$0x0] =	vst.idx.msk $0xffff, v5;
	v18 =	vand.u32 $0x7F, v19;
	v19 =	vld [tilespmem:$0x1FE70]  }
0x1f4: {  	v6 =	vor.u32 v48, v6;
	v11 =	vadd.s32 v38, v11;
	v45 =	vshll.u32 v8, $0x3  }
0x1f5: {  	v10 =	vor.u32 v10, v11;
	v9 =	vld.idx.msk [tilespmem:v9+s23+$0x0], $0xffff;
	v45 =	vand.u32 $0xFFFFFC00, v45  }
0x1f6: {  	v0 =	vld.idx.msk [tilespmem:v0+s23+$0x0], $0xffff;
	v10 =	vor.u32 v50, v10;
	v8 =	vand.u32 $0x7F, v8;
	v45 =	vadd.s32 v42, v45  }
0x1f7: {  	v5 =	vld.idx.msk [tilespmem:v13+s23+$0x0], $0xffff;
	v13 =	vshll.u32 v17, $0x3;
	v8 =	vor.u32 v8, v45  }
0x1f8: {  	v3 =	vor.u32 v27, v3;
	v21 =	vld [tilespmem:$0x1FF80];
	v13 =	vand.u32 $0xFFFFFC00, v13;
	v8 =	vor.u32 v41, v8  }
0x1f9: {  	v12 =	vand.u32 $0xFFFFFC00, v12;
	v11 =	vand.u32 $0x7F, v17;
	v6 =	vld.idx.msk [tilespmem:v6+s23+$0x0], $0xffff;
	v13 =	vadd.s32 v37, v13;
	[tilespmem:v36+s22+$0x0] =	vst.idx.msk $0xffff, v16  }
0x1fa: {  	v12 =	vadd.s32 v31, v12;
	v11 =	vor.u32 v11, v13;
	[tilespmem:v14+s22+$0x0] =	vst.idx.msk $0xffff, v9;
	v16 =	vld [tilespmem:$0x110]  }
0x1fb: {  	v13 =	vshll.u32 v57, $0x3;
	v10 =	vld.idx.msk [tilespmem:v10+s23+$0x0], $0xffff;
	[tilespmem:v19+s22+$0x0] =	vst.idx.msk $0xffff, v0;
	v0 =	vor.u32 v18, v12  }
0x1fc: {  	v13 =	vand.u32 $0xFFFFFC00, v13;
	v12 =	vld [tilespmem:$0x1E0];
	v0 =	vor.u32 v29, v0  }
0x1fd: {  	[tilespmem:v7+s22+$0x0] =	vst.idx.msk $0xffff, v5;
	v5 =	vld.idx.msk [tilespmem:v8+s23+$0x0], $0xffff;
	v7 =	vand.u32 $0x7F, v57;
	v8 =	vadd.s32 v25, v13  }
0x1fe: {  	v9 =	vor.u32 v21, v20;
	v7 =	vor.u32 v7, v8;
	v8 =	vld [tilespmem:$0x110]  }
0x1ff: {  	v11 =	vor.u32 v60, v11;
	v3 =	vld.idx.msk [tilespmem:v3+s23+$0x0], $0xffff  }
0x200: {  	[tilespmem:v15+s22+$0x0] =	vst.idx.msk $0xffff, v6;
	v13 =	vld [tilespmem:$0x110];
	v17 =	vshll.u32 v16, $0x3;
	v7 =	vor.u32 v26, v7  }
0x201: {  	v15 =	vor.u32 v54, v35;
	v14 =	vld [tilespmem:$0x110];
	v18 =	vor.u32 v54, v46;
	v17 =	vand.u32 $0xFFFFFC00, v17  }
0x202: {  	v16 =	vand.u32 $0x7F, v16;
	v17 =	vadd.s32 v40, v17;
	v6 =	vshll.u32 v12, $0x3;
	v0 =	vld.idx.msk [tilespmem:v0+s23+$0x0], $0xffff  }
0x203: {  	v57 =	vld [tilespmem:$0x1FF10];
	v12 =	vand.u32 $0x7F, v12;
	[tilespmem:v9+s22+$0x0] =	vst.idx.msk $0xffff, v5;
	v6 =	vand.u32 $0xFFFFFC00, v6;
	v9 =	vshll.u32 v8, $0x3  }
0x204: {  	v11 =	vld.idx.msk [tilespmem:v11+s23+$0x0], $0xffff;
	v8 =	vand.u32 $0x7F, v8;
	v6 =	vadd.s32 v30, v6;
	v9 =	vand.u32 $0xFFFFFC00, v9  }
0x205: {  	v7 =	vld.idx.msk [tilespmem:v7+s23+$0x0], $0xffff;
	v6 =	vor.u32 v12, v6;
	v12 =	vshll.u32 v13, $0x3;
	v9 =	vadd.s32 v51, v9  }
0x206: {  	[tilespmem:v15+s22+$0x0] =	vst.idx.msk $0xffff, v10;
	v13 =	vand.u32 $0x7F, v13;
	v5 =	vand.u32 $0xFFFFFC00, v12;
	v12 =	vor.u32 v16, v17;
	v16 =	vld [tilespmem:$0x190]  }
0x207: {  	v17 =	vshll.u32 v14, $0x3;
	v12 =	vor.u32 v39, v12;
	[tilespmem:v2+s22+$0x0] =	vst.idx.msk $0xffff, v0;
	v2 =	vor.u32 v8, v9  }
0x208: {  	v5 =	vadd.s32 v59, v5;
	v17 =	vand.u32 $0xFFFFFC00, v17;
	v9 =	vld [tilespmem:$0x180];
	v2 =	vor.u32 v47, v2  }
0x209: {  	v17 =	vadd.s32 v52, v17;
	v0 =	vor.u32 v13, v5;
	v5 =	vand.u32 $0x7F, v14;
	v8 =	vld [tilespmem:$0x180]  }
0x20a: {  	v19 =	vor.u32 v57, v23;
	[tilespmem:v18+s22+$0x0] =	vst.idx.msk $0xffff, v11;
	v5 =	vor.u32 v5, v17  }
0x20b: {  	v13 =	vld [tilespmem:$0x180];
	v0 =	vor.u32 v44, v0;
	v5 =	vor.u32 v48, v5;
	v10 =	vshll.u32 v16, $0x3  }
0x20c: {  	[tilespmem:v63+s22+$0x0] =	vst.idx.msk $0xffff, v3;
	v14 =	vand.u32 $0x7F, v16;
	v11 =	vld.idx.msk [tilespmem:v12+s23+$0x0], $0xffff;
	v10 =	vand.u32 $0xFFFFFC00, v10;
	v12 =	vor.u32 v57, v34  }
0x20d: {  	v15 =	vand.u32 $0x7F, v9;
	v9 =	vshll.u32 v9, $0x3;
	v10 =	vadd.s32 v42, v10;
	v2 =	vld.idx.msk [tilespmem:v2+s23+$0x0], $0xffff  }
0x20e: {  	[tilespmem:v62+s22+$0x0] =	vst.idx.msk $0xffff, v7;
	v7 =	vand.u32 $0x7F, v8;
	v8 =	vshll.u32 v8, $0x3;
	v3 =	vor.u32 v14, v10;
	v10 =	vld [tilespmem:$0x1E0]  }
0x20f: {  	v6 =	vor.u32 v28, v6;
	v9 =	vand.u32 $0xFFFFFC00, v9;
	v14 =	vld [tilespmem:$0x1E0];
	v8 =	vand.u32 $0xFFFFFC00, v8  }
0x210: {  	v16 =	vor.u32 v57, v49;
	v0 =	vld.idx.msk [tilespmem:v0+s23+$0x0], $0xffff;
	v9 =	vadd.s32 v38, v9;
	v8 =	vadd.s32 v31, v8  }
0x211: {  	v5 =	vld.idx.msk [tilespmem:v5+s23+$0x0], $0xffff;
	v7 =	vor.u32 v7, v8;
	[tilespmem:v12+s22+$0x0] =	vst.idx.msk $0xffff, v11;
	v12 =	vshll.u32 v13, $0x3  }
0x212: {  	v8 =	vor.u32 v15, v9;
	v11 =	vand.u32 $0x7F, v13;
	v13 =	vld [tilespmem:$0x120];
	v9 =	vand.u32 $0xFFFFFC00, v12  }
0x213: {  	v9 =	vadd.s32 v37, v9  }
0x214: {  	v58 =	vld [tilespmem:$0x1FF90];
	v3 =	vor.u32 v41, v3;
	v12 =	vshll.u32 v10, $0x3;
	v9 =	vor.u32 v11, v9  }
0x215: {  	v6 =	vld.idx.msk [tilespmem:v6+s23+$0x0], $0xffff;
	[tilespmem:v56+s22+$0x0] =	vst.idx.msk $0xffff, v0;
	v0 =	vor.u32 v60, v9;
	v9 =	vand.u32 $0xFFFFFC00, v12;
	v12 =	vshll.u32 v14, $0x3  }
0x216: {  	v22 =	vmovc v24;
	v45 =	vmovc v25;
	[tilespmem:v19+s22+$0x0] =	vst.idx.msk $0xffff, v2;
	v2 =	vand.u32 $0x7F, v10;
	v14 =	vand.u32 $0x7F, v14;
	v10 =	vand.u32 $0xFFFFFC00, v12  }
0x217: {  	[tilespmem:v16+s22+$0x0] =	vst.idx.msk $0xffff, v5;
	v9 =	vadd.s32 v22, v9;
	v5 =	vshll.u32 v13, $0x3;
	v10 =	vadd.s32 v45, v10  }
0x218: {  	v2 =	vor.u32 v2, v9;
	v9 =	vor.u32 v14, v10;
	v10 =	vand.u32 $0x7F, v13;
	v13 =	vld [tilespmem:$0x1FE60]  }
0x219: {  	v3 =	vld.idx.msk [tilespmem:v3+s23+$0x0], $0xffff  }
0x21a: {  	v11 =	vor.u32 v58, v20;
	v15 =	vld [tilespmem:$0x120]  }
0x21b: {  	v7 =	vor.u32 v29, v7;
	v16 =	vld [tilespmem:$0x120];
	_ =	sdelay $0x2  }
0x21c: {  	v5 =	vand.u32 $0xFFFFFC00, v5  }
0x21d: {  	v8 =	vor.u32 v50, v8;
	v5 =	vadd.s32 v40, v5;
	[tilespmem:v11+s22+$0x0] =	vst.idx.msk $0xffff, v3;
	v11 =	vshll.u32 v15, $0x3  }
0x21e: {  	v7 =	vld.idx.msk [tilespmem:v7+s23+$0x0], $0xffff;
	v3 =	vor.u32 v10, v5;
	[tilespmem:v13+s22+$0x0] =	vst.idx.msk $0xffff, v6;
	v6 =	vand.u32 $0xFFFFFC00, v11;
	v13 =	vshll.u32 v16, $0x3  }
0x21f: {  	v12 =	vld [tilespmem:$0x120];
	v10 =	vand.u32 $0x7F, v15;
	v6 =	vadd.s32 v59, v6;
	v13 =	vand.u32 $0xFFFFFC00, v13  }
0x220: {  	v6 =	vor.u32 v10, v6;
	v10 =	vadd.s32 v52, v13;
	v13 =	vld [tilespmem:$0x1FE80];
	_ =	sdelay $0x1  }
0x221: {  	v53 =	vld [tilespmem:$0x1FFE0]  }
0x222: {  	v56 =	vld [tilespmem:$0x1FF20];
	v3 =	vor.u32 v39, v3  }
0x223: {  	v8 =	vld.idx.msk [tilespmem:v8+s23+$0x0], $0xffff  }
0x224: {  	v5 =	vld [tilespmem:$0x1A0];
	v11 =	vand.u32 $0x7F, v12;
	v12 =	vshll.u32 v12, $0x3  }
0x225: {  	v0 =	vld.idx.msk [tilespmem:v0+s23+$0x0], $0xffff;
	v12 =	vand.u32 $0xFFFFFC00, v12  }
0x226: {  	v14 =	vld [tilespmem:$0x1F0];
	v12 =	vadd.s32 v51, v12  }
0x227: {  	v3 =	vld.idx.msk [tilespmem:v3+s23+$0x0], $0xffff;
	v11 =	vor.u32 v11, v12;
	v12 =	vor.u32 v56, v34;
	[tilespmem:v13+s22+$0x0] =	vst.idx.msk $0xffff, v7  }
0x228: {  	v13 =	vld [tilespmem:$0x190]  }
0x229: {  	v24 =	vmovc v27;
	v62 =	vld [tilespmem:$0x1FE90];
	v19 =	vmov v23;
	v6 =	vor.u32 v44, v6;
	v7 =	vshll.u32 v5, $0x3  }
0x22a: {  	v23 =	vld [tilespmem:$0x1FEC0];
	v2 =	vor.u32 v27, v2;
	v27 =	vmovc v46;
	[tilespmem:v1+s22+$0x0] =	vst.idx.msk $0xffff, v8;
	v1 =	vand.u32 $0x7F, v5;
	v7 =	vand.u32 $0xFFFFFC00, v7  }
0x22b: {  	v46 =	vld [tilespmem:$0x1FF30];
	[tilespmem:v61+s22+$0x0] =	vst.idx.msk $0xffff, v0;
	v5 =	vadd.s32 v42, v7;
	v7 =	vor.u32 v47, v11;
	v11 =	vshll.u32 v14, $0x3  }
0x22c: {  	v8 =	vld [tilespmem:$0x190];
	[tilespmem:v12+s22+$0x0] =	vst.idx.msk $0xffff, v3;
	v1 =	vor.u32 v1, v5;
	v11 =	vand.u32 $0xFFFFFC00, v11  }
0x22d: {  	v0 =	vor.u32 v41, v1;
	v11 =	vadd.s32 v30, v11;
	v30 =	vmovc v31;
	v31 =	vmovc v59;
	v59 =	vld [tilespmem:$0x1FFA0];
	v12 =	vshll.u32 v13, $0x3  }
0x22e: {  	v9 =	vor.u32 v26, v9;
	v15 =	vand.u32 $0x7F, v16;
	v6 =	vld.idx.msk [tilespmem:v6+s23+$0x0], $0xffff;
	v12 =	vand.u32 $0xFFFFFC00, v12  }
0x22f: {  	v10 =	vor.u32 v15, v10;
	v1 =	vld.idx.msk [tilespmem:v2+s23+$0x0], $0xffff;
	v3 =	vand.u32 $0x7F, v13;
	v12 =	vadd.s32 v30, v12  }
0x230: {  	v5 =	vor.u32 v48, v10;
	v10 =	vand.u32 $0x7F, v14;
	v3 =	vor.u32 v3, v12;
	v12 =	vld [tilespmem:$0x1FEB0]  }
0x231: {  	v2 =	vld [tilespmem:$0x190];
	v10 =	vor.u32 v10, v11  }
0x232: {  	v10 =	vor.u32 v28, v10;
	v0 =	vld.idx.msk [tilespmem:v0+s23+$0x0], $0xffff;
	v18 =	vor.u32 v59, v20  }
0x233: {  	v13 =	vld [tilespmem:$0x130]  }
0x234: {  	v16 =	vor.u32 v56, v49;
	v9 =	vld.idx.msk [tilespmem:v9+s23+$0x0], $0xffff;
	v3 =	vor.u32 v29, v3  }
0x235: {  	v17 =	vand.u32 $0x7F, v8;
	v8 =	vshll.u32 v8, $0x3;
	v14 =	vor.u32 v53, v23;
	v7 =	vld.idx.msk [tilespmem:v7+s23+$0x0], $0xffff  }
0x236: {  	v8 =	vand.u32 $0xFFFFFC00, v8;
	v15 =	vor.u32 v56, v19;
	[tilespmem:v4+s22+$0x0] =	vst.idx.msk $0xffff, v6;
	v5 =	vld.idx.msk [tilespmem:v5+s23+$0x0], $0xffff;
	v11 =	vshll.u32 v2, $0x3  }
0x237: {  	v8 =	vadd.s32 v38, v8;
	v2 =	vand.u32 $0x7F, v2;
	v11 =	vand.u32 $0xFFFFFC00, v11;
	v10 =	vld.idx.msk [tilespmem:v10+s23+$0x0], $0xffff;
	[tilespmem:v18+s22+$0x0] =	vst.idx.msk $0xffff, v0  }
0x238: {  	v6 =	vld [tilespmem:$0x1B0];
	[tilespmem:v12+s22+$0x0] =	vst.idx.msk $0xffff, v1;
	v1 =	vor.u32 v17, v8;
	v8 =	vadd.s32 v37, v11;
	v11 =	vshll.u32 v13, $0x3  }
0x239: {  	v3 =	vld.idx.msk [tilespmem:v3+s23+$0x0], $0xffff;
	v12 =	vor.u32 v50, v1;
	v1 =	vor.u32 v2, v8;
	v8 =	vand.u32 $0xFFFFFC00, v11  }
0x23a: {  	[tilespmem:v14+s22+$0x0] =	vst.idx.msk $0xffff, v9;
	v13 =	vand.u32 $0x7F, v13;
	v2 =	vld [tilespmem:$0x1F0];
	v8 =	vadd.s32 v40, v8  }
0x23b: {  	v11 =	vld [tilespmem:$0x1F0];
	[tilespmem:v16+s22+$0x0] =	vst.idx.msk $0xffff, v5;
	v9 =	vor.u32 v60, v1;
	v4 =	vor.u32 v13, v8  }
0x23c: {  	v28 =	vmov v35;
	[tilespmem:v15+s22+$0x0] =	vst.idx.msk $0xffff, v7;
	v15 =	vld [tilespmem:$0x130];
	v4 =	vor.u32 v39, v4  }
0x23d: {  	v35 =	vmovc v19;
	v19 =	vor.u32 v46, v34;
	v7 =	vor.u32 v58, v28;
	v13 =	vld [tilespmem:$0x130];
	v18 =	vshll.u32 v6, $0x3  }
0x23e: {  	v5 =	vor.u32 v58, v27;
	v8 =	vld [tilespmem:$0x130];
	v6 =	vand.u32 $0x7F, v6;
	v18 =	vand.u32 $0xFFFFFC00, v18  }
0x23f: {  	v18 =	vadd.s32 v42, v18;
	v14 =	vand.u32 $0x7F, v2;
	v2 =	vshll.u32 v2, $0x3;
	v12 =	vld.idx.msk [tilespmem:v12+s23+$0x0], $0xffff  }
0x240: {  	v25 =	vmovc v26;
	v16 =	vand.u32 $0x7F, v11;
	v11 =	vshll.u32 v11, $0x3;
	v6 =	vor.u32 v6, v18;
	v9 =	vld.idx.msk [tilespmem:v9+s23+$0x0], $0xffff  }
0x241: {  	v26 =	vmovc v37;
	v37 =	vmovc v52;
	v2 =	vand.u32 $0xFFFFFC00, v2;
	v11 =	vand.u32 $0xFFFFFC00, v11;
	v52 =	vshll.u32 v15, $0x3;
	v4 =	vld.idx.msk [tilespmem:v4+s23+$0x0], $0xffff  }
0x242: {  	v6 =	vor.u32 v41, v6;
	v2 =	vadd.s32 v22, v2;
	v22 =	vmovc v38;
	v38 =	vmovc v51;
	v51 =	vshll.u32 v13, $0x3  }
0x243: {  	v0 =	vld [tilespmem:$0x1FEA0];
	v2 =	vor.u32 v14, v2;
	v14 =	vand.u32 $0x7F, v8;
	v8 =	vshll.u32 v8, $0x3  }
0x244: {  	[tilespmem:v62+s22+$0x0] =	vst.idx.msk $0xffff, v3;
	v62 =	vld [tilespmem:$0x1FFD0];
	v61 =	vand.u32 $0xFFFFFC00, v52;
	v3 =	vand.u32 $0x7F, v13;
	v8 =	vand.u32 $0xFFFFFC00, v8  }
0x245: {  	v63 =	vld [tilespmem:$0x1A0];
	v13 =	vand.u32 $0x7F, v15;
	v15 =	vadd.s32 v37, v61;
	v8 =	vadd.s32 v31, v8;
	[tilespmem:v7+s22+$0x0] =	vst.idx.msk $0xffff, v12  }
0x246: {  	v18 =	vand.u32 $0xFFFFFC00, v51;
	v51 =	vld [tilespmem:$0x1FF50];
	v7 =	vor.u32 v14, v8;
	v8 =	vor.u32 v13, v15;
	[tilespmem:v19+s22+$0x0] =	vst.idx.msk $0xffff, v4  }
0x247: {  	v11 =	vadd.s32 v45, v11;
	[tilespmem:v5+s22+$0x0] =	vst.idx.msk $0xffff, v9;
	v8 =	vor.u32 v48, v8;
	v5 =	vld.idx.msk [tilespmem:v6+s23+$0x0], $0xffff  }
0x248: {  	v6 =	vor.u32 v16, v11;
	v16 =	vld [tilespmem:$0x1FE50]  }
0x249: {  	v18 =	vadd.s32 v38, v18;
	v4 =	vld [tilespmem:$0x1A0]  }
0x24a: {  	v3 =	vor.u32 v3, v18;
	v19 =	vld [tilespmem:$0x1FFB0]  }
0x24b: {  	v32 =	vmovc v29;
	v36 =	vmov v50;
	v29 =	vmov v44;
	v3 =	vor.u32 v47, v3;
	v12 =	vld [tilespmem:$0x140]  }
0x24c: {  	v17 =	vor.u32 v46, v35;
	v13 =	vor.u32 v46, v49;
	v6 =	vor.u32 v25, v6;
	v8 =	vld.idx.msk [tilespmem:v8+s23+$0x0], $0xffff  }
0x24d: {  	v1 =	vor.u32 v46, v43;
	v0 =	vor.u32 v55, v0;
	v7 =	vor.u32 v29, v7  }
0x24e: {  	v50 =	vmovc v36;
	v36 =	vmovc v49;
	v2 =	vor.u32 v24, v2;
	v24 =	vor.u32 v62, v33;
	v18 =	vld [tilespmem:$0x1FF40];
	v14 =	vand.u32 $0x7F, v63  }
0x24f: {  	v15 =	vshll.u32 v63, $0x3;
	v9 =	vld [tilespmem:$0x1A0];
	v45 =	vor.u32 v51, v36;
	v11 =	vor.u32 v19, v20  }
0x250: {  	v3 =	vld.idx.msk [tilespmem:v3+s23+$0x0], $0xffff;
	[tilespmem:v16+s22+$0x0] =	vst.idx.msk $0xffff, v10;
	v10 =	vand.u32 $0xFFFFFC00, v15;
	v15 =	vand.u32 $0x7F, v4;
	v4 =	vshll.u32 v4, $0x3  }
0x251: {  	v6 =	vld.idx.msk [tilespmem:v6+s23+$0x0], $0xffff;
	v16 =	vshll.u32 v12, $0x3;
	v12 =	vand.u32 $0x7F, v12;
	[tilespmem:v13+s22+$0x0] =	vst.idx.msk $0xffff, v8;
	v13 =	vor.u32 v59, v33  }
0x252: {  	v7 =	vld.idx.msk [tilespmem:v7+s23+$0x0], $0xffff;
	v10 =	vadd.s32 v30, v10;
	v4 =	vand.u32 $0xFFFFFC00, v4;
	v16 =	vand.u32 $0xFFFFFC00, v16  }
0x253: {  	v10 =	vor.u32 v14, v10;
	v4 =	vadd.s32 v22, v4;
	v14 =	vadd.s32 v40, v16  }
0x254: {  	v2 =	vld.idx.msk [tilespmem:v2+s23+$0x0], $0xffff;
	[tilespmem:v11+s22+$0x0] =	vst.idx.msk $0xffff, v5;
	v16 =	vshll.u32 v9, $0x3;
	v9 =	vand.u32 $0x7F, v9;
	v5 =	vor.u32 v12, v14  }
0x255: {  	[tilespmem:v17+s22+$0x0] =	vst.idx.msk $0xffff, v3;
	v11 =	vand.u32 $0xFFFFFC00, v16;
	v12 =	vld [tilespmem:$0x1C0];
	v4 =	vor.u32 v15, v4;
	v10 =	vor.u32 v32, v10  }
0x256: {  	v14 =	vld [tilespmem:$0x140];
	v16 =	vor.u32 v18, v34;
	v5 =	vor.u32 v39, v5;
	v11 =	vadd.s32 v26, v11  }
0x257: {  	v63 =	vmov v60;
	v15 =	vld [tilespmem:$0x140];
	v4 =	vor.u32 v50, v4;
	v9 =	vor.u32 v9, v11;
	[tilespmem:v1+s22+$0x0] =	vst.idx.msk $0xffff, v7  }
0x258: {  	s28 =	sadd.s32 $0x1, s26;
	v1 =	vor.u32 v63, v9;
	v7 =	vor.u32 v55, v23;
	v9 =	vmov s26;
	v11 =	vld [tilespmem:$0x140]  }
0x259: {  	[tilespmem:v0+s22+$0x0] =	vst.idx.msk $0xffff, v2;
	v0 =	vmov s28;
	v3 =	vshll.u32 v9, $0x7;
	v9 =	vshrl.u32 v9, $0x3  }
0x25a: {  	v8 =	vshll.u32 v12, $0x3;
	v12 =	vand.u32 $0x7F, v12;
	v2 =	vld.idx.msk [tilespmem:v10+s23+$0x0], $0xffff;
	v10 =	vor.u32 v59, v28  }
0x25b: {  	v60 =	vand.u32 $0x200, v3;
	v3 =	vshll.u32 v9, $0xB;
	v5 =	vld.idx.msk [tilespmem:v5+s23+$0x0], $0xffff;
	v8 =	vand.u32 $0xFFFFFC00, v8  }
0x25c: {  	v61 =	vld [tilespmem:$0x1FFC0];
	v17 =	vand.u32 $0x7F, v15;
	v3 =	vor.u32 v60, v3;
	v8 =	vadd.s32 v42, v8  }
0x25d: {  	v4 =	vld.idx.msk [tilespmem:v4+s23+$0x0], $0xffff;
	v8 =	vor.u32 v12, v8;
	[tilespmem:v7+s22+$0x0] =	vst.idx.msk $0xffff, v6;
	v12 =	vshll.u32 v14, $0x3;
	v6 =	vand.u32 $0x7F, v11  }
0x25e: {  	v23 =	vmovc v27;
	v7 =	vshll.u32 v11, $0x3;
	v8 =	vor.u32 v41, v8;
	v11 =	vand.u32 $0x7F, v14  }
0x25f: {  	v44 =	vmovc v47;
	v46 =	vmovc v48;
	v1 =	vld.idx.msk [tilespmem:v1+s23+$0x0], $0xffff;
	v12 =	vand.u32 $0xFFFFFC00, v12;
	v14 =	vor.u32 v59, v23;
	v7 =	vand.u32 $0xFFFFFC00, v7  }
0x260: {  	v15 =	vshll.u32 v15, $0x3;
	v12 =	vadd.s32 v38, v12;
	v7 =	vadd.s32 v31, v7;
	[tilespmem:v16+s22+$0x0] =	vst.idx.msk $0xffff, v5  }
0x261: {  	v59 =	vshll.u32 v9, $0xD;
	[tilespmem:v13+s22+$0x0] =	vst.idx.msk $0xffff, v2;
	v5 =	vor.u32 v6, v7;
	v6 =	vor.u32 v11, v12;
	v11 =	vld [tilespmem:$0x150]  }
0x262: {  	v2 =	vor.u32 v61, v20;
	[tilespmem:v10+s22+$0x0] =	vst.idx.msk $0xffff, v4;
	v7 =	vand.u32 $0xFFFFFC00, v15;
	v15 =	vld [tilespmem:$0x1B0];
	v12 =	vor.u32 v29, v5  }
0x263: {  	v10 =	vor.u32 v18, v43;
	v6 =	vor.u32 v44, v6;
	v5 =	vadd.s32 v37, v7;
	v7 =	vld.idx.msk [tilespmem:v8+s23+$0x0], $0xffff  }
0x264: {  	s28 =	sadd.s32 $0x2, s26;
	v4 =	vshll.u32 v0, $0x7;
	v16 =	vor.u32 v18, v35;
	v9 =	vld [tilespmem:$0x1B0];
	v5 =	vor.u32 v17, v5;
	[tilespmem:v14+s22+$0x0] =	vst.idx.msk $0xffff, v1  }
0x265: {  	v47 =	vand.u32 $0x280, v4;
	v8 =	vmov s28;
	v13 =	vor.u32 v46, v5;
	v14 =	vld [tilespmem:$0x1B0]  }
0x266: {  	v1 =	vshrl.u32 v0, $0x3;
	v17 =	vor.u32 v18, v36;
	v0 =	vshll.u32 v11, $0x3  }
0x267: {  	v5 =	vshll.u32 v8, $0x7;
	v12 =	vld.idx.msk [tilespmem:v12+s23+$0x0], $0xffff;
	v18 =	vand.u32 $0xFFFFFC00, v0;
	v0 =	vshrl.u32 v8, $0x3  }
0x268: {  	v6 =	vld.idx.msk [tilespmem:v6+s23+$0x0], $0xffff;
	v8 =	vand.u32 $0x7F, v11;
	v11 =	vadd.s32 v40, v18;
	[tilespmem:v2+s22+$0x0] =	vst.idx.msk $0xffff, v7;
	v7 =	vand.u32 $0x7F, v15  }
0x269: {  	v2 =	vor.u32 v8, v11;
	v8 =	vshll.u32 v15, $0x3;
	v11 =	vld [tilespmem:$0x1D0];
	v15 =	vshll.u32 v9, $0x3  }
0x26a: {  	v13 =	vld.idx.msk [tilespmem:v13+s23+$0x0], $0xffff;
	v18 =	vshll.u32 v14, $0x3;
	v2 =	vor.u32 v39, v2;
	v8 =	vand.u32 $0xFFFFFC00, v8  }
0x26b: {  	v9 =	vand.u32 $0x7F, v9;
	v15 =	vand.u32 $0xFFFFFC00, v15;
	v8 =	vadd.s32 v30, v8  }
0x26c: {  	v18 =	vand.u32 $0xFFFFFC00, v18;
	v15 =	vadd.s32 v22, v15;
	[tilespmem:v10+s22+$0x0] =	vst.idx.msk $0xffff, v12;
	v7 =	vor.u32 v7, v8  }
0x26d: {  	v8 =	vand.u32 $0x7F, v14;
	v10 =	vadd.s32 v26, v18;
	[tilespmem:v16+s22+$0x0] =	vst.idx.msk $0xffff, v6;
	v12 =	vld [tilespmem:$0x150];
	v7 =	vor.u32 v32, v7  }
0x26e: {  	v6 =	vor.u32 v9, v15;
	v15 =	vor.u32 v55, v33;
	v8 =	vor.u32 v8, v10;
	v10 =	vld [tilespmem:$0x150]  }
0x26f: {  	v48 =	vand.u32 $0x300, v5;
	v9 =	vshll.u32 v11, $0x3;
	[tilespmem:v17+s22+$0x0] =	vst.idx.msk $0xffff, v13;
	v8 =	vor.u32 v63, v8;
	v2 =	vld.idx.msk [tilespmem:v2+s23+$0x0], $0xffff  }
0x270: {  	v6 =	vor.u32 v50, v6;
	v13 =	vor.u32 v51, v34;
	v9 =	vand.u32 $0xFFFFFC00, v9;
	v14 =	vld [tilespmem:$0x150]  }
0x271: {  	v16 =	vor.u32 v19, v33;
	v11 =	vand.u32 $0x7F, v11;
	v9 =	vadd.s32 v42, v9  }
0x272: {  	v18 =	vor.u32 v19, v23;
	v17 =	vor.u32 v19, v28;
	v9 =	vor.u32 v11, v9;
	v7 =	vld.idx.msk [tilespmem:v7+s23+$0x0], $0xffff  }
0x273: {  	[tilespmem:$0x1FE50] =	vst v15;
	v9 =	vor.u32 v41, v9;
	v15 =	vand.u32 $0x7F, v12;
	v12 =	vshll.u32 v12, $0x3  }
0x274: {  	v19 =	vand.u32 $0x7F, v10;
	v10 =	vshll.u32 v10, $0x3;
	v12 =	vand.u32 $0xFFFFFC00, v12;
	v8 =	vld.idx.msk [tilespmem:v8+s23+$0x0], $0xffff  }
0x275: {  	v12 =	vadd.s32 v31, v12;
	[tilespmem:v13+s22+$0x0] =	vst.idx.msk $0xffff, v2;
	v2 =	vld.idx.msk [tilespmem:v6+s23+$0x0], $0xffff;
	v6 =	vand.u32 $0xFFFFFC00, v10;
	v10 =	vand.u32 $0x7F, v14  }
0x276: {  	v13 =	vshll.u32 v14, $0x3;
	v12 =	vor.u32 v15, v12;
	v6 =	vadd.s32 v38, v6  }
0x277: {  	v14 =	vld [tilespmem:$0x160];
	v13 =	vand.u32 $0xFFFFFC00, v13;
	v15 =	vor.u32 v62, v20;
	[tilespmem:v16+s22+$0x0] =	vst.idx.msk $0xffff, v7;
	v7 =	vor.u32 v53, v33  }
0x278: {  	v6 =	vor.u32 v19, v6;
	v13 =	vadd.s32 v37, v13;
	v12 =	vor.u32 v29, v12;
	[tilespmem:$0x1FE60] =	vst v7  }
0x279: {  	v9 =	vld.idx.msk [tilespmem:v9+s23+$0x0], $0xffff;
	v19 =	vor.u32 v44, v6;
	v10 =	vor.u32 v10, v13;
	[tilespmem:v18+s22+$0x0] =	vst.idx.msk $0xffff, v8  }
0x27a: {  	v11 =	vshll.u32 v1, $0xB;
	v16 =	vor.u32 v61, v33;
	v13 =	vld [tilespmem:$0x1C0];
	[tilespmem:v17+s22+$0x0] =	vst.idx.msk $0xffff, v2;
	v2 =	vor.u32 v21, v43  }
0x27b: {  	v6 =	vshll.u32 v0, $0xB;
	v33 =	vmovc v43;
	v10 =	vor.u32 v46, v10;
	[tilespmem:$0x1FE80] =	vst v2;
	v2 =	vor.u32 v58, v43;
	v17 =	vld [tilespmem:$0x1C0]  }
0x27c: {  	v49 =	vor.u32 v48, v6;
	v7 =	vshll.u32 v14, $0x3;
	v43 =	vmovc v3;
	[tilespmem:$0x1FE90] =	vst v2;
	v2 =	vor.u32 v54, v33;
	v54 =	vld [tilespmem:$0x1FF60]  }
0x27d: {  	v14 =	vand.u32 $0x7F, v14;
	v7 =	vand.u32 $0xFFFFFC00, v7;
	v4 =	vor.u32 v56, v43;
	v56 =	vld [tilespmem:$0x1C0]  }
0x27e: {  	v58 =	vor.u32 v53, v20;
	v7 =	vadd.s32 v40, v7;
	[tilespmem:v15+s22+$0x0] =	vst.idx.msk $0xffff, v9;
	v9 =	vld.idx.msk [tilespmem:v12+s23+$0x0], $0xffff  }
0x27f: {  	v12 =	vor.u32 v51, v33;
	v15 =	vor.u32 v51, v35;
	v7 =	vor.u32 v14, v7;
	v8 =	vld [tilespmem:$0x1E0]  }
0x280: {  	v14 =	vld.idx.msk [tilespmem:v19+s23+$0x0], $0xffff;
	v18 =	vand.u32 $0x7F, v13;
	v13 =	vshll.u32 v13, $0x3;
	v7 =	vor.u32 v39, v7  }
0x281: {  	v10 =	vld.idx.msk [tilespmem:v10+s23+$0x0], $0xffff;
	v13 =	vand.u32 $0xFFFFFC00, v13;
	v19 =	vand.u32 $0x7F, v17;
	v17 =	vshll.u32 v17, $0x3  }
0x282: {  	v51 =	vshll.u32 v1, $0xD;
	v13 =	vadd.s32 v30, v13;
	v17 =	vand.u32 $0xFFFFFC00, v17  }
0x283: {  	[tilespmem:$0x1FE70] =	vst v24;
	v3 =	vor.u32 v54, v33;
	v13 =	vor.u32 v18, v13;
	v17 =	vadd.s32 v22, v17  }
0x284: {  	v13 =	vor.u32 v32, v13;
	[tilespmem:v12+s22+$0x0] =	vst.idx.msk $0xffff, v9;
	v9 =	vor.u32 v54, v34;
	v18 =	vshll.u32 v8, $0x3  }
0x285: {  	v24 =	vmovc v22;
	v22 =	vor.u32 v47, v11;
	v52 =	vld.idx.msk [tilespmem:v7+s23+$0x0], $0xffff;
	v7 =	vor.u32 v19, v17;
	v17 =	vand.u32 $0xFFFFFC00, v18  }
0x286: {  	v8 =	vand.u32 $0x7F, v8;
	v5 =	vld [tilespmem:$0x160];
	[tilespmem:v45+s22+$0x0] =	vst.idx.msk $0xffff, v10;
	v10 =	vand.u32 $0x7F, v56;
	v12 =	vadd.s32 v42, v17  }
0x287: {  	[tilespmem:v15+s22+$0x0] =	vst.idx.msk $0xffff, v14;
	v14 =	vor.u32 v50, v7;
	v17 =	vld [tilespmem:$0x160];
	v7 =	vor.u32 v8, v12;
	v12 =	vshll.u32 v56, $0x3  }
0x288: {  	v8 =	vld [tilespmem:$0x160];
	v56 =	vor.u32 v57, v43;
	v15 =	vor.u32 v41, v7;
	v12 =	vand.u32 $0xFFFFFC00, v12  }
0x289: {  	v7 =	vlaneseq.u32;
	v11 =	vld.idx.msk [tilespmem:v13+s23+$0x0], $0xffff;
	v13 =	vor.u32 v61, v28;
	v12 =	vadd.s32 v26, v12  }
0x28a: {  	v7 =	vor.u32 v7, v43;
	v1 =	vor.u32 v10, v12;
	v12 =	vor.u32 v61, v23  }
0x28b: {  	[tilespmem:v9+s22+$0x0] =	vst.idx.msk $0xffff, v52;
	v9 =	vand.u32 $0x7F, v5;
	v5 =	vshll.u32 v5, $0x3;
	v61 =	vor.u32 v21, v36  }
0x28c: {  	v10 =	vld [tilespmem:$0x170];
	v1 =	vor.u32 v63, v1;
	v5 =	vand.u32 $0xFFFFFC00, v5;
	v19 =	vshll.u32 v17, $0x3  }
0x28d: {  	v25 =	vmovc v26;
	v26 =	vmovc v63;
	v63 =	vor.u32 v62, v28;
	v18 =	vand.u32 $0x7F, v8;
	v8 =	vshll.u32 v8, $0x3;
	v15 =	vld.idx.msk [tilespmem:v15+s23+$0x0], $0xffff  }
0x28e: {  	v5 =	vadd.s32 v31, v5;
	v19 =	vand.u32 $0xFFFFFC00, v19;
	v8 =	vand.u32 $0xFFFFFC00, v8  }
0x28f: {  	[tilespmem:$0x1FEA0] =	vst v28;
	v14 =	vld.idx.msk [tilespmem:v14+s23+$0x0], $0xffff;
	v5 =	vor.u32 v9, v5;
	v9 =	vand.u32 $0x7F, v17;
	v17 =	vadd.s32 v37, v19  }
0x290: {  	v6 =	vlaneseq.u32;
	[tilespmem:v16+s22+$0x0] =	vst.idx.msk $0xffff, v11;
	v8 =	vadd.s32 v38, v8;
	v9 =	vor.u32 v9, v17  }
0x291: {  	v27 =	vmovc v50;
	[tilespmem:$0x1FEC0] =	vst v23;
	v5 =	vor.u32 v29, v5;
	v17 =	vld [tilespmem:$0x1D0];
	v8 =	vor.u32 v18, v8;
	v11 =	vshll.u32 v10, $0x3  }
0x292: {  	v52 =	vshll.u32 v0, $0xD;
	v16 =	vld.idx.msk [tilespmem:v1+s23+$0x0], $0xffff;
	v8 =	vor.u32 v44, v8;
	v1 =	vand.u32 $0xFFFFFC00, v11;
	[tilespmem:v58+s22+$0x0] =	vst.idx.msk $0xffff, v15  }
0x293: {  	p0 =	slt.u32 s26, $0x3C;
	v50 =	vmovc v44;
	v62 =	vor.u32 v62, v23;
	v23 =	vmovc v22;
	v10 =	vand.u32 $0x7F, v10;
	v1 =	vadd.s32 v40, v1;
	v58 =	vld [tilespmem:$0x1F0]  }
.Ltmp0:
0x294: {  	v19 =	vlaneseq.u32;
	v9 =	vor.u32 v46, v9;
	v44 =	vmovc v60;
	[tilespmem:v13+s22+$0x0] =	vst.idx.msk $0xffff, v14;
	v0 =	vor.u32 v10, v1;
	(pc) =	sbr.rel @p0 .LBB2_2-.Ltmp0, $4  }
0x295: {  	v60 =	vmovc v46;
	v14 =	vor.u32 v6, v22;
	v57 =	vld [tilespmem:$0x1D0];
	v13 =	vor.u32 v39, v0;
	v0 =	vor.u32 v53, v28  }
0x296: {  	v15 =	vor.u32 v6, v49;
	v1 =	vor.u32 v21, v35;
	v11 =	vld.idx.msk [tilespmem:v5+s23+$0x0], $0xffff;
	v5 =	vshll.u32 v17, $0x3;
	[tilespmem:$0x1FEB0] =	vst v0  }
0x297: {  	v10 =	vor.u32 v54, v35;
	v5 =	vand.u32 $0xFFFFFC00, v5;
	v0 =	vand.u32 $0x7F, v17;
	[tilespmem:v12+s22+$0x0] =	vst.idx.msk $0xffff, v16;
	v12 =	vld.idx.msk [tilespmem:v8+s23+$0x0], $0xffff  }
0x298: {  	s25 =	smov.u32 s26;
	s26 =	sadd.s32 $0x4, s26;
	v46 =	vmovc v36;
	v28 =	vmovc v32;
	v8 =	vor.u32 v54, v36;
	v16 =	vld [tilespmem:$0x100];
	v5 =	vadd.s32 v30, v5;
	v6 =	vshll.u32 v58, $0x3  }
0x299: {  	_ =	sdelay $0x1  }
0x29a: {  	s25 =	sadd.s32 $0x3, s25  }
0x29b: {  	v17 =	vmov s25  }
0x29c: {  	v21 =	vshrl.u32 v17, $0x3;
	v18 =	vshll.u32 v16, $0x3  }
0x29d: {  	v53 =	vshll.u32 v21, $0xD;
	v18 =	vand.u32 $0xFFFFFC00, v18  }
0x29e: {  	v17 =	vshll.u32 v17, $0x7;
	v16 =	vand.u32 $0x7F, v16;
	v45 =	vadd.s32 v53, v18  }
0x29f: {  	v55 =	vand.u32 $0x380, v17;
	v36 =	vadd.s32 v59, v18;
	v32 =	vor.u32 v16, v45  }
0x2a0: {  	v45 =	vor.u32 v16, v36;
	v22 =	vor.u32 v55, v32  }
0x2a1: {  	v54 =	vadd.s32 v51, v18;
	v45 =	vor.u32 v44, v45  }
0x2a2: {  	v17 =	vor.u32 v16, v54  }
0x2a3: {  	v21 =	vshll.u32 v21, $0xB;
	v32 =	vor.u32 v47, v17  }
0x2a4: {  	v54 =	vor.u32 v55, v21  }
0x2a5: {  	v21 =	vld.idx.msk [tilespmem:v22+s23+$0x0], $0xffff;
	v22 =	vor.u32 v19, v54  }
0x2a6: {  	v18 =	vadd.s32 v52, v18;
	v36 =	vld.idx.msk [tilespmem:v45+s23+$0x0], $0xffff  }
0x2a7: {  	v16 =	vor.u32 v16, v18  }
0x2a8: {  	v16 =	vor.u32 v48, v16;
	v45 =	vld.idx.msk [tilespmem:v32+s23+$0x0], $0xffff;
	_ =	sdelay $0x1  }
0x2a9: {  	[tilespmem:v22+s22+$0x0] =	vst.idx.msk $0xffff, v21  }
0x2aa: {  	[tilespmem:v7+s22+$0x0] =	vst.idx.msk $0xffff, v36;
	v21 =	vld [tilespmem:$0x110]  }
0x2ab: {  	v32 =	vld [tilespmem:$0x110]  }
0x2ac: {  	v22 =	vld.idx.msk [tilespmem:v16+s23+$0x0], $0xffff;
	[tilespmem:v14+s22+$0x0] =	vst.idx.msk $0xffff, v45  }
0x2ad: {  	v17 =	vld [tilespmem:$0x110];
	_ =	sdelay $0x1  }
0x2ae: {  	v36 =	vshll.u32 v21, $0x3  }
0x2af: {  	v45 =	vand.u32 $0x7F, v21;
	v21 =	vshll.u32 v32, $0x3;
	v14 =	vand.u32 $0xFFFFFC00, v36  }
0x2b0: {  	[tilespmem:v15+s22+$0x0] =	vst.idx.msk $0xffff, v22;
	v16 =	vand.u32 $0x7F, v32;
	v15 =	vand.u32 $0xFFFFFC00, v21;
	v14 =	vadd.s32 v53, v14  }
0x2b1: {  	v22 =	vshll.u32 v17, $0x3;
	v15 =	vadd.s32 v59, v15;
	v19 =	vor.u32 v45, v14;
	v14 =	vld [tilespmem:$0x110]  }
0x2b2: {  	v32 =	vand.u32 $0xFFFFFC00, v22;
	v21 =	vld [tilespmem:$0x1FF10];
	v15 =	vor.u32 v16, v15;
	v7 =	vor.u32 v55, v19  }
0x2b3: {  	v17 =	vand.u32 $0x7F, v17;
	v16 =	vadd.s32 v51, v32;
	v15 =	vor.u32 v44, v15  }
0x2b4: {  	v16 =	vor.u32 v17, v16  }
0x2b5: {  	v16 =	vor.u32 v47, v16  }
0x2b6: {  	v36 =	vshll.u32 v14, $0x3  }
0x2b7: {  	v22 =	vor.u32 v21, v54;
	v7 =	vld.idx.msk [tilespmem:v7+s23+$0x0], $0xffff;
	v32 =	vand.u32 $0xFFFFFC00, v36  }
0x2b8: {  	v14 =	vand.u32 $0x7F, v14;
	v15 =	vld.idx.msk [tilespmem:v15+s23+$0x0], $0xffff;
	v17 =	vadd.s32 v52, v32  }
0x2b9: {  	v14 =	vor.u32 v14, v17  }
0x2ba: {  	v36 =	vor.u32 v21, v23;
	v16 =	vld.idx.msk [tilespmem:v16+s23+$0x0], $0xffff;
	v14 =	vor.u32 v48, v14;
	_ =	sdelay $0x1  }
0x2bb: {  	[tilespmem:v22+s22+$0x0] =	vst.idx.msk $0xffff, v7  }
0x2bc: {  	[tilespmem:v56+s22+$0x0] =	vst.idx.msk $0xffff, v15;
	v7 =	vld [tilespmem:$0x120]  }
0x2bd: {  	v56 =	vld [tilespmem:$0x120]  }
0x2be: {  	v45 =	vor.u32 v21, v49;
	[tilespmem:v36+s22+$0x0] =	vst.idx.msk $0xffff, v16;
	v14 =	vld.idx.msk [tilespmem:v14+s23+$0x0], $0xffff  }
0x2bf: {  	v17 =	vld [tilespmem:$0x120];
	_ =	sdelay $0x1  }
0x2c0: {  	v21 =	vshll.u32 v7, $0x3  }
0x2c1: {  	v7 =	vand.u32 $0x7F, v7;
	v32 =	vshll.u32 v56, $0x3;
	v22 =	vand.u32 $0xFFFFFC00, v21  }
0x2c2: {  	v36 =	vand.u32 $0x7F, v56;
	v15 =	vand.u32 $0xFFFFFC00, v32;
	v16 =	vadd.s32 v53, v22;
	[tilespmem:v45+s22+$0x0] =	vst.idx.msk $0xffff, v14  }
0x2c3: {  	v15 =	vadd.s32 v59, v15;
	v45 =	vshll.u32 v17, $0x3;
	v7 =	vor.u32 v7, v16;
	v14 =	vld [tilespmem:$0x120]  }
0x2c4: {  	v15 =	vor.u32 v36, v15;
	v16 =	vand.u32 $0xFFFFFC00, v45;
	v21 =	vld [tilespmem:$0x1FF20];
	v7 =	vor.u32 v55, v7  }
0x2c5: {  	v17 =	vand.u32 $0x7F, v17;
	v15 =	vor.u32 v44, v15;
	v16 =	vadd.s32 v51, v16  }
0x2c6: {  	v16 =	vor.u32 v17, v16  }
0x2c7: {  	v16 =	vor.u32 v47, v16  }
0x2c8: {  	v56 =	vshll.u32 v14, $0x3  }
0x2c9: {  	v22 =	vor.u32 v21, v54;
	v7 =	vld.idx.msk [tilespmem:v7+s23+$0x0], $0xffff;
	v32 =	vand.u32 $0xFFFFFC00, v56  }
0x2ca: {  	v14 =	vand.u32 $0x7F, v14;
	v15 =	vld.idx.msk [tilespmem:v15+s23+$0x0], $0xffff;
	v17 =	vadd.s32 v52, v32  }
0x2cb: {  	v14 =	vor.u32 v14, v17  }
0x2cc: {  	v36 =	vor.u32 v21, v23;
	v16 =	vld.idx.msk [tilespmem:v16+s23+$0x0], $0xffff;
	v14 =	vor.u32 v48, v14;
	_ =	sdelay $0x1  }
0x2cd: {  	[tilespmem:v22+s22+$0x0] =	vst.idx.msk $0xffff, v7  }
0x2ce: {  	[tilespmem:v4+s22+$0x0] =	vst.idx.msk $0xffff, v15;
	v7 =	vld [tilespmem:$0x130]  }
0x2cf: {  	v15 =	vld [tilespmem:$0x130]  }
0x2d0: {  	[tilespmem:v36+s22+$0x0] =	vst.idx.msk $0xffff, v16;
	v14 =	vld.idx.msk [tilespmem:v14+s23+$0x0], $0xffff  }
0x2d1: {  	v45 =	vor.u32 v21, v49;
	v17 =	vld [tilespmem:$0x130];
	_ =	sdelay $0x1  }
0x2d2: {  	v56 =	vshll.u32 v7, $0x3  }
0x2d3: {  	v7 =	vand.u32 $0x7F, v7;
	v16 =	vand.u32 $0xFFFFFC00, v56  }
0x2d4: {  	v32 =	vshll.u32 v15, $0x3;
	v15 =	vand.u32 $0x7F, v15;
	v16 =	vadd.s32 v53, v16  }
0x2d5: {  	[tilespmem:v45+s22+$0x0] =	vst.idx.msk $0xffff, v14;
	v14 =	vand.u32 $0xFFFFFC00, v32;
	v36 =	vshll.u32 v17, $0x3;
	v21 =	vor.u32 v7, v16  }
0x2d6: {  	v14 =	vadd.s32 v59, v14;
	v45 =	vand.u32 $0xFFFFFC00, v36;
	v19 =	vld [tilespmem:$0x1FF30];
	v4 =	vor.u32 v55, v21  }
0x2d7: {  	v17 =	vand.u32 $0x7F, v17;
	v22 =	vld [tilespmem:$0x130];
	v14 =	vor.u32 v15, v14;
	v15 =	vadd.s32 v51, v45  }
0x2d8: {  	v14 =	vor.u32 v44, v14;
	v15 =	vor.u32 v17, v15  }
0x2d9: {  	v15 =	vor.u32 v47, v15;
	_ =	sdelay $0x1  }
0x2da: {  	v21 =	vor.u32 v19, v54;
	v4 =	vld.idx.msk [tilespmem:v4+s23+$0x0], $0xffff  }
0x2db: {  	v56 =	vshll.u32 v22, $0x3  }
0x2dc: {  	v7 =	vand.u32 $0x7F, v22;
	v22 =	vor.u32 v19, v43;
	v16 =	vand.u32 $0xFFFFFC00, v56;
	v14 =	vld.idx.msk [tilespmem:v14+s23+$0x0], $0xffff  }
0x2dd: {  	v32 =	vor.u32 v19, v23;
	v16 =	vadd.s32 v52, v16;
	v15 =	vld.idx.msk [tilespmem:v15+s23+$0x0], $0xffff  }
0x2de: {  	v7 =	vor.u32 v7, v16  }
0x2df: {  	v7 =	vor.u32 v48, v7;
	[tilespmem:v21+s22+$0x0] =	vst.idx.msk $0xffff, v4  }
0x2e0: {  	v4 =	vld [tilespmem:$0x140]  }
0x2e1: {  	[tilespmem:v22+s22+$0x0] =	vst.idx.msk $0xffff, v14  }
0x2e2: {  	v16 =	vld [tilespmem:$0x140];
	[tilespmem:v32+s22+$0x0] =	vst.idx.msk $0xffff, v15  }
0x2e3: {  	v17 =	vld [tilespmem:$0x140]  }
0x2e4: {  	v36 =	vor.u32 v19, v49;
	v7 =	vld.idx.msk [tilespmem:v7+s23+$0x0], $0xffff  }
0x2e5: {  	v45 =	vshll.u32 v4, $0x3  }
0x2e6: {  	v4 =	vand.u32 $0x7F, v4;
	v56 =	vand.u32 $0xFFFFFC00, v45  }
0x2e7: {  	v18 =	vshll.u32 v16, $0x3;
	v19 =	vand.u32 $0x7F, v16;
	v15 =	vadd.s32 v53, v56  }
0x2e8: {  	v14 =	vand.u32 $0xFFFFFC00, v18;
	v21 =	vshll.u32 v17, $0x3;
	v22 =	vand.u32 $0x7F, v17  }
0x2e9: {  	[tilespmem:v36+s22+$0x0] =	vst.idx.msk $0xffff, v7;
	v4 =	vor.u32 v4, v15;
	v14 =	vadd.s32 v59, v14;
	v15 =	vand.u32 $0xFFFFFC00, v21  }
0x2ea: {  	v36 =	vld [tilespmem:$0x1FF40];
	v4 =	vor.u32 v55, v4;
	v14 =	vor.u32 v19, v14;
	v15 =	vadd.s32 v51, v15  }
0x2eb: {  	v7 =	vld [tilespmem:$0x140];
	v14 =	vor.u32 v44, v14;
	v15 =	vor.u32 v22, v15  }
0x2ec: {  	v15 =	vor.u32 v47, v15;
	_ =	sdelay $0x2  }
0x2ed: {  	v45 =	vor.u32 v36, v54;
	v4 =	vld.idx.msk [tilespmem:v4+s23+$0x0], $0xffff  }
0x2ee: {  	v32 =	vshll.u32 v7, $0x3;
	v21 =	vor.u32 v36, v43;
	v14 =	vld.idx.msk [tilespmem:v14+s23+$0x0], $0xffff  }
0x2ef: {  	v22 =	vor.u32 v36, v23;
	v17 =	vand.u32 $0xFFFFFC00, v32;
	v15 =	vld.idx.msk [tilespmem:v15+s23+$0x0], $0xffff  }
0x2f0: {  	v7 =	vand.u32 $0x7F, v7;
	v56 =	vadd.s32 v52, v17  }
0x2f1: {  	v7 =	vor.u32 v7, v56  }
0x2f2: {  	v7 =	vor.u32 v48, v7;
	[tilespmem:v45+s22+$0x0] =	vst.idx.msk $0xffff, v4  }
0x2f3: {  	[tilespmem:v21+s22+$0x0] =	vst.idx.msk $0xffff, v14  }
0x2f4: {  	[tilespmem:v22+s22+$0x0] =	vst.idx.msk $0xffff, v15  }
0x2f5: {  	v19 =	vld [tilespmem:$0x1FF70]  }
0x2f6: {  	v4 =	vld [tilespmem:$0x150]  }
0x2f7: {  	v32 =	vor.u32 v36, v49;
	v7 =	vld.idx.msk [tilespmem:v7+s23+$0x0], $0xffff;
	_ =	sdelay $0x1  }
0x2f8: {  	v16 =	vld [tilespmem:$0x150]  }
0x2f9: {  	v13 =	vld.idx.msk [tilespmem:v13+s23+$0x0], $0xffff;
	v56 =	vor.u32 v19, v34;
	_ =	sdelay $0x1  }
0x2fa: {  	v36 =	vshll.u32 v4, $0x3;
	[tilespmem:v32+s22+$0x0] =	vst.idx.msk $0xffff, v7;
	v7 =	vld [tilespmem:$0x150]  }
0x2fb: {  	[tilespmem:v3+s22+$0x0] =	vst.idx.msk $0xffff, v11;
	v45 =	vand.u32 $0xFFFFFC00, v36  }
0x2fc: {  	[tilespmem:v10+s22+$0x0] =	vst.idx.msk $0xffff, v12;
	v4 =	vand.u32 $0x7F, v4;
	v21 =	vshll.u32 v16, $0x3;
	v15 =	vadd.s32 v53, v45;
	v14 =	vld [tilespmem:$0x150]  }
0x2fd: {  	v4 =	vor.u32 v4, v15;
	v15 =	vand.u32 $0xFFFFFC00, v21;
	[tilespmem:v56+s22+$0x0] =	vst.idx.msk $0xffff, v13  }
0x2fe: {  	v22 =	vand.u32 $0x7F, v16;
	v4 =	vor.u32 v55, v4;
	v32 =	vadd.s32 v59, v15;
	v18 =	vld [tilespmem:$0x1FF50]  }
0x2ff: {  	v3 =	vor.u32 v22, v32;
	v36 =	vshll.u32 v7, $0x3  }
0x300: {  	v9 =	vld.idx.msk [tilespmem:v9+s23+$0x0], $0xffff;
	v3 =	vor.u32 v44, v3;
	v11 =	vand.u32 $0xFFFFFC00, v36  }
0x301: {  	v10 =	vld [tilespmem:$0x170];
	v7 =	vand.u32 $0x7F, v7;
	v56 =	vshll.u32 v14, $0x3;
	v11 =	vadd.s32 v51, v11  }
0x302: {  	v15 =	vld [tilespmem:$0x170];
	v14 =	vand.u32 $0x7F, v14;
	v16 =	vand.u32 $0xFFFFFC00, v56;
	v7 =	vor.u32 v7, v11  }
0x303: {  	v4 =	vld.idx.msk [tilespmem:v4+s23+$0x0], $0xffff;
	v21 =	vadd.s32 v52, v16;
	v7 =	vor.u32 v47, v7;
	v45 =	vor.u32 v18, v54  }
0x304: {  	v12 =	vld [tilespmem:$0x180];
	v11 =	vor.u32 v14, v21  }
0x305: {  	[tilespmem:v8+s22+$0x0] =	vst.idx.msk $0xffff, v9;
	v8 =	vor.u32 v48, v11;
	_ =	sdelay $0x1  }
0x306: {  	v32 =	vshll.u32 v10, $0x3;
	v3 =	vld.idx.msk [tilespmem:v3+s23+$0x0], $0xffff  }
0x307: {  	v22 =	vshll.u32 v15, $0x3;
	v56 =	vand.u32 $0xFFFFFC00, v32;
	v9 =	vor.u32 v18, v43;
	v7 =	vld.idx.msk [tilespmem:v7+s23+$0x0], $0xffff;
	[tilespmem:v45+s22+$0x0] =	vst.idx.msk $0xffff, v4  }
0x308: {  	v36 =	vshll.u32 v12, $0x3;
	v32 =	vor.u32 v18, v23;
	v45 =	vand.u32 $0xFFFFFC00, v22;
	v22 =	vld [tilespmem:$0x160]  }
0x309: {  	v21 =	vand.u32 $0xFFFFFC00, v36;
	v36 =	vor.u32 v18, v49;
	v8 =	vld.idx.msk [tilespmem:v8+s23+$0x0], $0xffff;
	_ =	sdelay $0x1  }
0x30a: {  	v11 =	vld [tilespmem:$0x170]  }
0x30b: {  	v10 =	vand.u32 $0x7F, v10;
	v15 =	vand.u32 $0x7F, v15;
	v13 =	vadd.s32 v38, v56;
	[tilespmem:v9+s22+$0x0] =	vst.idx.msk $0xffff, v3  }
0x30c: {  	v12 =	vand.u32 $0x7F, v12;
	v14 =	vadd.s32 v40, v21;
	[tilespmem:v32+s22+$0x0] =	vst.idx.msk $0xffff, v7;
	v56 =	vshll.u32 v22, $0x3  }
0x30d: {  	v10 =	vor.u32 v10, v13;
	v12 =	vor.u32 v12, v14;
	v14 =	vld [tilespmem:$0x160];
	[tilespmem:v36+s22+$0x0] =	vst.idx.msk $0xffff, v8;
	v18 =	vand.u32 $0xFFFFFC00, v56  }
0x30e: {  	v12 =	vor.u32 v39, v12;
	v4 =	vadd.s32 v31, v45;
	v13 =	vadd.s32 v53, v18;
	v18 =	vld [tilespmem:$0x1FF80]  }
0x30f: {  	v45 =	vshll.u32 v11, $0x3;
	v4 =	vor.u32 v15, v4  }
0x310: {  	v11 =	vand.u32 $0x7F, v11;
	v4 =	vor.u32 v29, v4;
	v15 =	vld [tilespmem:$0x160];
	v21 =	vand.u32 $0x7F, v22  }
0x311: {  	v9 =	vand.u32 $0xFFFFFC00, v45;
	v8 =	vld [tilespmem:$0x160];
	v22 =	vor.u32 v50, v10;
	v7 =	vor.u32 v21, v13  }
0x312: {  	v9 =	vadd.s32 v37, v9;
	v17 =	vld [tilespmem:$0x1FF60];
	v36 =	vshll.u32 v14, $0x3;
	v7 =	vor.u32 v55, v7  }
0x313: {  	v12 =	vld.idx.msk [tilespmem:v12+s23+$0x0], $0xffff;
	v9 =	vor.u32 v11, v9;
	v10 =	vand.u32 $0xFFFFFC00, v36;
	v45 =	vor.u32 v18, v34  }
0x314: {  	v9 =	vor.u32 v60, v9;
	v14 =	vand.u32 $0x7F, v14;
	v10 =	vadd.s32 v59, v10  }
0x315: {  	v4 =	vld.idx.msk [tilespmem:v4+s23+$0x0], $0xffff;
	v10 =	vor.u32 v14, v10;
	v56 =	vshll.u32 v15, $0x3;
	v15 =	vand.u32 $0x7F, v15  }
0x316: {  	v10 =	vor.u32 v44, v10;
	v11 =	vand.u32 $0xFFFFFC00, v56;
	v3 =	vld.idx.msk [tilespmem:v22+s23+$0x0], $0xffff;
	v22 =	vshll.u32 v8, $0x3  }
0x317: {  	v21 =	vor.u32 v17, v54;
	v11 =	vadd.s32 v51, v11;
	v16 =	vand.u32 $0xFFFFFC00, v22;
	v7 =	vld.idx.msk [tilespmem:v7+s23+$0x0], $0xffff  }
0x318: {  	v8 =	vand.u32 $0x7F, v8;
	v11 =	vor.u32 v15, v11;
	v36 =	vadd.s32 v52, v16;
	[tilespmem:v45+s22+$0x0] =	vst.idx.msk $0xffff, v12  }
0x319: {  	v11 =	vor.u32 v47, v11;
	v8 =	vor.u32 v8, v36;
	v13 =	vld [tilespmem:$0x190]  }
0x31a: {  	v8 =	vor.u32 v48, v8  }
0x31b: {  	v56 =	vor.u32 v19, v35;
	v9 =	vld.idx.msk [tilespmem:v9+s23+$0x0], $0xffff  }
0x31c: {  	v36 =	vor.u32 v19, v46;
	v10 =	vld.idx.msk [tilespmem:v10+s23+$0x0], $0xffff;
	[tilespmem:v21+s22+$0x0] =	vst.idx.msk $0xffff, v7  }
0x31d: {  	[tilespmem:v2+s22+$0x0] =	vst.idx.msk $0xffff, v4;
	v45 =	vor.u32 v17, v43;
	v4 =	vld [tilespmem:$0x170]  }
0x31e: {  	v11 =	vld.idx.msk [tilespmem:v11+s23+$0x0], $0xffff;
	v21 =	vor.u32 v17, v23;
	v16 =	vshll.u32 v13, $0x3  }
0x31f: {  	v8 =	vld.idx.msk [tilespmem:v8+s23+$0x0], $0xffff;
	v7 =	vand.u32 $0xFFFFFC00, v16;
	v16 =	vor.u32 v17, v49  }
0x320: {  	[tilespmem:v56+s22+$0x0] =	vst.idx.msk $0xffff, v3  }
0x321: {  	[tilespmem:v36+s22+$0x0] =	vst.idx.msk $0xffff, v9  }
0x322: {  	v2 =	vld [tilespmem:$0x180];
	[tilespmem:v45+s22+$0x0] =	vst.idx.msk $0xffff, v10;
	v56 =	vshll.u32 v4, $0x3  }
0x323: {  	v15 =	vld [tilespmem:$0x180];
	v22 =	vand.u32 $0x7F, v13;
	[tilespmem:v21+s22+$0x0] =	vst.idx.msk $0xffff, v11;
	v7 =	vadd.s32 v40, v7;
	v17 =	vand.u32 $0xFFFFFC00, v56  }
0x324: {  	v12 =	vld [tilespmem:$0x170];
	v4 =	vand.u32 $0x7F, v4;
	v3 =	vor.u32 v22, v7;
	v21 =	vadd.s32 v53, v17;
	[tilespmem:v16+s22+$0x0] =	vst.idx.msk $0xffff, v8  }
0x325: {  	v3 =	vor.u32 v39, v3;
	v4 =	vor.u32 v4, v21;
	v21 =	vld [tilespmem:$0x1FF90];
	_ =	sdelay $0x2  }
0x326: {  	v36 =	vshll.u32 v15, $0x3;
	v45 =	vshll.u32 v2, $0x3;
	v11 =	vld [tilespmem:$0x170]  }
0x327: {  	v2 =	vand.u32 $0x7F, v2;
	v7 =	vand.u32 $0xFFFFFC00, v45;
	v22 =	vshll.u32 v12, $0x3  }
0x328: {  	v4 =	vor.u32 v55, v4;
	v8 =	vand.u32 $0xFFFFFC00, v22;
	v3 =	vld.idx.msk [tilespmem:v3+s23+$0x0], $0xffff;
	v45 =	vor.u32 v21, v34  }
0x329: {  	v7 =	vadd.s32 v31, v7;
	v12 =	vand.u32 $0x7F, v12;
	v8 =	vadd.s32 v59, v8  }
0x32a: {  	v9 =	vand.u32 $0xFFFFFC00, v36;
	v2 =	vor.u32 v2, v7;
	v7 =	vld [tilespmem:$0x170];
	v8 =	vor.u32 v12, v8  }
0x32b: {  	v14 =	vld [tilespmem:$0x180];
	v9 =	vadd.s32 v38, v9;
	v56 =	vshll.u32 v11, $0x3;
	v8 =	vor.u32 v44, v8  }
0x32c: {  	v13 =	vor.u32 v19, v43;
	v2 =	vor.u32 v29, v2;
	v12 =	vand.u32 $0xFFFFFC00, v56  }
0x32d: {  	v15 =	vand.u32 $0x7F, v15;
	v11 =	vand.u32 $0x7F, v11;
	v12 =	vadd.s32 v51, v12;
	v4 =	vld.idx.msk [tilespmem:v4+s23+$0x0], $0xffff;
	[tilespmem:v45+s22+$0x0] =	vst.idx.msk $0xffff, v3  }
0x32e: {  	v9 =	vor.u32 v15, v9;
	v16 =	vor.u32 v19, v54;
	v11 =	vor.u32 v11, v12;
	v56 =	vld [tilespmem:$0x1FE80]  }
0x32f: {  	v9 =	vor.u32 v50, v9;
	v11 =	vor.u32 v47, v11;
	v22 =	vshll.u32 v7, $0x3  }
0x330: {  	v7 =	vand.u32 $0x7F, v7;
	v17 =	vand.u32 $0xFFFFFC00, v22;
	v8 =	vld.idx.msk [tilespmem:v8+s23+$0x0], $0xffff;
	v45 =	vshll.u32 v14, $0x3  }
0x331: {  	v2 =	vld.idx.msk [tilespmem:v2+s23+$0x0], $0xffff;
	v36 =	vadd.s32 v52, v17;
	v17 =	vand.u32 $0xFFFFFC00, v6;
	v22 =	vand.u32 $0xFFFFFC00, v45  }
0x332: {  	v3 =	vor.u32 v7, v36;
	v36 =	vand.u32 $0x7F, v14;
	v7 =	vld [tilespmem:$0x1A0];
	v6 =	vadd.s32 v37, v22  }
0x333: {  	v3 =	vor.u32 v48, v3;
	[tilespmem:v16+s22+$0x0] =	vst.idx.msk $0xffff, v4;
	v4 =	vor.u32 v36, v6  }
0x334: {  	v9 =	vld.idx.msk [tilespmem:v9+s23+$0x0], $0xffff;
	v4 =	vor.u32 v60, v4  }
0x335: {  	v10 =	vand.u32 $0x7F, v57;
	v11 =	vld.idx.msk [tilespmem:v11+s23+$0x0], $0xffff;
	v45 =	vshll.u32 v57, $0x3;
	v57 =	vor.u32 v19, v23;
	[tilespmem:v13+s22+$0x0] =	vst.idx.msk $0xffff, v8  }
0x336: {  	[tilespmem:v56+s22+$0x0] =	vst.idx.msk $0xffff, v2;
	v56 =	vld [tilespmem:$0x180]  }
0x337: {  	v5 =	vor.u32 v0, v5;
	v32 =	vmovc v50;
	v50 =	vand.u32 $0x7F, v58;
	v22 =	vld [tilespmem:$0x180];
	v58 =	vshll.u32 v7, $0x3  }
0x338: {  	v3 =	vld.idx.msk [tilespmem:v3+s23+$0x0], $0xffff;
	v8 =	vand.u32 $0xFFFFFC00, v58;
	v2 =	vadd.s32 v42, v17;
	v17 =	vor.u32 v19, v49  }
0x339: {  	v14 =	vand.u32 $0xFFFFFC00, v45;
	v7 =	vand.u32 $0x7F, v7;
	v8 =	vadd.s32 v40, v8;
	v4 =	vld.idx.msk [tilespmem:v4+s23+$0x0], $0xffff  }
0x33a: {  	[tilespmem:v57+s22+$0x0] =	vst.idx.msk $0xffff, v11;
	v19 =	vadd.s32 v24, v14;
	v7 =	vor.u32 v7, v8;
	v42 =	vld [tilespmem:$0x190]  }
0x33b: {  	v0 =	vor.u32 v50, v2;
	v50 =	vmovc v24;
	v2 =	vor.u32 v10, v19;
	v24 =	vshll.u32 v56, $0x3  }
0x33c: {  	[tilespmem:v1+s22+$0x0] =	vst.idx.msk $0xffff, v9;
	v14 =	vld [tilespmem:$0x180];
	v6 =	vand.u32 $0x7F, v56;
	v56 =	vshll.u32 v22, $0x3;
	v8 =	vand.u32 $0xFFFFFC00, v24  }
0x33d: {  	v7 =	vor.u32 v39, v7;
	v10 =	vld [tilespmem:$0x1D0];
	[tilespmem:v17+s22+$0x0] =	vst.idx.msk $0xffff, v3;
	v57 =	vand.u32 $0xFFFFFC00, v56;
	v8 =	vadd.s32 v53, v8  }
0x33e: {  	v58 =	vand.u32 $0x7F, v22;
	v19 =	vld [tilespmem:$0x1FFA0];
	[tilespmem:v61+s22+$0x0] =	vst.idx.msk $0xffff, v4;
	v3 =	vadd.s32 v59, v57;
	v6 =	vor.u32 v6, v8  }
0x33f: {  	v36 =	vshll.u32 v42, $0x3;
	v57 =	vld [tilespmem:$0x190];
	v3 =	vor.u32 v58, v3;
	v6 =	vor.u32 v55, v6  }
0x340: {  	v11 =	vand.u32 $0xFFFFFC00, v36;
	v8 =	vld [tilespmem:$0x180];
	v3 =	vor.u32 v44, v3  }
0x341: {  	v13 =	vor.u32 v18, v54;
	v22 =	vshll.u32 v14, $0x3;
	v45 =	vadd.s32 v31, v11;
	v11 =	vld [tilespmem:$0x190]  }
0x342: {  	v2 =	vor.u32 v27, v2;
	v42 =	vand.u32 $0x7F, v42;
	v24 =	vand.u32 $0xFFFFFC00, v22  }
0x343: {  	v7 =	vld.idx.msk [tilespmem:v7+s23+$0x0], $0xffff;
	v17 =	vshll.u32 v10, $0x3;
	v1 =	vor.u32 v42, v45;
	v12 =	vor.u32 v19, v34  }
0x344: {  	v9 =	vadd.s32 v51, v24;
	v24 =	vor.u32 v18, v43;
	v1 =	vor.u32 v29, v1;
	v42 =	vld.idx.msk [tilespmem:v6+s23+$0x0], $0xffff  }
0x345: {  	v45 =	vand.u32 $0x7F, v14;
	v15 =	vand.u32 $0x7F, v57;
	v36 =	vshll.u32 v8, $0x3;
	v3 =	vld.idx.msk [tilespmem:v3+s23+$0x0], $0xffff  }
0x346: {  	v8 =	vand.u32 $0x7F, v8;
	v61 =	vshll.u32 v11, $0x3;
	v6 =	vor.u32 v45, v9  }
0x347: {  	v11 =	vand.u32 $0x7F, v11;
	v56 =	vand.u32 $0xFFFFFC00, v36;
	v6 =	vor.u32 v47, v6  }
0x348: {  	v22 =	vand.u32 $0xFFFFFC00, v61;
	v36 =	vand.u32 $0x7F, v10;
	v58 =	vadd.s32 v52, v56;
	[tilespmem:v12+s22+$0x0] =	vst.idx.msk $0xffff, v7  }
0x349: {  	v9 =	vadd.s32 v38, v22;
	v1 =	vld.idx.msk [tilespmem:v1+s23+$0x0], $0xffff;
	v16 =	vor.u32 v8, v58;
	[tilespmem:v13+s22+$0x0] =	vst.idx.msk $0xffff, v42  }
0x34a: {  	v9 =	vor.u32 v11, v9;
	v12 =	vld [tilespmem:$0x1B0];
	v7 =	vor.u32 v48, v16;
	v42 =	vshll.u32 v57, $0x3;
	[tilespmem:v24+s22+$0x0] =	vst.idx.msk $0xffff, v3  }
0x34b: {  	v8 =	vand.u32 $0xFFFFFC00, v17;
	v9 =	vor.u32 v32, v9;
	v10 =	vand.u32 $0xFFFFFC00, v42;
	v14 =	vld [tilespmem:$0x1FE90]  }
0x34c: {  	v56 =	vor.u32 v18, v23;
	v8 =	vadd.s32 v25, v8;
	v6 =	vld.idx.msk [tilespmem:v6+s23+$0x0], $0xffff;
	v10 =	vadd.s32 v37, v10  }
0x34d: {  	v4 =	vor.u32 v36, v8;
	v11 =	vld [tilespmem:$0x190];
	v58 =	vor.u32 v15, v10  }
0x34e: {  	v3 =	vor.u32 v26, v4;
	v61 =	vld [tilespmem:$0x190];
	v4 =	vor.u32 v60, v58  }
0x34f: {  	v57 =	vor.u32 v18, v49;
	v7 =	vld.idx.msk [tilespmem:v7+s23+$0x0], $0xffff  }
0x350: {  	v18 =	vor.u32 v21, v35;
	v9 =	vld.idx.msk [tilespmem:v9+s23+$0x0], $0xffff  }
0x351: {  	v2 =	vld.idx.msk [tilespmem:v2+s23+$0x0], $0xffff;
	v36 =	vshll.u32 v12, $0x3;
	[tilespmem:v56+s22+$0x0] =	vst.idx.msk $0xffff, v6  }
0x352: {  	v5 =	vor.u32 v28, v5;
	v42 =	vand.u32 $0xFFFFFC00, v36;
	v15 =	vld [tilespmem:$0x190]  }
0x353: {  	v22 =	vshll.u32 v11, $0x3;
	v11 =	vand.u32 $0x7F, v11;
	v56 =	vand.u32 $0x7F, v12;
	[tilespmem:v14+s22+$0x0] =	vst.idx.msk $0xffff, v1;
	v4 =	vld.idx.msk [tilespmem:v4+s23+$0x0], $0xffff  }
0x354: {  	v58 =	vshll.u32 v61, $0x3;
	[tilespmem:v57+s22+$0x0] =	vst.idx.msk $0xffff, v7;
	v57 =	vadd.s32 v40, v42;
	v1 =	vand.u32 $0xFFFFFC00, v22;
	v6 =	vld [tilespmem:$0x1A0]  }
0x355: {  	v12 =	vand.u32 $0xFFFFFC00, v58;
	v14 =	vor.u32 v21, v46;
	v1 =	vadd.s32 v53, v1;
	v42 =	vld [tilespmem:$0x1FFB0];
	[tilespmem:v18+s22+$0x0] =	vst.idx.msk $0xffff, v9  }
0x356: {  	v8 =	vand.u32 $0x7F, v61;
	v61 =	vadd.s32 v59, v12;
	v1 =	vor.u32 v11, v1;
	v22 =	vld [tilespmem:$0x1FE70]  }
0x357: {  	v8 =	vor.u32 v8, v61;
	v11 =	vld [tilespmem:$0x190];
	v1 =	vor.u32 v55, v1  }
0x358: {  	v3 =	vld.idx.msk [tilespmem:v3+s23+$0x0], $0xffff;
	v8 =	vor.u32 v44, v8  }
0x359: {  	v5 =	vld.idx.msk [tilespmem:v5+s23+$0x0], $0xffff;
	v7 =	vor.u32 v56, v57;
	v36 =	vshll.u32 v15, $0x3  }
0x35a: {  	v12 =	vor.u32 v21, v54;
	v7 =	vor.u32 v39, v7;
	v16 =	vand.u32 $0xFFFFFC00, v36;
	[tilespmem:v14+s22+$0x0] =	vst.idx.msk $0xffff, v4  }
0x35b: {  	v57 =	vand.u32 $0x7F, v15;
	v58 =	vadd.s32 v51, v16;
	v9 =	vand.u32 $0x7F, v6;
	v15 =	vld [tilespmem:$0x1A0]  }
0x35c: {  	[tilespmem:v63+s22+$0x0] =	vst.idx.msk $0xffff, v2;
	v2 =	vor.u32 v57, v58;
	v6 =	vshll.u32 v6, $0x3;
	v56 =	vshll.u32 v11, $0x3;
	v1 =	vld.idx.msk [tilespmem:v1+s23+$0x0], $0xffff  }
0x35d: {  	[tilespmem:v62+s22+$0x0] =	vst.idx.msk $0xffff, v3;
	v58 =	vor.u32 v21, v43;
	v8 =	vld.idx.msk [tilespmem:v8+s23+$0x0], $0xffff;
	v11 =	vand.u32 $0x7F, v11;
	v61 =	vand.u32 $0xFFFFFC00, v56  }
0x35e: {  	v6 =	vand.u32 $0xFFFFFC00, v6;
	v63 =	vadd.s32 v52, v61;
	[tilespmem:v22+s22+$0x0] =	vst.idx.msk $0xffff, v5;
	v5 =	vld [tilespmem:$0x1A0];
	v22 =	vor.u32 v47, v2  }
0x35f: {  	v13 =	vor.u32 v42, v34;
	v56 =	vld.idx.msk [tilespmem:v7+s23+$0x0], $0xffff;
	v6 =	vadd.s32 v31, v6;
	v36 =	vor.u32 v11, v63  }
0x360: {  	v4 =	vld [tilespmem:$0x1E0];
	v6 =	vor.u32 v9, v6;
	v9 =	vor.u32 v21, v23;
	v11 =	vor.u32 v48, v36  }
0x361: {  	v62 =	vor.u32 v29, v6;
	v10 =	vld [tilespmem:$0x1E0];
	v63 =	vshll.u32 v15, $0x3;
	v15 =	vand.u32 $0x7F, v15;
	[tilespmem:v12+s22+$0x0] =	vst.idx.msk $0xffff, v1  }
0x362: {  	[tilespmem:v58+s22+$0x0] =	vst.idx.msk $0xffff, v8;
	v36 =	vand.u32 $0xFFFFFC00, v63;
	v63 =	vor.u32 v19, v33;
	v1 =	vor.u32 v41, v0;
	v6 =	vld [tilespmem:$0x1A0]  }
0x363: {  	v41 =	vor.u32 v21, v49;
	v3 =	vadd.s32 v37, v36;
	v57 =	vshll.u32 v5, $0x3;
	v12 =	vld.idx.msk [tilespmem:v22+s23+$0x0], $0xffff  }
0x364: {  	[tilespmem:v13+s22+$0x0] =	vst.idx.msk $0xffff, v56;
	v13 =	vld [tilespmem:$0x1A0];
	v36 =	vor.u32 v19, v35;
	v3 =	vor.u32 v15, v3;
	v7 =	vand.u32 $0xFFFFFC00, v57  }
0x365: {  	v5 =	vand.u32 $0x7F, v5;
	v3 =	vor.u32 v60, v3;
	v11 =	vld.idx.msk [tilespmem:v11+s23+$0x0], $0xffff;
	v7 =	vadd.s32 v38, v7  }
0x366: {  	v16 =	vld [tilespmem:$0x1C0];
	v22 =	vshll.u32 v10, $0x3;
	v57 =	vand.u32 $0x7F, v10;
	v61 =	vor.u32 v5, v7  }
0x367: {  	v56 =	vand.u32 $0xFFFFFC00, v22;
	v0 =	vor.u32 v32, v61;
	v61 =	vshll.u32 v6, $0x3  }
0x368: {  	v58 =	vadd.s32 v30, v56;
	v5 =	vld.idx.msk [tilespmem:v62+s23+$0x0], $0xffff;
	v62 =	vshll.u32 v4, $0x3;
	v22 =	vand.u32 $0xFFFFFC00, v61;
	[tilespmem:v9+s22+$0x0] =	vst.idx.msk $0xffff, v12  }
0x369: {  	v56 =	vshll.u32 v13, $0x3;
	v6 =	vand.u32 $0x7F, v6;
	v10 =	vadd.s32 v53, v22;
	v12 =	vld [tilespmem:$0x1A0]  }
0x36a: {  	v8 =	vor.u32 v57, v58;
	v3 =	vld.idx.msk [tilespmem:v3+s23+$0x0], $0xffff;
	[tilespmem:v41+s22+$0x0] =	vst.idx.msk $0xffff, v11;
	v6 =	vor.u32 v6, v10  }
0x36b: {  	v57 =	vshll.u32 v16, $0x3;
	v58 =	vor.u32 v19, v46;
	v41 =	vld [tilespmem:$0x1A0];
	v6 =	vor.u32 v55, v6  }
0x36c: {  	v7 =	vand.u32 $0xFFFFFC00, v62;
	v14 =	vand.u32 $0xFFFFFC00, v57;
	v11 =	vand.u32 $0xFFFFFC00, v56;
	v21 =	vld.idx.msk [tilespmem:v0+s23+$0x0], $0xffff  }
0x36d: {  	v61 =	vand.u32 $0x7F, v13;
	v9 =	vor.u32 v19, v54;
	v11 =	vadd.s32 v59, v11;
	[tilespmem:v63+s22+$0x0] =	vst.idx.msk $0xffff, v5  }
0x36e: {  	v57 =	vadd.s32 v40, v14;
	v5 =	vor.u32 v61, v11;
	v62 =	vld [tilespmem:$0x1B0];
	v63 =	vshll.u32 v12, $0x3  }
0x36f: {  	v61 =	vor.u32 v19, v43;
	v5 =	vor.u32 v44, v5;
	v15 =	vand.u32 $0xFFFFFC00, v63  }
0x370: {  	v56 =	vand.u32 $0x7F, v16;
	[tilespmem:v58+s22+$0x0] =	vst.idx.msk $0xffff, v3;
	v12 =	vand.u32 $0x7F, v12;
	v6 =	vld.idx.msk [tilespmem:v6+s23+$0x0], $0xffff;
	v15 =	vadd.s32 v51, v15  }
0x371: {  	v0 =	vor.u32 v28, v8;
	[tilespmem:v36+s22+$0x0] =	vst.idx.msk $0xffff, v21;
	v21 =	vshll.u32 v41, $0x3;
	v36 =	vor.u32 v12, v15  }
0x372: {  	v16 =	vld [tilespmem:$0x1B0];
	v22 =	vand.u32 $0x7F, v41;
	v17 =	vand.u32 $0xFFFFFC00, v21;
	v8 =	vor.u32 v47, v36  }
0x373: {  	v58 =	vshll.u32 v62, $0x3;
	v12 =	vor.u32 v56, v57;
	v11 =	vld [tilespmem:$0x1B0];
	v41 =	vadd.s32 v52, v17  }
0x374: {  	v5 =	vld.idx.msk [tilespmem:v5+s23+$0x0], $0xffff;
	v14 =	vand.u32 $0xFFFFFC00, v58;
	v63 =	vor.u32 v39, v12;
	v3 =	vor.u32 v22, v41  }
0x375: {  	v13 =	vand.u32 $0x7F, v62;
	v14 =	vadd.s32 v31, v14;
	v3 =	vor.u32 v48, v3;
	[tilespmem:v9+s22+$0x0] =	vst.idx.msk $0xffff, v6  }
0x376: {  	v22 =	vor.u32 v13, v14;
	v36 =	vld [tilespmem:$0x1B0]  }
0x377: {  	v56 =	vor.u32 v19, v23;
	v41 =	vshll.u32 v16, $0x3;
	v12 =	vor.u32 v29, v22;
	v8 =	vld.idx.msk [tilespmem:v8+s23+$0x0], $0xffff  }
0x378: {  	v2 =	vld [tilespmem:$0x1E0];
	v14 =	vand.u32 $0xFFFFFC00, v41;
	v62 =	vshll.u32 v11, $0x3  }
0x379: {  	v16 =	vand.u32 $0x7F, v16;
	v14 =	vadd.s32 v37, v14;
	[tilespmem:v61+s22+$0x0] =	vst.idx.msk $0xffff, v5;
	v6 =	vld.idx.msk [tilespmem:v63+s23+$0x0], $0xffff;
	v21 =	vand.u32 $0xFFFFFC00, v62  }
0x37a: {  	v11 =	vand.u32 $0x7F, v11;
	v61 =	vor.u32 v16, v14;
	v9 =	vadd.s32 v38, v21;
	v3 =	vld.idx.msk [tilespmem:v3+s23+$0x0], $0xffff  }
0x37b: {  	v57 =	vor.u32 v19, v49;
	v58 =	vor.u32 v11, v9;
	v11 =	vld [tilespmem:$0x1B0];
	v9 =	vor.u32 v60, v61  }
0x37c: {  	v12 =	vld.idx.msk [tilespmem:v12+s23+$0x0], $0xffff;
	v5 =	vor.u32 v32, v58;
	v62 =	vshll.u32 v36, $0x3;
	[tilespmem:v56+s22+$0x0] =	vst.idx.msk $0xffff, v8  }
0x37d: {  	v63 =	vor.u32 v42, v33;
	v14 =	vand.u32 $0xFFFFFC00, v62;
	v19 =	vld [tilespmem:$0x1FFC0]  }
0x37e: {  	v10 =	vshll.u32 v2, $0x3;
	v13 =	vand.u32 $0x7F, v36;
	v14 =	vadd.s32 v53, v14  }
0x37f: {  	v45 =	vmovc v25;
	v22 =	vadd.s32 v50, v7;
	v61 =	vor.u32 v42, v46;
	v16 =	vld [tilespmem:$0x1B0];
	v36 =	vor.u32 v13, v14  }
0x380: {  	v10 =	vand.u32 $0xFFFFFC00, v10;
	[tilespmem:v57+s22+$0x0] =	vst.idx.msk $0xffff, v3;
	v56 =	vor.u32 v55, v36;
	v57 =	vshll.u32 v11, $0x3;
	v9 =	vld.idx.msk [tilespmem:v9+s23+$0x0], $0xffff  }
0x381: {  	v7 =	vadd.s32 v45, v10;
	v58 =	vor.u32 v42, v35;
	v5 =	vld.idx.msk [tilespmem:v5+s23+$0x0], $0xffff;
	v10 =	vand.u32 $0xFFFFFC00, v57  }
0x382: {  	[tilespmem:v63+s22+$0x0] =	vst.idx.msk $0xffff, v12;
	v11 =	vand.u32 $0x7F, v11;
	v41 =	vld [tilespmem:$0x1B0];
	v10 =	vadd.s32 v59, v10;
	v21 =	vor.u32 v19, v34  }
0x383: {  	v4 =	vand.u32 $0x7F, v4;
	v2 =	vand.u32 $0x7F, v2;
	v62 =	vld [tilespmem:$0x1C0];
	v10 =	vor.u32 v11, v10  }
0x384: {  	v2 =	vor.u32 v2, v7;
	v18 =	vshll.u32 v16, $0x3;
	v10 =	vor.u32 v44, v10  }
0x385: {  	v3 =	vor.u32 v4, v22;
	v12 =	vand.u32 $0xFFFFFC00, v18;
	v4 =	vld.idx.msk [tilespmem:v56+s23+$0x0], $0xffff;
	[tilespmem:v61+s22+$0x0] =	vst.idx.msk $0xffff, v9  }
0x386: {  	v63 =	vor.u32 v42, v54;
	v16 =	vand.u32 $0x7F, v16;
	v12 =	vadd.s32 v51, v12;
	[tilespmem:v58+s22+$0x0] =	vst.idx.msk $0xffff, v5;
	v57 =	vld [tilespmem:$0x1C0]  }
0x387: {  	v61 =	vor.u32 v42, v43;
	v22 =	vand.u32 $0x7F, v41;
	v14 =	vld [tilespmem:$0x1C0];
	[tilespmem:v21+s22+$0x0] =	vst.idx.msk $0xffff, v6;
	v21 =	vshll.u32 v41, $0x3  }
0x388: {  	v12 =	vor.u32 v16, v12;
	v56 =	vshll.u32 v62, $0x3;
	v11 =	vld [tilespmem:$0x1D0];
	v15 =	vand.u32 $0xFFFFFC00, v21  }
0x389: {  	v7 =	vand.u32 $0xFFFFFC00, v56;
	v41 =	vor.u32 v47, v12;
	v10 =	vld.idx.msk [tilespmem:v10+s23+$0x0], $0xffff;
	v36 =	vadd.s32 v52, v15  }
0x38a: {  	v6 =	vand.u32 $0x7F, v62;
	v7 =	vadd.s32 v31, v7;
	v5 =	vor.u32 v22, v36  }
0x38b: {  	v6 =	vor.u32 v6, v7;
	v5 =	vor.u32 v48, v5  }
0x38c: {  	v3 =	vor.u32 v27, v3;
	[tilespmem:v63+s22+$0x0] =	vst.idx.msk $0xffff, v4;
	v6 =	vor.u32 v29, v6;
	v36 =	vshll.u32 v57, $0x3  }
0x38d: {  	v63 =	vld [tilespmem:$0x1C0];
	v22 =	vor.u32 v42, v23;
	v12 =	vand.u32 $0x7F, v57;
	v17 =	vand.u32 $0xFFFFFC00, v36  }
0x38e: {  	v21 =	vshll.u32 v14, $0x3;
	v9 =	vld.idx.msk [tilespmem:v41+s23+$0x0], $0xffff;
	v56 =	vadd.s32 v37, v17;
	v58 =	vshll.u32 v11, $0x3;
	[tilespmem:v61+s22+$0x0] =	vst.idx.msk $0xffff, v10  }
0x38f: {  	v41 =	vor.u32 v42, v49;
	v12 =	vor.u32 v12, v56;
	v13 =	vand.u32 $0xFFFFFC00, v58;
	v57 =	vld [tilespmem:$0x1C0]  }
0x390: {  	v12 =	vor.u32 v60, v12;
	v62 =	vadd.s32 v40, v13;
	v13 =	vand.u32 $0xFFFFFC00, v21;
	v5 =	vld.idx.msk [tilespmem:v5+s23+$0x0], $0xffff  }
0x391: {  	v8 =	vor.u32 v19, v33;
	v14 =	vand.u32 $0x7F, v14;
	v13 =	vadd.s32 v38, v13  }
0x392: {  	v11 =	vand.u32 $0x7F, v11;
	v6 =	vld.idx.msk [tilespmem:v6+s23+$0x0], $0xffff;
	v58 =	vshll.u32 v63, $0x3;
	v42 =	vor.u32 v14, v13  }
0x393: {  	v4 =	vor.u32 v11, v62;
	v13 =	vand.u32 $0xFFFFFC00, v58;
	[tilespmem:v22+s22+$0x0] =	vst.idx.msk $0xffff, v9;
	v10 =	vor.u32 v32, v42  }
0x394: {  	v7 =	vand.u32 $0x7F, v63;
	v63 =	vor.u32 v39, v4;
	v61 =	vadd.s32 v53, v13;
	v62 =	vld [tilespmem:$0x1C0]  }
0x395: {  	v24 =	vmov v27;
	v21 =	vor.u32 v7, v61;
	v27 =	vshll.u32 v57, $0x3;
	v42 =	vld.idx.msk [tilespmem:v12+s23+$0x0], $0xffff;
	[tilespmem:v41+s22+$0x0] =	vst.idx.msk $0xffff, v5  }
0x396: {  	v4 =	vor.u32 v55, v21;
	v9 =	vand.u32 $0xFFFFFC00, v27;
	v41 =	vor.u32 v19, v46;
	v5 =	vld [tilespmem:$0x1FE60]  }
0x397: {  	v56 =	vand.u32 $0x7F, v57;
	v9 =	vadd.s32 v59, v9;
	v22 =	vld [tilespmem:$0x1C0]  }
0x398: {  	v36 =	vor.u32 v19, v35;
	[tilespmem:v8+s22+$0x0] =	vst.idx.msk $0xffff, v6;
	v8 =	vor.u32 v56, v9;
	v10 =	vld.idx.msk [tilespmem:v10+s23+$0x0], $0xffff  }
0x399: {  	v0 =	vld.idx.msk [tilespmem:v0+s23+$0x0], $0xffff;
	v8 =	vor.u32 v44, v8  }
0x39a: {  	v12 =	vld [tilespmem:$0x1D0];
	v57 =	vshll.u32 v62, $0x3  }
0x39b: {  	v2 =	vor.u32 v26, v2;
	v58 =	vand.u32 $0xFFFFFC00, v57;
	v4 =	vld.idx.msk [tilespmem:v4+s23+$0x0], $0xffff;
	[tilespmem:v41+s22+$0x0] =	vst.idx.msk $0xffff, v42  }
0x39c: {  	v14 =	vor.u32 v19, v54;
	v11 =	vand.u32 $0x7F, v62;
	v9 =	vadd.s32 v51, v58;
	v41 =	vld [tilespmem:$0x1D0]  }
0x39d: {  	v9 =	vor.u32 v11, v9;
	v42 =	vor.u32 v19, v43;
	v61 =	vshll.u32 v22, $0x3;
	[tilespmem:v36+s22+$0x0] =	vst.idx.msk $0xffff, v10  }
0x39e: {  	v27 =	vor.u32 v47, v9;
	v16 =	vand.u32 $0xFFFFFC00, v61;
	v8 =	vld.idx.msk [tilespmem:v8+s23+$0x0], $0xffff;
	[tilespmem:v5+s22+$0x0] =	vst.idx.msk $0xffff, v0  }
0x39f: {  	v36 =	vshll.u32 v12, $0x3;
	v62 =	vadd.s32 v52, v16;
	v5 =	vand.u32 $0x7F, v22;
	v21 =	vld [tilespmem:$0x1FFD0]  }
0x3a0: {  	v12 =	vand.u32 $0x7F, v12;
	v9 =	vand.u32 $0xFFFFFC00, v36;
	v0 =	vld.idx.msk [tilespmem:v63+s23+$0x0], $0xffff;
	v5 =	vor.u32 v5, v62  }
0x3a1: {  	v63 =	vld [tilespmem:$0x1D0];
	v9 =	vadd.s32 v31, v9;
	v5 =	vor.u32 v48, v5;
	v61 =	vshll.u32 v41, $0x3  }
0x3a2: {  	v58 =	vor.u32 v19, v23;
	v7 =	vld [tilespmem:$0x1F0];
	[tilespmem:v14+s22+$0x0] =	vst.idx.msk $0xffff, v4;
	v9 =	vor.u32 v12, v9;
	v22 =	vand.u32 $0xFFFFFC00, v61  }
0x3a3: {  	v9 =	vor.u32 v29, v9;
	v6 =	vld.idx.msk [tilespmem:v27+s23+$0x0], $0xffff;
	v27 =	vand.u32 $0x7F, v41;
	v36 =	vadd.s32 v37, v22  }
0x3a4: {  	v12 =	vld [tilespmem:$0x1D0];
	[tilespmem:v42+s22+$0x0] =	vst.idx.msk $0xffff, v8;
	v8 =	vor.u32 v27, v36;
	v56 =	vor.u32 v21, v34  }
0x3a5: {  	v2 =	vld.idx.msk [tilespmem:v2+s23+$0x0], $0xffff;
	v8 =	vor.u32 v60, v8  }
0x3a6: {  	v19 =	vor.u32 v19, v49;
	v57 =	vshll.u32 v63, $0x3;
	v5 =	vld.idx.msk [tilespmem:v5+s23+$0x0], $0xffff  }
0x3a7: {  	v41 =	vld [tilespmem:$0x1D0];
	v62 =	vand.u32 $0x7F, v63;
	v14 =	vand.u32 $0xFFFFFC00, v57  }
0x3a8: {  	v13 =	vand.u32 $0x7F, v7;
	v4 =	vshll.u32 v7, $0x3;
	v63 =	vadd.s32 v38, v14;
	v9 =	vld.idx.msk [tilespmem:v9+s23+$0x0], $0xffff;
	[tilespmem:v58+s22+$0x0] =	vst.idx.msk $0xffff, v6  }
0x3a9: {  	v25 =	vmovc v26;
	v57 =	vand.u32 $0x7F, v12;
	v26 =	vor.u32 v62, v63;
	[tilespmem:v56+s22+$0x0] =	vst.idx.msk $0xffff, v0;
	v56 =	vshll.u32 v12, $0x3;
	v12 =	vld [tilespmem:$0x1D0]  }
0x3aa: {  	v7 =	vor.u32 v21, v33;
	v42 =	vor.u32 v32, v26;
	v22 =	vld.idx.msk [tilespmem:v8+s23+$0x0], $0xffff;
	v0 =	vand.u32 $0xFFFFFC00, v56  }
0x3ab: {  	v14 =	vld [tilespmem:$0x1E0];
	[tilespmem:v19+s22+$0x0] =	vst.idx.msk $0xffff, v5;
	v0 =	vadd.s32 v53, v0  }
0x3ac: {  	v4 =	vand.u32 $0xFFFFFC00, v4;
	v19 =	vld [tilespmem:$0x1FFE0];
	v6 =	vor.u32 v57, v0  }
0x3ad: {  	v4 =	vadd.s32 v30, v4;
	v26 =	vmov v23;
	v23 =	vld [tilespmem:$0x1FEC0];
	v58 =	vor.u32 v55, v6  }
0x3ae: {  	v16 =	vor.u32 v21, v46;
	v11 =	vor.u32 v21, v54;
	v4 =	vor.u32 v13, v4;
	v13 =	vld [tilespmem:$0x1D0]  }
0x3af: {  	v62 =	vor.u32 v21, v35;
	v61 =	vshll.u32 v41, $0x3;
	[tilespmem:v7+s22+$0x0] =	vst.idx.msk $0xffff, v9;
	v10 =	vld.idx.msk [tilespmem:v42+s23+$0x0], $0xffff  }
0x3b0: {  	v30 =	vand.u32 $0x7F, v41;
	v56 =	vld [tilespmem:$0x1FEB0];
	v6 =	vand.u32 $0xFFFFFC00, v61;
	v36 =	vshll.u32 v12, $0x3  }
0x3b1: {  	v0 =	vor.u32 v28, v4;
	v9 =	vld [tilespmem:$0x1E0];
	v6 =	vadd.s32 v59, v6;
	v41 =	vand.u32 $0xFFFFFC00, v36  }
0x3b2: {  	v6 =	vor.u32 v30, v6;
	v8 =	vadd.s32 v51, v41;
	v57 =	vld.idx.msk [tilespmem:v58+s23+$0x0], $0xffff;
	v58 =	vand.u32 $0x7F, v12  }
0x3b3: {  	v3 =	vld.idx.msk [tilespmem:v3+s23+$0x0], $0xffff;
	v63 =	vshll.u32 v14, $0x3;
	v6 =	vor.u32 v44, v6;
	v4 =	vor.u32 v58, v8  }
0x3b4: {  	[tilespmem:v16+s22+$0x0] =	vst.idx.msk $0xffff, v22;
	v5 =	vor.u32 v19, v23;
	v42 =	vshll.u32 v13, $0x3;
	v4 =	vor.u32 v47, v4  }
0x3b5: {  	v22 =	vand.u32 $0x7F, v14;
	v28 =	vld [tilespmem:$0x1E0];
	v36 =	vor.u32 v21, v43;
	v61 =	vand.u32 $0xFFFFFC00, v42  }
0x3b6: {  	v63 =	vand.u32 $0xFFFFFC00, v63;
	[tilespmem:v62+s22+$0x0] =	vst.idx.msk $0xffff, v10;
	v62 =	vand.u32 $0x7F, v13;
	v12 =	vadd.s32 v52, v61  }
0x3b7: {  	v27 =	vshll.u32 v9, $0x3;
	v30 =	vadd.s32 v40, v63;
	v15 =	vld [tilespmem:$0x1E0];
	v18 =	vor.u32 v62, v12  }
0x3b8: {  	v58 =	vor.u32 v21, v49;
	[tilespmem:v56+s22+$0x0] =	vst.idx.msk $0xffff, v3;
	v7 =	vor.u32 v48, v18;
	v6 =	vld.idx.msk [tilespmem:v6+s23+$0x0], $0xffff  }
0x3b9: {  	v9 =	vand.u32 $0x7F, v9;
	v56 =	vor.u32 v21, v26;
	[tilespmem:v5+s22+$0x0] =	vst.idx.msk $0xffff, v2;
	v5 =	vand.u32 $0xFFFFFC00, v27;
	v4 =	vld.idx.msk [tilespmem:v4+s23+$0x0], $0xffff  }
0x3ba: {  	v8 =	vand.u32 $0x7F, v28;
	v10 =	vld [tilespmem:$0x1F0];
	v2 =	vor.u32 v22, v30;
	v5 =	vadd.s32 v31, v5;
	[tilespmem:v11+s22+$0x0] =	vst.idx.msk $0xffff, v57  }
0x3bb: {  	v21 =	vor.u32 v19, v34;
	v2 =	vor.u32 v39, v2;
	v5 =	vor.u32 v9, v5;
	v41 =	vld [tilespmem:$0x1E0]  }
0x3bc: {  	v42 =	vshll.u32 v15, $0x3;
	v57 =	vshll.u32 v28, $0x3;
	v5 =	vor.u32 v29, v5  }
0x3bd: {  	v30 =	vor.u32 v19, v33;
	v11 =	vand.u32 $0xFFFFFC00, v42;
	v62 =	vand.u32 $0xFFFFFC00, v57;
	v7 =	vld.idx.msk [tilespmem:v7+s23+$0x0], $0xffff;
	[tilespmem:v36+s22+$0x0] =	vst.idx.msk $0xffff, v6  }
0x3be: {  	v61 =	vand.u32 $0x7F, v15;
	v11 =	vadd.s32 v38, v11;
	v13 =	vadd.s32 v37, v62;
	v63 =	vld [tilespmem:$0x1E0];
	[tilespmem:v56+s22+$0x0] =	vst.idx.msk $0xffff, v4  }
0x3bf: {  	v3 =	vand.u32 $0x7F, v10;
	v6 =	vor.u32 v61, v11;
	v10 =	vshll.u32 v10, $0x3;
	v28 =	vld [tilespmem:$0x1E0]  }
0x3c0: {  	v8 =	vor.u32 v8, v13;
	v2 =	vld.idx.msk [tilespmem:v2+s23+$0x0], $0xffff;
	v6 =	vor.u32 v32, v6;
	v22 =	vshll.u32 v41, $0x3  }
0x3c1: {  	v10 =	vand.u32 $0xFFFFFC00, v10;
	v8 =	vor.u32 v60, v8;
	v5 =	vld.idx.msk [tilespmem:v5+s23+$0x0], $0xffff;
	v4 =	vand.u32 $0xFFFFFC00, v22  }
0x3c2: {  	v10 =	vadd.s32 v50, v10;
	v9 =	vand.u32 $0x7F, v41;
	[tilespmem:v58+s22+$0x0] =	vst.idx.msk $0xffff, v7;
	v4 =	vadd.s32 v53, v4  }
0x3c3: {  	v56 =	vor.u32 v19, v35;
	v41 =	vld [tilespmem:$0x1E0];
	v4 =	vor.u32 v9, v4;
	v36 =	vshll.u32 v63, $0x3  }
0x3c4: {  	v14 =	vld [tilespmem:$0x1F0];
	v11 =	vand.u32 $0x7F, v63;
	v50 =	vand.u32 $0xFFFFFC00, v36;
	v58 =	vshll.u32 v28, $0x3  }
0x3c5: {  	v6 =	vld.idx.msk [tilespmem:v6+s23+$0x0], $0xffff;
	v42 =	vor.u32 v55, v4;
	v4 =	vadd.s32 v59, v50;
	v62 =	vand.u32 $0xFFFFFC00, v58  }
0x3c6: {  	[tilespmem:v30+s22+$0x0] =	vst.idx.msk $0xffff, v5;
	v4 =	vor.u32 v11, v4;
	v7 =	vand.u32 $0x7F, v28;
	v5 =	vadd.s32 v51, v62  }
0x3c7: {  	[tilespmem:v21+s22+$0x0] =	vst.idx.msk $0xffff, v2;
	v8 =	vld.idx.msk [tilespmem:v8+s23+$0x0], $0xffff;
	v4 =	vor.u32 v44, v4;
	v5 =	vor.u32 v7, v5  }
0x3c8: {  	v57 =	vor.u32 v19, v46;
	v61 =	vld [tilespmem:$0x1F0];
	v18 =	vshll.u32 v41, $0x3;
	v5 =	vor.u32 v47, v5  }
0x3c9: {  	v27 =	vshll.u32 v14, $0x3;
	v21 =	vor.u32 v19, v54;
	v63 =	vld [tilespmem:$0x1F0];
	v15 =	vand.u32 $0xFFFFFC00, v18  }
0x3ca: {  	v12 =	vand.u32 $0xFFFFFC00, v27;
	v22 =	vand.u32 $0x7F, v41;
	[tilespmem:v56+s22+$0x0] =	vst.idx.msk $0xffff, v6;
	v2 =	vld.idx.msk [tilespmem:v42+s23+$0x0], $0xffff;
	v27 =	vadd.s32 v52, v15  }
0x3cb: {  	v14 =	vand.u32 $0x7F, v14;
	v3 =	vor.u32 v3, v10;
	v28 =	vld [tilespmem:$0x1F0];
	v6 =	vor.u32 v22, v27  }
0x3cc: {  	v12 =	vadd.s32 v45, v12;
	v36 =	vor.u32 v19, v43;
	v6 =	vor.u32 v48, v6;
	v4 =	vld.idx.msk [tilespmem:v4+s23+$0x0], $0xffff  }
0x3cd: {  	v12 =	vor.u32 v14, v12;
	[tilespmem:v57+s22+$0x0] =	vst.idx.msk $0xffff, v8;
	v57 =	vor.u32 v19, v26;
	v5 =	vld.idx.msk [tilespmem:v5+s23+$0x0], $0xffff  }
0x3ce: {  	v3 =	vor.u32 v24, v3;
	v58 =	vor.u32 v25, v12;
	v30 =	vshll.u32 v61, $0x3;
	v41 =	vld [tilespmem:$0x1F0]  }
0x3cf: {  	v42 =	vand.u32 $0x7F, v61;
	v9 =	vand.u32 $0xFFFFFC00, v30;
	v50 =	vshll.u32 v63, $0x3;
	[tilespmem:v21+s22+$0x0] =	vst.idx.msk $0xffff, v2  }
0x3d0: {  	v45 =	vadd.s32 v40, v9;
	v11 =	vand.u32 $0x7F, v63;
	v56 =	vand.u32 $0xFFFFFC00, v50;
	v61 =	vld [tilespmem:$0x1F0]  }
0x3d1: {  	v63 =	vor.u32 v19, v49;
	v7 =	vadd.s32 v31, v56;
	v6 =	vld.idx.msk [tilespmem:v6+s23+$0x0], $0xffff;
	[tilespmem:v36+s22+$0x0] =	vst.idx.msk $0xffff, v4  }
0x3d2: {  	v2 =	vor.u32 v42, v45;
	v62 =	vshll.u32 v28, $0x3;
	v7 =	vor.u32 v11, v7;
	v22 =	vld [tilespmem:$0x1F0];
	[tilespmem:v57+s22+$0x0] =	vst.idx.msk $0xffff, v5  }
0x3d3: {  	v21 =	vshll.u32 v41, $0x3;
	v19 =	vand.u32 $0xFFFFFC00, v62;
	v7 =	vor.u32 v29, v7;
	v29 =	vld [tilespmem:$0x1FFF0]  }
0x3d4: {  	v8 =	vand.u32 $0x7F, v28;
	v13 =	vand.u32 $0xFFFFFC00, v21;
	v11 =	vadd.s32 v38, v19  }
0x3d5: {  	v1 =	vld.idx.msk [tilespmem:v1+s23+$0x0], $0xffff;
	v27 =	vand.u32 $0x7F, v41;
	v25 =	vadd.s32 v37, v13;
	v24 =	vor.u32 v8, v11  }
0x3d6: {  	v8 =	vor.u32 v27, v25;
	v31 =	vshll.u32 v61, $0x3;
	v12 =	vand.u32 $0x7F, v61;
	v28 =	vld [tilespmem:$0x1F0];
	[tilespmem:v63+s22+$0x0] =	vst.idx.msk $0xffff, v6  }
0x3d7: {  	v5 =	vor.u32 v32, v24;
	v32 =	vor.u32 v60, v8;
	v36 =	vshll.u32 v22, $0x3;
	v40 =	vld [tilespmem:$0x1FEA0]  }
0x3d8: {  	v4 =	vand.u32 $0xFFFFFC00, v31;
	v37 =	vld [tilespmem:$0x1F0];
	v8 =	vand.u32 $0xFFFFFC00, v36;
	v30 =	vor.u32 v29, v20  }
0x3d9: {  	v4 =	vadd.s32 v53, v4;
	v38 =	vand.u32 $0x7F, v22;
	v8 =	vadd.s32 v59, v8  }
0x3da: {  	v50 =	vld.idx.msk [tilespmem:v58+s23+$0x0], $0xffff;
	v2 =	vor.u32 v39, v2;
	v4 =	vor.u32 v12, v4;
	v8 =	vor.u32 v38, v8  }
0x3db: {  	v41 =	vld.idx.msk [tilespmem:v3+s23+$0x0], $0xffff;
	v4 =	vor.u32 v55, v4;
	v39 =	vshll.u32 v28, $0x3;
	v8 =	vor.u32 v44, v8  }
0x3dc: {  	v7 =	vld.idx.msk [tilespmem:v7+s23+$0x0], $0xffff;
	v42 =	vand.u32 $0x7F, v28;
	v53 =	vor.u32 v29, v33;
	v14 =	vor.u32 v29, v40  }
0x3dd: {  	v5 =	vld.idx.msk [tilespmem:v5+s23+$0x0], $0xffff;
	v57 =	vor.u32 v29, v35;
	v12 =	vand.u32 $0xFFFFFC00, v39;
	v45 =	vshll.u32 v37, $0x3;
	[tilespmem:v30+s22+$0x0] =	vst.idx.msk $0xffff, v1  }
0x3de: {  	v59 =	vor.u32 v29, v46;
	v44 =	vadd.s32 v51, v12;
	v11 =	vand.u32 $0xFFFFFC00, v45;
	v55 =	vld [tilespmem:$0x1FE50]  }
0x3df: {  	v58 =	vld.idx.msk [tilespmem:v32+s23+$0x0], $0xffff;
	v13 =	vand.u32 $0x7F, v37;
	v3 =	vor.u32 v42, v44;
	v11 =	vadd.s32 v52, v11  }
0x3e0: {  	v51 =	vor.u32 v29, v23;
	v11 =	vor.u32 v13, v11;
	v3 =	vor.u32 v47, v3  }
0x3e1: {  	v0 =	vld.idx.msk [tilespmem:v0+s23+$0x0], $0xffff;
	v56 =	vor.u32 v48, v11;
	[tilespmem:v14+s22+$0x0] =	vst.idx.msk $0xffff, v41  }
0x3e2: {  	v60 =	vor.u32 v29, v54;
	v4 =	vld.idx.msk [tilespmem:v4+s23+$0x0], $0xffff;
	[tilespmem:v53+s22+$0x0] =	vst.idx.msk $0xffff, v7  }
0x3e3: {  	v2 =	vld.idx.msk [tilespmem:v2+s23+$0x0], $0xffff;
	v52 =	vor.u32 v29, v34;
	[tilespmem:v57+s22+$0x0] =	vst.idx.msk $0xffff, v5  }
0x3e4: {  	v61 =	vor.u32 v29, v43;
	v8 =	vld.idx.msk [tilespmem:v8+s23+$0x0], $0xffff;
	[tilespmem:v59+s22+$0x0] =	vst.idx.msk $0xffff, v58  }
0x3e5: {  	v62 =	vor.u32 v29, v26;
	[tilespmem:v51+s22+$0x0] =	vst.idx.msk $0xffff, v50;
	v3 =	vld.idx.msk [tilespmem:v3+s23+$0x0], $0xffff  }
0x3e6: {  	v63 =	vor.u32 v29, v49;
	[tilespmem:v55+s22+$0x0] =	vst.idx.msk $0xffff, v0;
	v0 =	vld.idx.msk [tilespmem:v56+s23+$0x0], $0xffff  }
0x3e7: {  	[tilespmem:v60+s22+$0x0] =	vst.idx.msk $0xffff, v4  }
0x3e8: {  	[tilespmem:v52+s22+$0x0] =	vst.idx.msk $0xffff, v2  }
0x3e9: {  	s24 =	sadd.s32 $0x1, s24;
	[tilespmem:v61+s22+$0x0] =	vst.idx.msk $0xffff, v8  }
0x3ea: {  	p0 =	sne.s32 s24, s12;
	[tilespmem:v62+s22+$0x0] =	vst.idx.msk $0xffff, v3  }
.Ltmp1:
0x3eb: {  	[tilespmem:v63+s22+$0x0] =	vst.idx.msk $0xffff, v0;
	(pc) =	sbr.rel @p0 .LBB2_1-.Ltmp1, $4  }
0x3ec: {  	[hbm4b:s11+s4] =	stream.linear.scatter [tilespmem:s22], [sflag:$0x3], $0x4000, $0x38;
	[tilespmem:$0x18200] =	vst v63  }
0x3ed: {  	_ =	swait.ge [sflag:s13], $0x4000  }
0x3ee: {  	[sflag:s13] =	ssyncset.done $0x0  }
0x3ef: {  	[sflag:s13] =	ssyncadd.s32 $0xFFFFC000  }
0x3f0: {  	_ =	sfence.sel $0x180000  }
0x3f1: {  	[bflag:$0x0] =	sbarrier.arrive $0xFFFF  }
0x3f2: {  	_ =	strace $0x90000047  }
0x3f3: {  	s0 =	stileid.u32;
	[bflag:$0x2] =	sbarrier.arrive $0xFFFF  }
0x3f4: {  	p0 =	sne.s32 s0, $0x0;
	s0 =	rddreg [dreg:$0x5]  }
0x3f5: {  	s0 =	sadd.s32 @!p0 $0x100000, s0  }
0x3f6: {  	[sflag:s0] =	ssyncadd.tile.s32 @!p0 $0x1;
	_ =	shalt  }
.Lfunc_end2:
_tile_overlayer_lowered:
.L_overlay_start_2:
0x3f7: {  	(tag) =	ssettag $0x2  }
0x3f8: {  	s0 =	rddreg [dreg:$0x0];
	s2 =	stileid.u32  }
0x3f9: {  	s1 =	rddreg [dreg:$0x1];
	p0 =	sne.s32 s2, $0x0  }
0x3fa: {  	s3 =	rddreg [dreg:$0x2];
	[bflag:$0x3] =	sbarrier.arrive $0xFFFF;
	s2 =	simm.s32 @!p0 $0x1C03  }
0x3fb: {  	[timem:s3], [sflag:s2] =	dma.local @!p0 [hbm:s0], s1  }
0x3fc: {  	s0 =	simm.s32 @!p0 $0x3  }
0x3fd: {  	_ =	swait.ge @!p0 [sflag:s0], s1  }
0x3fe: {  	s1 =	ssub.s32 @!p0 $0x0, s1;
	[sflag:s0] =	ssyncset.done @!p0 $0x0  }
0x3ff: {  	[sflag:s0] =	ssyncadd.s32 @!p0 s1  }
0x400: {  	[bflag:$0x3] =	sbarrier.arrive $0xFFFF  }
0x401: {  	_ =	shalt  }

</sc_bundles>
